<compile_context>
chip_gen: v7x
topology: tpu7x:2x2x1
jax: 0.10.2.dev20260603
libtpu: 0.0.44.dev20260713+nightly
codegen_flags: <defaults>
</compile_context>

<pallas_src>
import functools

import jax
import jax.numpy as jnp
from jax import lax
from jax.experimental import pallas as pl
from jax.experimental.pallas import tpu as pltpu
from jax.experimental.pallas import tpu_sc as plsc

N = 10000
E = 320000
F = 128
H = 32
L = 16

NCORES = 2
NSUB = 16
NW = NCORES * NSUB
CHUNK = 128
NCH = 80
EPAD = NW * NCH * CHUNK
NPAD = 10112
RPS = NPAD // NSUB
DEGW = 16


def _sc_spmm(g, src3, dst3, zeros):
    mesh = plsc.VectorSubcoreMesh(core_axis_name="c", subcore_axis_name="s")

    @functools.partial(
        pl.kernel,
        out_type=jax.ShapeDtypeStruct((NCORES, NPAD, H), jnp.float32),
        mesh=mesh,
        scratch_types=[
            pltpu.VMEM_SHARED((NPAD, H), jnp.float32),
            pltpu.VMEM((NCH, CHUNK), jnp.int32),
            pltpu.VMEM((NCH, CHUNK), jnp.int32),
            pltpu.VMEM((CHUNK, H), jnp.bfloat16),
            pltpu.VMEM((CHUNK, H), jnp.bfloat16),
            pltpu.VMEM((CHUNK, H), jnp.float32),
            pltpu.VMEM((CHUNK, H), jnp.float32),
            pltpu.SemaphoreType.DMA,
            pltpu.SemaphoreType.DMA,
        ],
        compiler_params=pltpu.CompilerParams(
            use_tc_tiling_on_sc=False, needs_layout_passes=False),
    )
    def run(g_hbm, src_hbm, dst_hbm, zeros_hbm, out_hbm, acc, src_v, dst_v,
            hbuf_a, hbuf_b, fbuf_a, fbuf_b, sem_a, sem_b):
        cid = lax.axis_index("c")
        sid = lax.axis_index("s")
        wid = cid * NSUB + sid
        rows = pl.ds(sid * RPS, RPS)
        pltpu.sync_copy(zeros_hbm.at[rows], acc.at[rows])
        pltpu.sync_copy(src_hbm.at[wid], src_v)
        pltpu.sync_copy(dst_hbm.at[wid], dst_v)
        plsc.subcore_barrier()

        def widen(hbuf, fbuf):
            @pl.loop(0, CHUNK, unroll=8)
            def _(r):
                xi = plsc.bitcast(hbuf[r], jnp.int32)
                lo = plsc.bitcast(xi << 16, jnp.float32)
                hi = plsc.bitcast(xi & jnp.int32(-65536), jnp.float32)
                fbuf[r, 0:16] = lo
                fbuf[r, 16:32] = hi

        pltpu.async_copy(g_hbm.at[src_v.at[0]], hbuf_a, sem_a)
        pltpu.async_copy(g_hbm.at[src_v.at[1]], hbuf_b, sem_b)

        @pl.loop(0, NCH // 2)
        def _(j2):
            j = 2 * j2
            pltpu.make_async_copy(g_hbm.at[src_v.at[j]], hbuf_a, sem_a).wait()
            widen(hbuf_a, fbuf_a)
            pltpu.sync_copy(fbuf_a, acc.at[dst_v.at[j]], add=True)

            @pl.when(j2 < NCH // 2 - 1)
            def _():
                pltpu.async_copy(g_hbm.at[src_v.at[j + 2]], hbuf_a, sem_a)

            pltpu.make_async_copy(g_hbm.at[src_v.at[j + 1]], hbuf_b, sem_b).wait()
            widen(hbuf_b, fbuf_b)
            pltpu.sync_copy(fbuf_b, acc.at[dst_v.at[j + 1]], add=True)

            @pl.when(j2 < NCH // 2 - 1)
            def _():
                pltpu.async_copy(g_hbm.at[src_v.at[j + 3]], hbuf_b, sem_b)

        plsc.subcore_barrier()
        pltpu.sync_copy(acc.at[rows], out_hbm.at[cid, rows])

    return run(g, src3, dst3, zeros)


def _sc_degrees(src3, dst3, zeros, ones):
    mesh = plsc.VectorSubcoreMesh(core_axis_name="c", subcore_axis_name="s")

    @functools.partial(
        pl.kernel,
        out_type=(
            jax.ShapeDtypeStruct((NCORES, NPAD, DEGW), jnp.float32),
            jax.ShapeDtypeStruct((NCORES, NPAD, DEGW), jnp.float32),
        ),
        mesh=mesh,
        scratch_types=[
            pltpu.VMEM_SHARED((NPAD, DEGW), jnp.float32),
            pltpu.VMEM_SHARED((NPAD, DEGW), jnp.float32),
            pltpu.VMEM((NCH, CHUNK), jnp.int32),
            pltpu.VMEM((NCH, CHUNK), jnp.int32),
            pltpu.VMEM((CHUNK, DEGW), jnp.float32),
        ],
        compiler_params=pltpu.CompilerParams(use_tc_tiling_on_sc=False),
    )
    def run(src_hbm, dst_hbm, zeros_hbm, ones_hbm, outs_hbm, outd_hbm,
            acc_s, acc_d, src_v, dst_v, ones_v):
        cid = lax.axis_index("c")
        sid = lax.axis_index("s")
        wid = cid * NSUB + sid
        rows = pl.ds(sid * RPS, RPS)
        pltpu.sync_copy(zeros_hbm.at[rows], acc_s.at[rows])
        pltpu.sync_copy(zeros_hbm.at[rows], acc_d.at[rows])
        pltpu.sync_copy(src_hbm.at[wid], src_v)
        pltpu.sync_copy(dst_hbm.at[wid], dst_v)
        pltpu.sync_copy(ones_hbm, ones_v)
        plsc.subcore_barrier()

        @pl.loop(0, NCH)
        def _(j):
            pltpu.sync_copy(ones_v, acc_s.at[src_v.at[j]], add=True)
            pltpu.sync_copy(ones_v, acc_d.at[dst_v.at[j]], add=True)

        plsc.subcore_barrier()
        pltpu.sync_copy(acc_s.at[rows], outs_hbm.at[cid, rows])
        pltpu.sync_copy(acc_d.at[rows], outd_hbm.at[cid, rows])

    return run(src3, dst3, zeros, ones)


def _tc_pre(dsrc, ddst, x, w_gcn1, w_feat, w_rec):
    def body(dsrc_ref, ddst_ref, x_ref, w1_ref, wf_ref, wr_ref,
             g1_ref, hf_ref, fr_ref, dout_ref, din_ref):
        deg_o = dsrc_ref[0][:, 0:1] + dsrc_ref[1][:, 0:1]
        deg_i = ddst_ref[0][:, 0:1] + ddst_ref[1][:, 0:1]
        dinv_o = lax.rsqrt(jnp.maximum(deg_o, 1.0))
        dinv_i = lax.rsqrt(jnp.maximum(deg_i, 1.0))
        xv = x_ref[...]
        xw1 = jnp.dot(xv, w1_ref[...], preferred_element_type=jnp.float32)
        g1_ref[...] = (xw1 * dinv_o).astype(jnp.bfloat16)
        hf = jnp.maximum(jnp.dot(xv, wf_ref[...], preferred_element_type=jnp.float32), 0.0)
        hf_ref[...] = hf
        fr_ref[...] = jnp.maximum(jnp.dot(hf, wr_ref[...], preferred_element_type=jnp.float32), 0.0)
        dout_ref[...] = dinv_o
        din_ref[...] = dinv_i

    return pl.pallas_call(
        body,
        out_shape=[
            jax.ShapeDtypeStruct((NPAD, H), jnp.bfloat16),
            jax.ShapeDtypeStruct((NPAD, H), jnp.float32),
            jax.ShapeDtypeStruct((NPAD, F), jnp.float32),
            jax.ShapeDtypeStruct((NPAD, 1), jnp.float32),
            jax.ShapeDtypeStruct((NPAD, 1), jnp.float32),
        ],
        compiler_params=pltpu.CompilerParams(vmem_limit_bytes=64 * 1024 * 1024),
    )(dsrc, ddst, x, w_gcn1, w_feat, w_rec)


def _tc_mid(s, hf, din, dout, w, a, b):
    def body(s_ref, hf_ref, din_ref, dout_ref, w_ref, a_ref, b_ref, g_ref):
        hg = jnp.maximum((s_ref[0] + s_ref[1]) * din_ref[...], 0.0)
        h = a_ref[0, 0] * hg + b_ref[0, 0] * hf_ref[...]
        g = jnp.dot(h, w_ref[...], preferred_element_type=jnp.float32) * dout_ref[...]
        g_ref[...] = g.astype(jnp.bfloat16)

    return pl.pallas_call(
        body,
        out_shape=jax.ShapeDtypeStruct((NPAD, H), jnp.bfloat16),
    )(s, hf, din, dout, w, a, b)


def _tc_z(s3, din, eps):
    def body(s_ref, din_ref, eps_ref, z_ref, zm_ref, zl_ref):
        zz = (s_ref[0] + s_ref[1]) * din_ref[...]
        zm = zz[:, 0:L]
        zl = zz[:, L:H]
        z_ref[...] = (zm + eps_ref[...] * jnp.exp(zl)).astype(jnp.bfloat16)
        zm_ref[...] = zm
        zl_ref[...] = zl

    return pl.pallas_call(
        body,
        out_shape=[
            jax.ShapeDtypeStruct((NPAD, L), jnp.bfloat16),
            jax.ShapeDtypeStruct((NPAD, L), jnp.float32),
            jax.ShapeDtypeStruct((NPAD, L), jnp.float32),
        ],
    )(s3, din, eps)


def _tc_recon(z):
    BI = 1024
    BJ = 1024

    def body(a_ref, b_ref, o_ref):
        o_ref[...] = lax.dot_general(
            a_ref[...], b_ref[...],
            (((1,), (1,)), ((), ())),
            preferred_element_type=jnp.float32,
        )

    return pl.pallas_call(
        body,
        grid=(10, 10),
        in_specs=[
            pl.BlockSpec((BI, L), lambda i, j: (i, 0)),
            pl.BlockSpec((BJ, L), lambda i, j: (j, 0)),
        ],
        out_specs=pl.BlockSpec((BI, BJ), lambda i, j: (i, j)),
        out_shape=jax.ShapeDtypeStruct((N, N), jnp.float32),
    )(z, z)


def kernel(x, edge_index, eps, W_gcn1, W_feat, W_rec, W_hid, W_mean, W_logstd,
           alpha1, beta1, alpha2, beta2):
    f32 = jnp.float32
    src = edge_index[0]
    dst = edge_index[1]
    pad = jnp.full((EPAD - E,), N, jnp.int32)
    src3 = jnp.concatenate([src, pad]).reshape(NW, NCH, CHUNK)
    dst3 = jnp.concatenate([dst, pad]).reshape(NW, NCH, CHUNK)
    xp = jnp.pad(x, ((0, NPAD - N), (0, 0)))
    epsp = jnp.pad(eps, ((0, NPAD - N), (0, 0)))
    zeros_h = jnp.zeros((NPAD, H), f32)
    zeros_d = jnp.zeros((NPAD, DEGW), f32)
    ones_d = jnp.ones((CHUNK, DEGW), f32)
    w_ml = jnp.concatenate([W_mean, W_logstd], axis=1)
    iv = jnp.array([j // 2 + 16 * (j % 2) for j in range(H)], jnp.int32)
    w_gcn1p = W_gcn1[:, iv]
    w_hidp = W_hid[:, iv]
    w_mlp = w_ml[:, iv]
    a1 = alpha1.reshape(1, 1)
    b1 = beta1.reshape(1, 1)
    a2 = alpha2.reshape(1, 1)
    b2 = beta2.reshape(1, 1)

    dsrc, ddst = _sc_degrees(src3, dst3, zeros_d, ones_d)
    g1, hf, fr, dout, din = _tc_pre(dsrc, ddst, xp, w_gcn1p, W_feat, W_rec)
    s1 = _sc_spmm(g1, src3, dst3, zeros_h)
    g2 = _tc_mid(s1, hf, din, dout, w_hidp, a1, b1)
    s2 = _sc_spmm(g2, src3, dst3, zeros_h)
    g3 = _tc_mid(s2, hf, din, dout, w_mlp, a2, b2)
    s3 = _sc_spmm(g3, src3, dst3, zeros_h)
    z, zm, zl = _tc_z(s3, din, epsp)
    recon = _tc_recon(z)
    return (recon.reshape(-1), zm[:N], zl[:N], fr[:N])

# --- scband reference (transcript-rebuilt; emitter-appended) ---
"""Pipeline reference for scband-dvgae-alpha-beta-feature-42855183679824 (READ-ONLY COPY).

The authoritative reference and input builder live on the scoring server;
editing this copy changes nothing except your own understanding.
"""

import jax, jax.numpy as jnp
import numpy as np

N = 10000
E = 320000
F = 128
H = 32
L = 16

def _spmm(edge_index, h):
    src = edge_index[0]
    dst = edge_index[1]
    deg_out = jnp.maximum(jnp.bincount(src, length=N), 1).astype(h.dtype)
    deg_in = jnp.maximum(jnp.bincount(dst, length=N), 1).astype(h.dtype)
    norm = jax.lax.rsqrt(deg_out[src] * deg_in[dst])
    msgs = h[src] * norm[:, None]
    return jax.ops.segment_sum(msgs, dst, num_segments=N)

def setup_inputs(seed: int = 0):
    key = jax.random.key(seed)
    ks = jax.random.split(key, 16)
    x = jax.random.normal(ks[0], (N, F), jnp.float32)
    edge_index = jax.random.randint(ks[1], (2, E), 0, N, jnp.int32)
    eps = jax.random.normal(ks[2], (N, L), jnp.float32)
    W_gcn1 = jax.random.normal(ks[3], (F, H), jnp.float32) * 0.1
    W_feat = jax.random.normal(ks[4], (F, H), jnp.float32) * 0.1
    W_rec = jax.random.normal(ks[5], (H, F), jnp.float32) * 0.1
    W_hid = jax.random.normal(ks[6], (H, H), jnp.float32) * 0.1
    W_mean = jax.random.normal(ks[7], (H, L), jnp.float32) * 0.1
    W_logstd = jax.random.normal(ks[8], (H, L), jnp.float32) * 0.1
    alpha1 = jnp.ones((), jnp.float32)
    beta1 = jnp.ones((), jnp.float32)
    alpha2 = jnp.ones((), jnp.float32)
    beta2 = jnp.ones((), jnp.float32)
    return {"x": x, "edge_index": edge_index, "eps": eps, "W_gcn1": W_gcn1, "W_feat": W_feat, "W_rec": W_rec, "W_hid": W_hid, "W_mean": W_mean, "W_logstd": W_logstd, "alpha1": alpha1, "beta1": beta1, "alpha2": alpha2, "beta2": beta2}

def reference(x, edge_index, eps, W_gcn1, W_feat, W_rec, W_hid, W_mean, W_logstd, alpha1, beta1, alpha2, beta2):
    # GraphConvolutionSparse: adj @ (x W), relu
    h_gcn = jax.nn.relu(_spmm(edge_index, x @ W_gcn1))
    # TraditionalLayer_SparseInput: relu(x W) (no propagation)
    h_feat = jax.nn.relu(x @ W_feat)
    # TraditionalLayer: feature reconstruction
    feat_rec = jax.nn.relu(h_feat @ W_rec)
    # CoordinateOutput: learned alpha/beta combination
    h = alpha1 * h_gcn + beta1 * h_feat
    # layers_no - 1 = 1 extra GraphConvolution_Reg + CoordinateOutput
    h2 = jax.nn.relu(_spmm(edge_index, h @ W_hid))
    h = alpha2 * h2 + beta2 * h_feat
    # z_mean / z_log_std heads (identity act)
    z_mean = _spmm(edge_index, h @ W_mean)
    z_log_std = _spmm(edge_index, h @ W_logstd)
    # reparameterization with externally supplied noise eps
    z = z_mean + eps * jnp.exp(z_log_std)
    # InnerProductDecoder: flatten(z z^T), identity act
    recon = (z @ z.T).reshape(-1)
    return (recon, z_mean, z_log_std, feat_rec)

if __name__ == "__main__":
    import jax
    _d = setup_inputs()
    print(jax.jit(kernel)(*tuple(_d.values())))

</pallas_src>

<mosaic_0001>
#map = affine_map<(d0, d1) -> (0, 0, 0)>
#map1 = affine_map<(d0, d1) -> (0, 0)>
module attributes {stable_mosaic.version = 14 : i64} {
  func.func @run(%arg0: i32, %arg1: i32, %arg2: memref<32x80x128xi32, #tpu.memory_space<hbm>>, %arg3: memref<32x80x128xi32, #tpu.memory_space<hbm>>, %arg4: memref<10112x16xf32, #tpu.memory_space<hbm>>, %arg5: memref<128x16xf32, #tpu.memory_space<hbm>>, %arg6: memref<2x10112x16xf32, #tpu.memory_space<hbm>>, %arg7: memref<2x10112x16xf32, #tpu.memory_space<hbm>>, %arg8: memref<10112x16xf32, #tpu.memory_space<vmem_shared>>, %arg9: memref<10112x16xf32, #tpu.memory_space<vmem_shared>>, %arg10: memref<80x128xi32, #tpu.memory_space<vmem>>, %arg11: memref<80x128xi32, #tpu.memory_space<vmem>>, %arg12: memref<128x16xf32, #tpu.memory_space<vmem>>) attributes {dimension_semantics = [#tpu.dimension_semantics<core_parallel>, #tpu.dimension_semantics<subcore_parallel>], iteration_bounds = array<i64: 2, 16>, scalar_prefetch = 0 : i64, scratch_operands = 5 : i64, tpu.core_type = #tpu.core_type<sc_vector_subcore>, window_params = [{transform_indices = #map}, {transform_indices = #map}, {transform_indices = #map1}, {transform_indices = #map1}, {transform_indices = #map}, {transform_indices = #map}]} {
    %mul3A = arith.constant 16 : i32
    %mul3A_0 = arith.muli %arg0, %mul3A : i32
    %add3A = arith.addi %mul3A_0, %arg1 : i32
    %mul3A_1 = arith.constant 632 : i32
    %mul3A_2 = arith.muli %arg1, %mul3A_1 : i32
    "tpu.region"() ({
      %run_scoped3A = tpu.sem_alloc : memref<!tpu.dma_semaphore, #tpu.memory_space<semaphore_mem>>
      %dma_start3A = arith.constant 0 : i32
      %dma_start3A_8 = tpu.memref_slice %arg8[%mul3A_2, %dma_start3A] : memref<10112x16xf32, #tpu.memory_space<vmem_shared>> -> memref<632x16xf32, #tpu.memory_space<vmem_shared>>
      %dma_start3A_9 = arith.constant 0 : i32
      %dma_start3A_10 = tpu.memref_slice %arg4[%mul3A_2, %dma_start3A_9] : memref<10112x16xf32, #tpu.memory_space<hbm>> -> memref<632x16xf32, #tpu.memory_space<hbm>>
      tpu.enqueue_dma source(%dma_start3A_10 : memref<632x16xf32, #tpu.memory_space<hbm>>) target(%dma_start3A_8 : memref<632x16xf32, #tpu.memory_space<vmem_shared>>) target_semaphore(%run_scoped3A : memref<!tpu.dma_semaphore, #tpu.memory_space<semaphore_mem>>)
      %dma_wait3A = arith.constant 0 : i32
      %dma_wait3A_11 = tpu.memref_slice %arg8[%mul3A_2, %dma_wait3A] : memref<10112x16xf32, #tpu.memory_space<vmem_shared>> -> memref<632x16xf32, #tpu.memory_space<vmem_shared>>
      %dma_wait3A_12 = arith.constant 0 : i32
      %dma_wait3A_13 = tpu.memref_slice %arg4[%mul3A_2, %dma_wait3A_12] : memref<10112x16xf32, #tpu.memory_space<hbm>> -> memref<632x16xf32, #tpu.memory_space<hbm>>
      tpu.wait_dma2 semaphore(%run_scoped3A : memref<!tpu.dma_semaphore, #tpu.memory_space<semaphore_mem>>) src(%dma_wait3A_13 : memref<632x16xf32, #tpu.memory_space<hbm>>) dst(%dma_wait3A_11 : memref<632x16xf32, #tpu.memory_space<vmem_shared>>)
      tpu.yield
    }) : () -> ()
    "tpu.region"() ({
      %run_scoped3A = tpu.sem_alloc : memref<!tpu.dma_semaphore, #tpu.memory_space<semaphore_mem>>
      %dma_start3A = arith.constant 0 : i32
      %dma_start3A_8 = tpu.memref_slice %arg9[%mul3A_2, %dma_start3A] : memref<10112x16xf32, #tpu.memory_space<vmem_shared>> -> memref<632x16xf32, #tpu.memory_space<vmem_shared>>
      %dma_start3A_9 = arith.constant 0 : i32
      %dma_start3A_10 = tpu.memref_slice %arg4[%mul3A_2, %dma_start3A_9] : memref<10112x16xf32, #tpu.memory_space<hbm>> -> memref<632x16xf32, #tpu.memory_space<hbm>>
      tpu.enqueue_dma source(%dma_start3A_10 : memref<632x16xf32, #tpu.memory_space<hbm>>) target(%dma_start3A_8 : memref<632x16xf32, #tpu.memory_space<vmem_shared>>) target_semaphore(%run_scoped3A : memref<!tpu.dma_semaphore, #tpu.memory_space<semaphore_mem>>)
      %dma_wait3A = arith.constant 0 : i32
      %dma_wait3A_11 = tpu.memref_slice %arg9[%mul3A_2, %dma_wait3A] : memref<10112x16xf32, #tpu.memory_space<vmem_shared>> -> memref<632x16xf32, #tpu.memory_space<vmem_shared>>
      %dma_wait3A_12 = arith.constant 0 : i32
      %dma_wait3A_13 = tpu.memref_slice %arg4[%mul3A_2, %dma_wait3A_12] : memref<10112x16xf32, #tpu.memory_space<hbm>> -> memref<632x16xf32, #tpu.memory_space<hbm>>
      tpu.wait_dma2 semaphore(%run_scoped3A : memref<!tpu.dma_semaphore, #tpu.memory_space<semaphore_mem>>) src(%dma_wait3A_13 : memref<632x16xf32, #tpu.memory_space<hbm>>) dst(%dma_wait3A_11 : memref<632x16xf32, #tpu.memory_space<vmem_shared>>)
      tpu.yield
    }) : () -> ()
    "tpu.region"() ({
      %run_scoped3A = tpu.sem_alloc : memref<!tpu.dma_semaphore, #tpu.memory_space<semaphore_mem>>
      %dma_start3A = arith.constant 0 : i32
      %dma_start3A_8 = arith.constant 0 : i32
      %dma_start3A_9 = tpu.memref_slice %arg2[%add3A, %dma_start3A, %dma_start3A_8] : memref<32x80x128xi32, #tpu.memory_space<hbm>> -> memref<1x80x128xi32, #tpu.memory_space<hbm>>
      %dma_start3A_10 = tpu.memref_squeeze %dma_start3A_9 : memref<1x80x128xi32, #tpu.memory_space<hbm>> -> memref<80x128xi32, #tpu.memory_space<hbm>>
      %dma_start3A_11 = arith.constant 0 : i32
      %dma_start3A_12 = arith.constant 0 : i32
      %dma_start3A_13 = tpu.memref_slice %arg2[%add3A, %dma_start3A_11, %dma_start3A_12] : memref<32x80x128xi32, #tpu.memory_space<hbm>> -> memref<1x80x128xi32, #tpu.memory_space<hbm>>
      %dma_start3A_14 = tpu.memref_squeeze %dma_start3A_13 : memref<1x80x128xi32, #tpu.memory_space<hbm>> -> memref<80x128xi32, #tpu.memory_space<hbm>>
      tpu.enqueue_dma source(%dma_start3A_14 : memref<80x128xi32, #tpu.memory_space<hbm>>) target(%arg10 : memref<80x128xi32, #tpu.memory_space<vmem>>) target_semaphore(%run_scoped3A : memref<!tpu.dma_semaphore, #tpu.memory_space<semaphore_mem>>)
      %dma_wait3A = arith.constant 0 : i32
      %dma_wait3A_15 = arith.constant 0 : i32
      %dma_wait3A_16 = tpu.memref_slice %arg2[%add3A, %dma_wait3A, %dma_wait3A_15] : memref<32x80x128xi32, #tpu.memory_space<hbm>> -> memref<1x80x128xi32, #tpu.memory_space<hbm>>
      %dma_wait3A_17 = tpu.memref_squeeze %dma_wait3A_16 : memref<1x80x128xi32, #tpu.memory_space<hbm>> -> memref<80x128xi32, #tpu.memory_space<hbm>>
      %dma_wait3A_18 = arith.constant 0 : i32
      %dma_wait3A_19 = arith.constant 0 : i32
      %dma_wait3A_20 = tpu.memref_slice %arg2[%add3A, %dma_wait3A_18, %dma_wait3A_19] : memref<32x80x128xi32, #tpu.memory_space<hbm>> -> memref<1x80x128xi32, #tpu.memory_space<hbm>>
      %dma_wait3A_21 = tpu.memref_squeeze %dma_wait3A_20 : memref<1x80x128xi32, #tpu.memory_space<hbm>> -> memref<80x128xi32, #tpu.memory_space<hbm>>
      tpu.wait_dma2 semaphore(%run_scoped3A : memref<!tpu.dma_semaphore, #tpu.memory_space<semaphore_mem>>) src(%dma_wait3A_21 : memref<80x128xi32, #tpu.memory_space<hbm>>) dst(%arg10 : memref<80x128xi32, #tpu.memory_space<vmem>>)
      tpu.yield
    }) : () -> ()
    "tpu.region"() ({
      %run_scoped3A = tpu.sem_alloc : memref<!tpu.dma_semaphore, #tpu.memory_space<semaphore_mem>>
      %dma_start3A = arith.constant 0 : i32
      %dma_start3A_8 = arith.constant 0 : i32
      %dma_start3A_9 = tpu.memref_slice %arg3[%add3A, %dma_start3A, %dma_start3A_8] : memref<32x80x128xi32, #tpu.memory_space<hbm>> -> memref<1x80x128xi32, #tpu.memory_space<hbm>>
      %dma_start3A_10 = tpu.memref_squeeze %dma_start3A_9 : memref<1x80x128xi32, #tpu.memory_space<hbm>> -> memref<80x128xi32, #tpu.memory_space<hbm>>
      %dma_start3A_11 = arith.constant 0 : i32
      %dma_start3A_12 = arith.constant 0 : i32
      %dma_start3A_13 = tpu.memref_slice %arg3[%add3A, %dma_start3A_11, %dma_start3A_12] : memref<32x80x128xi32, #tpu.memory_space<hbm>> -> memref<1x80x128xi32, #tpu.memory_space<hbm>>
      %dma_start3A_14 = tpu.memref_squeeze %dma_start3A_13 : memref<1x80x128xi32, #tpu.memory_space<hbm>> -> memref<80x128xi32, #tpu.memory_space<hbm>>
      tpu.enqueue_dma source(%dma_start3A_14 : memref<80x128xi32, #tpu.memory_space<hbm>>) target(%arg11 : memref<80x128xi32, #tpu.memory_space<vmem>>) target_semaphore(%run_scoped3A : memref<!tpu.dma_semaphore, #tpu.memory_space<semaphore_mem>>)
      %dma_wait3A = arith.constant 0 : i32
      %dma_wait3A_15 = arith.constant 0 : i32
      %dma_wait3A_16 = tpu.memref_slice %arg3[%add3A, %dma_wait3A, %dma_wait3A_15] : memref<32x80x128xi32, #tpu.memory_space<hbm>> -> memref<1x80x128xi32, #tpu.memory_space<hbm>>
      %dma_wait3A_17 = tpu.memref_squeeze %dma_wait3A_16 : memref<1x80x128xi32, #tpu.memory_space<hbm>> -> memref<80x128xi32, #tpu.memory_space<hbm>>
      %dma_wait3A_18 = arith.constant 0 : i32
      %dma_wait3A_19 = arith.constant 0 : i32
      %dma_wait3A_20 = tpu.memref_slice %arg3[%add3A, %dma_wait3A_18, %dma_wait3A_19] : memref<32x80x128xi32, #tpu.memory_space<hbm>> -> memref<1x80x128xi32, #tpu.memory_space<hbm>>
      %dma_wait3A_21 = tpu.memref_squeeze %dma_wait3A_20 : memref<1x80x128xi32, #tpu.memory_space<hbm>> -> memref<80x128xi32, #tpu.memory_space<hbm>>
      tpu.wait_dma2 semaphore(%run_scoped3A : memref<!tpu.dma_semaphore, #tpu.memory_space<semaphore_mem>>) src(%dma_wait3A_21 : memref<80x128xi32, #tpu.memory_space<hbm>>) dst(%arg11 : memref<80x128xi32, #tpu.memory_space<vmem>>)
      tpu.yield
    }) : () -> ()
    "tpu.region"() ({
      %run_scoped3A = tpu.sem_alloc : memref<!tpu.dma_semaphore, #tpu.memory_space<semaphore_mem>>
      tpu.enqueue_dma source(%arg5 : memref<128x16xf32, #tpu.memory_space<hbm>>) target(%arg12 : memref<128x16xf32, #tpu.memory_space<vmem>>) target_semaphore(%run_scoped3A : memref<!tpu.dma_semaphore, #tpu.memory_space<semaphore_mem>>)
      tpu.wait_dma2 semaphore(%run_scoped3A : memref<!tpu.dma_semaphore, #tpu.memory_space<semaphore_mem>>) src(%arg5 : memref<128x16xf32, #tpu.memory_space<hbm>>) dst(%arg12 : memref<128x16xf32, #tpu.memory_space<vmem>>)
      tpu.yield
    }) : () -> ()
    %barrier3A = arith.constant 0 : index
    tpu.barrier barrier_id(%barrier3A)
    %scan3A = arith.constant 0 : i32
    %scan3A_3 = arith.constant 80 : i32
    %scan3A_4 = arith.addi %scan3A, %scan3A_3 : i32
    %scan3A_5 = arith.constant 1 : i32
    scf.for %scan3A_8 = %scan3A to %scan3A_4 step %scan3A_5  : i32 {
      %mul3A_9 = arith.constant 1 : i32
      %mul3A_10 = arith.muli %scan3A_8, %mul3A_9 : i32
      %add3A_11 = arith.constant 0 : i32
      %add3A_12 = arith.addi %add3A_11, %mul3A_10 : i32
      "tpu.region"() ({
        %run_scoped3A = tpu.sem_alloc : memref<!tpu.dma_semaphore, #tpu.memory_space<semaphore_mem>>
        %dma_start3A = arith.constant 0 : i32
        %dma_start3A_13 = tpu.memref_slice %arg10[%add3A_12, %dma_start3A] : memref<80x128xi32, #tpu.memory_space<vmem>> -> memref<1x128xi32, #tpu.memory_space<vmem>>
        %dma_start3A_14 = tpu.memref_squeeze %dma_start3A_13 : memref<1x128xi32, #tpu.memory_space<vmem>> -> memref<128xi32, #tpu.memory_space<vmem>>
        %dma_start3A_15 = arith.constant 0 : i32
        %dma_start3A_16 = arith.constant 0 : i32
        %dma_start3A_17 = tpu.memref_slice %arg8[%dma_start3A_15, %dma_start3A_16] : memref<10112x16xf32, #tpu.memory_space<vmem_shared>> -> memref<10112x16xf32, #tpu.memory_space<vmem_shared>>
        tpu.enqueue_indirect_dma source(%arg12 : memref<128x16xf32, #tpu.memory_space<vmem>>) target(%dma_start3A_17 : memref<10112x16xf32, #tpu.memory_space<vmem_shared>>) offsets(%dma_start3A_14 : memref<128xi32, #tpu.memory_space<vmem>>) semaphore(%run_scoped3A : memref<!tpu.dma_semaphore, #tpu.memory_space<semaphore_mem>>) {add = true}
        %dma_wait3A = arith.constant 0 : i32
        %dma_wait3A_18 = tpu.memref_slice %arg10[%add3A_12, %dma_wait3A] : memref<80x128xi32, #tpu.memory_space<vmem>> -> memref<1x128xi32, #tpu.memory_space<vmem>>
        %dma_wait3A_19 = tpu.memref_squeeze %dma_wait3A_18 : memref<1x128xi32, #tpu.memory_space<vmem>> -> memref<128xi32, #tpu.memory_space<vmem>>
        %dma_wait3A_20 = arith.constant 0 : i32
        %dma_wait3A_21 = arith.constant 0 : i32
        %dma_wait3A_22 = tpu.memref_slice %arg8[%dma_wait3A_20, %dma_wait3A_21] : memref<10112x16xf32, #tpu.memory_space<vmem_shared>> -> memref<10112x16xf32, #tpu.memory_space<vmem_shared>>
        tpu.wait_indirect_dma semaphore(%run_scoped3A : memref<!tpu.dma_semaphore, #tpu.memory_space<semaphore_mem>>) src(%arg12 : memref<128x16xf32, #tpu.memory_space<vmem>>) dst(%dma_wait3A_22 : memref<10112x16xf32, #tpu.memory_space<vmem_shared>>)
        tpu.yield
      }) : () -> ()
      "tpu.region"() ({
        %run_scoped3A = tpu.sem_alloc : memref<!tpu.dma_semaphore, #tpu.memory_space<semaphore_mem>>
        %dma_start3A = arith.constant 0 : i32
        %dma_start3A_13 = tpu.memref_slice %arg11[%add3A_12, %dma_start3A] : memref<80x128xi32, #tpu.memory_space<vmem>> -> memref<1x128xi32, #tpu.memory_space<vmem>>
        %dma_start3A_14 = tpu.memref_squeeze %dma_start3A_13 : memref<1x128xi32, #tpu.memory_space<vmem>> -> memref<128xi32, #tpu.memory_space<vmem>>
        %dma_start3A_15 = arith.constant 0 : i32
        %dma_start3A_16 = arith.constant 0 : i32
        %dma_start3A_17 = tpu.memref_slice %arg9[%dma_start3A_15, %dma_start3A_16] : memref<10112x16xf32, #tpu.memory_space<vmem_shared>> -> memref<10112x16xf32, #tpu.memory_space<vmem_shared>>
        tpu.enqueue_indirect_dma source(%arg12 : memref<128x16xf32, #tpu.memory_space<vmem>>) target(%dma_start3A_17 : memref<10112x16xf32, #tpu.memory_space<vmem_shared>>) offsets(%dma_start3A_14 : memref<128xi32, #tpu.memory_space<vmem>>) semaphore(%run_scoped3A : memref<!tpu.dma_semaphore, #tpu.memory_space<semaphore_mem>>) {add = true}
        %dma_wait3A = arith.constant 0 : i32
        %dma_wait3A_18 = tpu.memref_slice %arg11[%add3A_12, %dma_wait3A] : memref<80x128xi32, #tpu.memory_space<vmem>> -> memref<1x128xi32, #tpu.memory_space<vmem>>
        %dma_wait3A_19 = tpu.memref_squeeze %dma_wait3A_18 : memref<1x128xi32, #tpu.memory_space<vmem>> -> memref<128xi32, #tpu.memory_space<vmem>>
        %dma_wait3A_20 = arith.constant 0 : i32
        %dma_wait3A_21 = arith.constant 0 : i32
        %dma_wait3A_22 = tpu.memref_slice %arg9[%dma_wait3A_20, %dma_wait3A_21] : memref<10112x16xf32, #tpu.memory_space<vmem_shared>> -> memref<10112x16xf32, #tpu.memory_space<vmem_shared>>
        tpu.wait_indirect_dma semaphore(%run_scoped3A : memref<!tpu.dma_semaphore, #tpu.memory_space<semaphore_mem>>) src(%arg12 : memref<128x16xf32, #tpu.memory_space<vmem>>) dst(%dma_wait3A_22 : memref<10112x16xf32, #tpu.memory_space<vmem_shared>>)
        tpu.yield
      }) : () -> ()
    }
    %scan3A_6 = arith.constant 80 : i32
    %barrier3A_7 = arith.constant 0 : index
    tpu.barrier barrier_id(%barrier3A_7)
    "tpu.region"() ({
      %run_scoped3A = tpu.sem_alloc : memref<!tpu.dma_semaphore, #tpu.memory_space<semaphore_mem>>
      %dma_start3A = arith.constant 0 : i32
      %dma_start3A_8 = tpu.memref_slice %arg6[%arg0, %mul3A_2, %dma_start3A] : memref<2x10112x16xf32, #tpu.memory_space<hbm>> -> memref<1x632x16xf32, #tpu.memory_space<hbm>>
      %dma_start3A_9 = tpu.memref_squeeze %dma_start3A_8 : memref<1x632x16xf32, #tpu.memory_space<hbm>> -> memref<632x16xf32, #tpu.memory_space<hbm>>
      %dma_start3A_10 = arith.constant 0 : i32
      %dma_start3A_11 = tpu.memref_slice %arg8[%mul3A_2, %dma_start3A_10] : memref<10112x16xf32, #tpu.memory_space<vmem_shared>> -> memref<632x16xf32, #tpu.memory_space<vmem_shared>>
      tpu.enqueue_dma source(%dma_start3A_11 : memref<632x16xf32, #tpu.memory_space<vmem_shared>>) target(%dma_start3A_9 : memref<632x16xf32, #tpu.memory_space<hbm>>) target_semaphore(%run_scoped3A : memref<!tpu.dma_semaphore, #tpu.memory_space<semaphore_mem>>)
      %dma_wait3A = arith.constant 0 : i32
      %dma_wait3A_12 = tpu.memref_slice %arg6[%arg0, %mul3A_2, %dma_wait3A] : memref<2x10112x16xf32, #tpu.memory_space<hbm>> -> memref<1x632x16xf32, #tpu.memory_space<hbm>>
      %dma_wait3A_13 = tpu.memref_squeeze %dma_wait3A_12 : memref<1x632x16xf32, #tpu.memory_space<hbm>> -> memref<632x16xf32, #tpu.memory_space<hbm>>
      %dma_wait3A_14 = arith.constant 0 : i32
      %dma_wait3A_15 = tpu.memref_slice %arg8[%mul3A_2, %dma_wait3A_14] : memref<10112x16xf32, #tpu.memory_space<vmem_shared>> -> memref<632x16xf32, #tpu.memory_space<vmem_shared>>
      tpu.wait_dma2 semaphore(%run_scoped3A : memref<!tpu.dma_semaphore, #tpu.memory_space<semaphore_mem>>) src(%dma_wait3A_15 : memref<632x16xf32, #tpu.memory_space<vmem_shared>>) dst(%dma_wait3A_13 : memref<632x16xf32, #tpu.memory_space<hbm>>)
      tpu.yield
    }) : () -> ()
    "tpu.region"() ({
      %run_scoped3A = tpu.sem_alloc : memref<!tpu.dma_semaphore, #tpu.memory_space<semaphore_mem>>
      %dma_start3A = arith.constant 0 : i32
      %dma_start3A_8 = tpu.memref_slice %arg7[%arg0, %mul3A_2, %dma_start3A] : memref<2x10112x16xf32, #tpu.memory_space<hbm>> -> memref<1x632x16xf32, #tpu.memory_space<hbm>>
      %dma_start3A_9 = tpu.memref_squeeze %dma_start3A_8 : memref<1x632x16xf32, #tpu.memory_space<hbm>> -> memref<632x16xf32, #tpu.memory_space<hbm>>
      %dma_start3A_10 = arith.constant 0 : i32
      %dma_start3A_11 = tpu.memref_slice %arg9[%mul3A_2, %dma_start3A_10] : memref<10112x16xf32, #tpu.memory_space<vmem_shared>> -> memref<632x16xf32, #tpu.memory_space<vmem_shared>>
      tpu.enqueue_dma source(%dma_start3A_11 : memref<632x16xf32, #tpu.memory_space<vmem_shared>>) target(%dma_start3A_9 : memref<632x16xf32, #tpu.memory_space<hbm>>) target_semaphore(%run_scoped3A : memref<!tpu.dma_semaphore, #tpu.memory_space<semaphore_mem>>)
      %dma_wait3A = arith.constant 0 : i32
      %dma_wait3A_12 = tpu.memref_slice %arg7[%arg0, %mul3A_2, %dma_wait3A] : memref<2x10112x16xf32, #tpu.memory_space<hbm>> -> memref<1x632x16xf32, #tpu.memory_space<hbm>>
      %dma_wait3A_13 = tpu.memref_squeeze %dma_wait3A_12 : memref<1x632x16xf32, #tpu.memory_space<hbm>> -> memref<632x16xf32, #tpu.memory_space<hbm>>
      %dma_wait3A_14 = arith.constant 0 : i32
      %dma_wait3A_15 = tpu.memref_slice %arg9[%mul3A_2, %dma_wait3A_14] : memref<10112x16xf32, #tpu.memory_space<vmem_shared>> -> memref<632x16xf32, #tpu.memory_space<vmem_shared>>
      tpu.wait_dma2 semaphore(%run_scoped3A : memref<!tpu.dma_semaphore, #tpu.memory_space<semaphore_mem>>) src(%dma_wait3A_15 : memref<632x16xf32, #tpu.memory_space<vmem_shared>>) dst(%dma_wait3A_13 : memref<632x16xf32, #tpu.memory_space<hbm>>)
      tpu.yield
    }) : () -> ()
    return
  }
}

#map = affine_map<(d0, d1) -> (0, 0)>
#map1 = affine_map<(d0, d1) -> (0, 0, 0)>
module attributes {stable_mosaic.version = 14 : i64} {
  func.func @run(%arg0: i32, %arg1: i32, %arg2: memref<10112x32xbf16, #tpu.memory_space<hbm>>, %arg3: memref<32x80x128xi32, #tpu.memory_space<hbm>>, %arg4: memref<32x80x128xi32, #tpu.memory_space<hbm>>, %arg5: memref<10112x32xf32, #tpu.memory_space<hbm>>, %arg6: memref<2x10112x32xf32, #tpu.memory_space<hbm>>, %arg7: memref<10112x32xf32, #tpu.memory_space<vmem_shared>>, %arg8: memref<80x128xi32, #tpu.memory_space<vmem>>, %arg9: memref<80x128xi32, #tpu.memory_space<vmem>>, %arg10: memref<128x32xbf16, #tpu.memory_space<vmem>>, %arg11: memref<128x32xbf16, #tpu.memory_space<vmem>>, %arg12: memref<128x32xf32, #tpu.memory_space<vmem>>, %arg13: memref<128x32xf32, #tpu.memory_space<vmem>>, %arg14: memref<!tpu.dma_semaphore, #tpu.memory_space<semaphore_mem>>, %arg15: memref<!tpu.dma_semaphore, #tpu.memory_space<semaphore_mem>>) attributes {dimension_semantics = [#tpu.dimension_semantics<core_parallel>, #tpu.dimension_semantics<subcore_parallel>], iteration_bounds = array<i64: 2, 16>, scalar_prefetch = 0 : i64, scratch_operands = 9 : i64, tpu.core_type = #tpu.core_type<sc_vector_subcore>, window_params = [{transform_indices = #map}, {transform_indices = #map1}, {transform_indices = #map1}, {transform_indices = #map}, {transform_indices = #map1}]} {
    %mul3A = arith.constant 16 : i32
    %mul3A_0 = arith.muli %arg0, %mul3A : i32
    %add3A = arith.addi %mul3A_0, %arg1 : i32
    %mul3A_1 = arith.constant 632 : i32
    %mul3A_2 = arith.muli %arg1, %mul3A_1 : i32
    "tpu.region"() ({
      %run_scoped3A = tpu.sem_alloc : memref<!tpu.dma_semaphore, #tpu.memory_space<semaphore_mem>>
      %dma_start3A_21 = arith.constant 0 : i32
      %dma_start3A_22 = tpu.memref_slice %arg7[%mul3A_2, %dma_start3A_21] : memref<10112x32xf32, #tpu.memory_space<vmem_shared>> -> memref<632x32xf32, #tpu.memory_space<vmem_shared>>
      %dma_start3A_23 = arith.constant 0 : i32
      %dma_start3A_24 = tpu.memref_slice %arg5[%mul3A_2, %dma_start3A_23] : memref<10112x32xf32, #tpu.memory_space<hbm>> -> memref<632x32xf32, #tpu.memory_space<hbm>>
      tpu.enqueue_dma source(%dma_start3A_24 : memref<632x32xf32, #tpu.memory_space<hbm>>) target(%dma_start3A_22 : memref<632x32xf32, #tpu.memory_space<vmem_shared>>) target_semaphore(%run_scoped3A : memref<!tpu.dma_semaphore, #tpu.memory_space<semaphore_mem>>)
      %dma_wait3A = arith.constant 0 : i32
      %dma_wait3A_25 = tpu.memref_slice %arg7[%mul3A_2, %dma_wait3A] : memref<10112x32xf32, #tpu.memory_space<vmem_shared>> -> memref<632x32xf32, #tpu.memory_space<vmem_shared>>
      %dma_wait3A_26 = arith.constant 0 : i32
      %dma_wait3A_27 = tpu.memref_slice %arg5[%mul3A_2, %dma_wait3A_26] : memref<10112x32xf32, #tpu.memory_space<hbm>> -> memref<632x32xf32, #tpu.memory_space<hbm>>
      tpu.wait_dma2 semaphore(%run_scoped3A : memref<!tpu.dma_semaphore, #tpu.memory_space<semaphore_mem>>) src(%dma_wait3A_27 : memref<632x32xf32, #tpu.memory_space<hbm>>) dst(%dma_wait3A_25 : memref<632x32xf32, #tpu.memory_space<vmem_shared>>)
      tpu.yield
    }) : () -> ()
    "tpu.region"() ({
      %run_scoped3A = tpu.sem_alloc : memref<!tpu.dma_semaphore, #tpu.memory_space<semaphore_mem>>
      %dma_start3A_21 = arith.constant 0 : i32
      %dma_start3A_22 = arith.constant 0 : i32
      %dma_start3A_23 = tpu.memref_slice %arg3[%add3A, %dma_start3A_21, %dma_start3A_22] : memref<32x80x128xi32, #tpu.memory_space<hbm>> -> memref<1x80x128xi32, #tpu.memory_space<hbm>>
      %dma_start3A_24 = tpu.memref_squeeze %dma_start3A_23 : memref<1x80x128xi32, #tpu.memory_space<hbm>> -> memref<80x128xi32, #tpu.memory_space<hbm>>
      %dma_start3A_25 = arith.constant 0 : i32
      %dma_start3A_26 = arith.constant 0 : i32
      %dma_start3A_27 = tpu.memref_slice %arg3[%add3A, %dma_start3A_25, %dma_start3A_26] : memref<32x80x128xi32, #tpu.memory_space<hbm>> -> memref<1x80x128xi32, #tpu.memory_space<hbm>>
      %dma_start3A_28 = tpu.memref_squeeze %dma_start3A_27 : memref<1x80x128xi32, #tpu.memory_space<hbm>> -> memref<80x128xi32, #tpu.memory_space<hbm>>
      tpu.enqueue_dma source(%dma_start3A_28 : memref<80x128xi32, #tpu.memory_space<hbm>>) target(%arg8 : memref<80x128xi32, #tpu.memory_space<vmem>>) target_semaphore(%run_scoped3A : memref<!tpu.dma_semaphore, #tpu.memory_space<semaphore_mem>>)
      %dma_wait3A = arith.constant 0 : i32
      %dma_wait3A_29 = arith.constant 0 : i32
      %dma_wait3A_30 = tpu.memref_slice %arg3[%add3A, %dma_wait3A, %dma_wait3A_29] : memref<32x80x128xi32, #tpu.memory_space<hbm>> -> memref<1x80x128xi32, #tpu.memory_space<hbm>>
      %dma_wait3A_31 = tpu.memref_squeeze %dma_wait3A_30 : memref<1x80x128xi32, #tpu.memory_space<hbm>> -> memref<80x128xi32, #tpu.memory_space<hbm>>
      %dma_wait3A_32 = arith.constant 0 : i32
      %dma_wait3A_33 = arith.constant 0 : i32
      %dma_wait3A_34 = tpu.memref_slice %arg3[%add3A, %dma_wait3A_32, %dma_wait3A_33] : memref<32x80x128xi32, #tpu.memory_space<hbm>> -> memref<1x80x128xi32, #tpu.memory_space<hbm>>
      %dma_wait3A_35 = tpu.memref_squeeze %dma_wait3A_34 : memref<1x80x128xi32, #tpu.memory_space<hbm>> -> memref<80x128xi32, #tpu.memory_space<hbm>>
      tpu.wait_dma2 semaphore(%run_scoped3A : memref<!tpu.dma_semaphore, #tpu.memory_space<semaphore_mem>>) src(%dma_wait3A_35 : memref<80x128xi32, #tpu.memory_space<hbm>>) dst(%arg8 : memref<80x128xi32, #tpu.memory_space<vmem>>)
      tpu.yield
    }) : () -> ()
    "tpu.region"() ({
      %run_scoped3A = tpu.sem_alloc : memref<!tpu.dma_semaphore, #tpu.memory_space<semaphore_mem>>
      %dma_start3A_21 = arith.constant 0 : i32
      %dma_start3A_22 = arith.constant 0 : i32
      %dma_start3A_23 = tpu.memref_slice %arg4[%add3A, %dma_start3A_21, %dma_start3A_22] : memref<32x80x128xi32, #tpu.memory_space<hbm>> -> memref<1x80x128xi32, #tpu.memory_space<hbm>>
      %dma_start3A_24 = tpu.memref_squeeze %dma_start3A_23 : memref<1x80x128xi32, #tpu.memory_space<hbm>> -> memref<80x128xi32, #tpu.memory_space<hbm>>
      %dma_start3A_25 = arith.constant 0 : i32
      %dma_start3A_26 = arith.constant 0 : i32
      %dma_start3A_27 = tpu.memref_slice %arg4[%add3A, %dma_start3A_25, %dma_start3A_26] : memref<32x80x128xi32, #tpu.memory_space<hbm>> -> memref<1x80x128xi32, #tpu.memory_space<hbm>>
      %dma_start3A_28 = tpu.memref_squeeze %dma_start3A_27 : memref<1x80x128xi32, #tpu.memory_space<hbm>> -> memref<80x128xi32, #tpu.memory_space<hbm>>
      tpu.enqueue_dma source(%dma_start3A_28 : memref<80x128xi32, #tpu.memory_space<hbm>>) target(%arg9 : memref<80x128xi32, #tpu.memory_space<vmem>>) target_semaphore(%run_scoped3A : memref<!tpu.dma_semaphore, #tpu.memory_space<semaphore_mem>>)
      %dma_wait3A = arith.constant 0 : i32
      %dma_wait3A_29 = arith.constant 0 : i32
      %dma_wait3A_30 = tpu.memref_slice %arg4[%add3A, %dma_wait3A, %dma_wait3A_29] : memref<32x80x128xi32, #tpu.memory_space<hbm>> -> memref<1x80x128xi32, #tpu.memory_space<hbm>>
      %dma_wait3A_31 = tpu.memref_squeeze %dma_wait3A_30 : memref<1x80x128xi32, #tpu.memory_space<hbm>> -> memref<80x128xi32, #tpu.memory_space<hbm>>
      %dma_wait3A_32 = arith.constant 0 : i32
      %dma_wait3A_33 = arith.constant 0 : i32
      %dma_wait3A_34 = tpu.memref_slice %arg4[%add3A, %dma_wait3A_32, %dma_wait3A_33] : memref<32x80x128xi32, #tpu.memory_space<hbm>> -> memref<1x80x128xi32, #tpu.memory_space<hbm>>
      %dma_wait3A_35 = tpu.memref_squeeze %dma_wait3A_34 : memref<1x80x128xi32, #tpu.memory_space<hbm>> -> memref<80x128xi32, #tpu.memory_space<hbm>>
      tpu.wait_dma2 semaphore(%run_scoped3A : memref<!tpu.dma_semaphore, #tpu.memory_space<semaphore_mem>>) src(%dma_wait3A_35 : memref<80x128xi32, #tpu.memory_space<hbm>>) dst(%arg9 : memref<80x128xi32, #tpu.memory_space<vmem>>)
      tpu.yield
    }) : () -> ()
    %barrier3A = arith.constant 0 : index
    tpu.barrier barrier_id(%barrier3A)
    %dma_start3A = arith.constant 0 : i32
    %dma_start3A_3 = arith.constant 0 : i32
    %dma_start3A_4 = tpu.memref_slice %arg8[%dma_start3A, %dma_start3A_3] : memref<80x128xi32, #tpu.memory_space<vmem>> -> memref<1x128xi32, #tpu.memory_space<vmem>>
    %dma_start3A_5 = tpu.memref_squeeze %dma_start3A_4 : memref<1x128xi32, #tpu.memory_space<vmem>> -> memref<128xi32, #tpu.memory_space<vmem>>
    %dma_start3A_6 = arith.constant 0 : i32
    %dma_start3A_7 = arith.constant 0 : i32
    %dma_start3A_8 = tpu.memref_slice %arg2[%dma_start3A_6, %dma_start3A_7] : memref<10112x32xbf16, #tpu.memory_space<hbm>> -> memref<10112x32xbf16, #tpu.memory_space<hbm>>
    tpu.enqueue_indirect_dma source(%dma_start3A_8 : memref<10112x32xbf16, #tpu.memory_space<hbm>>) target(%arg10 : memref<128x32xbf16, #tpu.memory_space<vmem>>) offsets(%dma_start3A_5 : memref<128xi32, #tpu.memory_space<vmem>>) semaphore(%arg14 : memref<!tpu.dma_semaphore, #tpu.memory_space<semaphore_mem>>)
    %dma_start3A_9 = arith.constant 1 : i32
    %dma_start3A_10 = arith.constant 0 : i32
    %dma_start3A_11 = tpu.memref_slice %arg8[%dma_start3A_9, %dma_start3A_10] : memref<80x128xi32, #tpu.memory_space<vmem>> -> memref<1x128xi32, #tpu.memory_space<vmem>>
    %dma_start3A_12 = tpu.memref_squeeze %dma_start3A_11 : memref<1x128xi32, #tpu.memory_space<vmem>> -> memref<128xi32, #tpu.memory_space<vmem>>
    %dma_start3A_13 = arith.constant 0 : i32
    %dma_start3A_14 = arith.constant 0 : i32
    %dma_start3A_15 = tpu.memref_slice %arg2[%dma_start3A_13, %dma_start3A_14] : memref<10112x32xbf16, #tpu.memory_space<hbm>> -> memref<10112x32xbf16, #tpu.memory_space<hbm>>
    tpu.enqueue_indirect_dma source(%dma_start3A_15 : memref<10112x32xbf16, #tpu.memory_space<hbm>>) target(%arg11 : memref<128x32xbf16, #tpu.memory_space<vmem>>) offsets(%dma_start3A_12 : memref<128xi32, #tpu.memory_space<vmem>>) semaphore(%arg15 : memref<!tpu.dma_semaphore, #tpu.memory_space<semaphore_mem>>)
    %scan3A = arith.constant 0 : i32
    %scan3A_16 = arith.constant 40 : i32
    %scan3A_17 = arith.addi %scan3A, %scan3A_16 : i32
    %scan3A_18 = arith.constant 1 : i32
    scf.for %scan3A_21 = %scan3A to %scan3A_17 step %scan3A_18  : i32 {
      %mul3A_22 = arith.constant 1 : i32
      %mul3A_23 = arith.muli %scan3A_21, %mul3A_22 : i32
      %add3A_24 = arith.constant 0 : i32
      %add3A_25 = arith.addi %add3A_24, %mul3A_23 : i32
      %mul3A_26 = arith.constant 2 : i32
      %mul3A_27 = arith.muli %mul3A_26, %add3A_25 : i32
      %dma_wait3A = arith.constant 0 : i32
      %dma_wait3A_28 = tpu.memref_slice %arg8[%mul3A_27, %dma_wait3A] : memref<80x128xi32, #tpu.memory_space<vmem>> -> memref<1x128xi32, #tpu.memory_space<vmem>>
      %dma_wait3A_29 = tpu.memref_squeeze %dma_wait3A_28 : memref<1x128xi32, #tpu.memory_space<vmem>> -> memref<128xi32, #tpu.memory_space<vmem>>
      %dma_wait3A_30 = arith.constant 0 : i32
      %dma_wait3A_31 = arith.constant 0 : i32
      %dma_wait3A_32 = tpu.memref_slice %arg2[%dma_wait3A_30, %dma_wait3A_31] : memref<10112x32xbf16, #tpu.memory_space<hbm>> -> memref<10112x32xbf16, #tpu.memory_space<hbm>>
      tpu.wait_indirect_dma semaphore(%arg14 : memref<!tpu.dma_semaphore, #tpu.memory_space<semaphore_mem>>) src(%dma_wait3A_32 : memref<10112x32xbf16, #tpu.memory_space<hbm>>) dst(%arg10 : memref<128x32xbf16, #tpu.memory_space<vmem>>)
      %scan3A_33 = arith.constant 0 : i32
      %scan3A_34 = arith.constant 128 : i32
      %scan3A_35 = arith.addi %scan3A_33, %scan3A_34 : i32
      %scan3A_36 = arith.constant 8 : i32
      scf.for %scan3A_60 = %scan3A_33 to %scan3A_35 step %scan3A_36  : i32 {
        %mul3A_61 = arith.constant 1 : i32
        %mul3A_62 = arith.muli %scan3A_60, %mul3A_61 : i32
        %add3A_63 = arith.constant 0 : i32
        %add3A_64 = arith.addi %add3A_63, %mul3A_62 : i32
        %get3A = arith.index_cast %add3A_64 : i32 to index
        %get3A_65 = arith.constant 0 : index
        %get3A_66 = tpu.vector_load %arg10[%get3A, %get3A_65] {strides = array<i32>} : memref<128x32xbf16, #tpu.memory_space<vmem>>, vector<32xbf16>,
        %bitcast3A = vector.bitcast %get3A_66 : vector<32xbf16> to vector<16xi32>
        %shift_left3A = arith.constant 16 : i32
        %shift_left3A_67 = vector.broadcast %shift_left3A : i32 to vector<16xi32>
        %shift_left3A_68 = arith.shli %bitcast3A, %shift_left3A_67 : vector<16xi32>
        %bitcast3A_69 = vector.bitcast %shift_left3A_68 : vector<16xi32> to vector<16xf32>
        %and3A = arith.constant -65536 : i32
        %and3A_70 = vector.broadcast %and3A : i32 to vector<16xi32>
        %and3A_71 = arith.andi %bitcast3A, %and3A_70 : vector<16xi32>
        %bitcast3A_72 = vector.bitcast %and3A_71 : vector<16xi32> to vector<16xf32>
        %swap3A = arith.index_cast %add3A_64 : i32 to index
        %swap3A_73 = arith.constant 0 : index
        %swap3A_74 = tpu.vector_load %arg12[%swap3A, %swap3A_73] {strides = array<i32>} : memref<128x32xf32, #tpu.memory_space<vmem>>, vector<16xf32>,
        tpu.vector_store %arg12[%swap3A, %swap3A_73], %bitcast3A_69 {strides = array<i32>} : memref<128x32xf32, #tpu.memory_space<vmem>>, vector<16xf32>,
        %swap3A_75 = arith.index_cast %add3A_64 : i32 to index
        %swap3A_76 = arith.constant 16 : index
        %swap3A_77 = tpu.vector_load %arg12[%swap3A_75, %swap3A_76] {strides = array<i32>} : memref<128x32xf32, #tpu.memory_space<vmem>>, vector<16xf32>,
        tpu.vector_store %arg12[%swap3A_75, %swap3A_76], %bitcast3A_72 {strides = array<i32>} : memref<128x32xf32, #tpu.memory_space<vmem>>, vector<16xf32>,
        %scan3A_78 = arith.constant 1 : i32
        %scan3A_79 = arith.addi %scan3A_60, %scan3A_78 : i32
        %mul3A_80 = arith.constant 1 : i32
        %mul3A_81 = arith.muli %scan3A_79, %mul3A_80 : i32
        %add3A_82 = arith.constant 0 : i32
        %add3A_83 = arith.addi %add3A_82, %mul3A_81 : i32
        %get3A_84 = arith.index_cast %add3A_83 : i32 to index
        %get3A_85 = arith.constant 0 : index
        %get3A_86 = tpu.vector_load %arg10[%get3A_84, %get3A_85] {strides = array<i32>} : memref<128x32xbf16, #tpu.memory_space<vmem>>, vector<32xbf16>,
        %bitcast3A_87 = vector.bitcast %get3A_86 : vector<32xbf16> to vector<16xi32>
        %shift_left3A_88 = arith.constant 16 : i32
        %shift_left3A_89 = vector.broadcast %shift_left3A_88 : i32 to vector<16xi32>
        %shift_left3A_90 = arith.shli %bitcast3A_87, %shift_left3A_89 : vector<16xi32>
        %bitcast3A_91 = vector.bitcast %shift_left3A_90 : vector<16xi32> to vector<16xf32>
        %and3A_92 = arith.constant -65536 : i32
        %and3A_93 = vector.broadcast %and3A_92 : i32 to vector<16xi32>
        %and3A_94 = arith.andi %bitcast3A_87, %and3A_93 : vector<16xi32>
        %bitcast3A_95 = vector.bitcast %and3A_94 : vector<16xi32> to vector<16xf32>
        %swap3A_96 = arith.index_cast %add3A_83 : i32 to index
        %swap3A_97 = arith.constant 0 : index
        %swap3A_98 = tpu.vector_load %arg12[%swap3A_96, %swap3A_97] {strides = array<i32>} : memref<128x32xf32, #tpu.memory_space<vmem>>, vector<16xf32>,
        tpu.vector_store %arg12[%swap3A_96, %swap3A_97], %bitcast3A_91 {strides = array<i32>} : memref<128x32xf32, #tpu.memory_space<vmem>>, vector<16xf32>,
        %swap3A_99 = arith.index_cast %add3A_83 : i32 to index
        %swap3A_100 = arith.constant 16 : index
        %swap3A_101 = tpu.vector_load %arg12[%swap3A_99, %swap3A_100] {strides = array<i32>} : memref<128x32xf32, #tpu.memory_space<vmem>>, vector<16xf32>,
        tpu.vector_store %arg12[%swap3A_99, %swap3A_100], %bitcast3A_95 {strides = array<i32>} : memref<128x32xf32, #tpu.memory_space<vmem>>, vector<16xf32>,
        %scan3A_102 = arith.constant 2 : i32
        %scan3A_103 = arith.addi %scan3A_60, %scan3A_102 : i32
        %mul3A_104 = arith.constant 1 : i32
        %mul3A_105 = arith.muli %scan3A_103, %mul3A_104 : i32
        %add3A_106 = arith.constant 0 : i32
        %add3A_107 = arith.addi %add3A_106, %mul3A_105 : i32
        %get3A_108 = arith.index_cast %add3A_107 : i32 to index
        %get3A_109 = arith.constant 0 : index
        %get3A_110 = tpu.vector_load %arg10[%get3A_108, %get3A_109] {strides = array<i32>} : memref<128x32xbf16, #tpu.memory_space<vmem>>, vector<32xbf16>,
        %bitcast3A_111 = vector.bitcast %get3A_110 : vector<32xbf16> to vector<16xi32>
        %shift_left3A_112 = arith.constant 16 : i32
        %shift_left3A_113 = vector.broadcast %shift_left3A_112 : i32 to vector<16xi32>
        %shift_left3A_114 = arith.shli %bitcast3A_111, %shift_left3A_113 : vector<16xi32>
        %bitcast3A_115 = vector.bitcast %shift_left3A_114 : vector<16xi32> to vector<16xf32>
        %and3A_116 = arith.constant -65536 : i32
        %and3A_117 = vector.broadcast %and3A_116 : i32 to vector<16xi32>
        %and3A_118 = arith.andi %bitcast3A_111, %and3A_117 : vector<16xi32>
        %bitcast3A_119 = vector.bitcast %and3A_118 : vector<16xi32> to vector<16xf32>
        %swap3A_120 = arith.index_cast %add3A_107 : i32 to index
        %swap3A_121 = arith.constant 0 : index
        %swap3A_122 = tpu.vector_load %arg12[%swap3A_120, %swap3A_121] {strides = array<i32>} : memref<128x32xf32, #tpu.memory_space<vmem>>, vector<16xf32>,
        tpu.vector_store %arg12[%swap3A_120, %swap3A_121], %bitcast3A_115 {strides = array<i32>} : memref<128x32xf32, #tpu.memory_space<vmem>>, vector<16xf32>,
        %swap3A_123 = arith.index_cast %add3A_107 : i32 to index
        %swap3A_124 = arith.constant 16 : index
        %swap3A_125 = tpu.vector_load %arg12[%swap3A_123, %swap3A_124] {strides = array<i32>} : memref<128x32xf32, #tpu.memory_space<vmem>>, vector<16xf32>,
        tpu.vector_store %arg12[%swap3A_123, %swap3A_124], %bitcast3A_119 {strides = array<i32>} : memref<128x32xf32, #tpu.memory_space<vmem>>, vector<16xf32>,
        %scan3A_126 = arith.constant 3 : i32
        %scan3A_127 = arith.addi %scan3A_60, %scan3A_126 : i32
        %mul3A_128 = arith.constant 1 : i32
        %mul3A_129 = arith.muli %scan3A_127, %mul3A_128 : i32
        %add3A_130 = arith.constant 0 : i32
        %add3A_131 = arith.addi %add3A_130, %mul3A_129 : i32
        %get3A_132 = arith.index_cast %add3A_131 : i32 to index
        %get3A_133 = arith.constant 0 : index
        %get3A_134 = tpu.vector_load %arg10[%get3A_132, %get3A_133] {strides = array<i32>} : memref<128x32xbf16, #tpu.memory_space<vmem>>, vector<32xbf16>,
        %bitcast3A_135 = vector.bitcast %get3A_134 : vector<32xbf16> to vector<16xi32>
        %shift_left3A_136 = arith.constant 16 : i32
        %shift_left3A_137 = vector.broadcast %shift_left3A_136 : i32 to vector<16xi32>
        %shift_left3A_138 = arith.shli %bitcast3A_135, %shift_left3A_137 : vector<16xi32>
        %bitcast3A_139 = vector.bitcast %shift_left3A_138 : vector<16xi32> to vector<16xf32>
        %and3A_140 = arith.constant -65536 : i32
        %and3A_141 = vector.broadcast %and3A_140 : i32 to vector<16xi32>
        %and3A_142 = arith.andi %bitcast3A_135, %and3A_141 : vector<16xi32>
        %bitcast3A_143 = vector.bitcast %and3A_142 : vector<16xi32> to vector<16xf32>
        %swap3A_144 = arith.index_cast %add3A_131 : i32 to index
        %swap3A_145 = arith.constant 0 : index
        %swap3A_146 = tpu.vector_load %arg12[%swap3A_144, %swap3A_145] {strides = array<i32>} : memref<128x32xf32, #tpu.memory_space<vmem>>, vector<16xf32>,
        tpu.vector_store %arg12[%swap3A_144, %swap3A_145], %bitcast3A_139 {strides = array<i32>} : memref<128x32xf32, #tpu.memory_space<vmem>>, vector<16xf32>,
        %swap3A_147 = arith.index_cast %add3A_131 : i32 to index
        %swap3A_148 = arith.constant 16 : index
        %swap3A_149 = tpu.vector_load %arg12[%swap3A_147, %swap3A_148] {strides = array<i32>} : memref<128x32xf32, #tpu.memory_space<vmem>>, vector<16xf32>,
        tpu.vector_store %arg12[%swap3A_147, %swap3A_148], %bitcast3A_143 {strides = array<i32>} : memref<128x32xf32, #tpu.memory_space<vmem>>, vector<16xf32>,
        %scan3A_150 = arith.constant 4 : i32
        %scan3A_151 = arith.addi %scan3A_60, %scan3A_150 : i32
        %mul3A_152 = arith.constant 1 : i32
        %mul3A_153 = arith.muli %scan3A_151, %mul3A_152 : i32
        %add3A_154 = arith.constant 0 : i32
        %add3A_155 = arith.addi %add3A_154, %mul3A_153 : i32
        %get3A_156 = arith.index_cast %add3A_155 : i32 to index
        %get3A_157 = arith.constant 0 : index
        %get3A_158 = tpu.vector_load %arg10[%get3A_156, %get3A_157] {strides = array<i32>} : memref<128x32xbf16, #tpu.memory_space<vmem>>, vector<32xbf16>,
        %bitcast3A_159 = vector.bitcast %get3A_158 : vector<32xbf16> to vector<16xi32>
        %shift_left3A_160 = arith.constant 16 : i32
        %shift_left3A_161 = vector.broadcast %shift_left3A_160 : i32 to vector<16xi32>
        %shift_left3A_162 = arith.shli %bitcast3A_159, %shift_left3A_161 : vector<16xi32>
        %bitcast3A_163 = vector.bitcast %shift_left3A_162 : vector<16xi32> to vector<16xf32>
        %and3A_164 = arith.constant -65536 : i32
        %and3A_165 = vector.broadcast %and3A_164 : i32 to vector<16xi32>
        %and3A_166 = arith.andi %bitcast3A_159, %and3A_165 : vector<16xi32>
        %bitcast3A_167 = vector.bitcast %and3A_166 : vector<16xi32> to vector<16xf32>
        %swap3A_168 = arith.index_cast %add3A_155 : i32 to index
        %swap3A_169 = arith.constant 0 : index
        %swap3A_170 = tpu.vector_load %arg12[%swap3A_168, %swap3A_169] {strides = array<i32>} : memref<128x32xf32, #tpu.memory_space<vmem>>, vector<16xf32>,
        tpu.vector_store %arg12[%swap3A_168, %swap3A_169], %bitcast3A_163 {strides = array<i32>} : memref<128x32xf32, #tpu.memory_space<vmem>>, vector<16xf32>,
        %swap3A_171 = arith.index_cast %add3A_155 : i32 to index
        %swap3A_172 = arith.constant 16 : index
        %swap3A_173 = tpu.vector_load %arg12[%swap3A_171, %swap3A_172] {strides = array<i32>} : memref<128x32xf32, #tpu.memory_space<vmem>>, vector<16xf32>,
        tpu.vector_store %arg12[%swap3A_171, %swap3A_172], %bitcast3A_167 {strides = array<i32>} : memref<128x32xf32, #tpu.memory_space<vmem>>, vector<16xf32>,
        %scan3A_174 = arith.constant 5 : i32
        %scan3A_175 = arith.addi %scan3A_60, %scan3A_174 : i32
        %mul3A_176 = arith.constant 1 : i32
        %mul3A_177 = arith.muli %scan3A_175, %mul3A_176 : i32
        %add3A_178 = arith.constant 0 : i32
        %add3A_179 = arith.addi %add3A_178, %mul3A_177 : i32
        %get3A_180 = arith.index_cast %add3A_179 : i32 to index
        %get3A_181 = arith.constant 0 : index
        %get3A_182 = tpu.vector_load %arg10[%get3A_180, %get3A_181] {strides = array<i32>} : memref<128x32xbf16, #tpu.memory_space<vmem>>, vector<32xbf16>,
        %bitcast3A_183 = vector.bitcast %get3A_182 : vector<32xbf16> to vector<16xi32>
        %shift_left3A_184 = arith.constant 16 : i32
        %shift_left3A_185 = vector.broadcast %shift_left3A_184 : i32 to vector<16xi32>
        %shift_left3A_186 = arith.shli %bitcast3A_183, %shift_left3A_185 : vector<16xi32>
        %bitcast3A_187 = vector.bitcast %shift_left3A_186 : vector<16xi32> to vector<16xf32>
        %and3A_188 = arith.constant -65536 : i32
        %and3A_189 = vector.broadcast %and3A_188 : i32 to vector<16xi32>
        %and3A_190 = arith.andi %bitcast3A_183, %and3A_189 : vector<16xi32>
        %bitcast3A_191 = vector.bitcast %and3A_190 : vector<16xi32> to vector<16xf32>
        %swap3A_192 = arith.index_cast %add3A_179 : i32 to index
        %swap3A_193 = arith.constant 0 : index
        %swap3A_194 = tpu.vector_load %arg12[%swap3A_192, %swap3A_193] {strides = array<i32>} : memref<128x32xf32, #tpu.memory_space<vmem>>, vector<16xf32>,
        tpu.vector_store %arg12[%swap3A_192, %swap3A_193], %bitcast3A_187 {strides = array<i32>} : memref<128x32xf32, #tpu.memory_space<vmem>>, vector<16xf32>,
        %swap3A_195 = arith.index_cast %add3A_179 : i32 to index
        %swap3A_196 = arith.constant 16 : index
        %swap3A_197 = tpu.vector_load %arg12[%swap3A_195, %swap3A_196] {strides = array<i32>} : memref<128x32xf32, #tpu.memory_space<vmem>>, vector<16xf32>,
        tpu.vector_store %arg12[%swap3A_195, %swap3A_196], %bitcast3A_191 {strides = array<i32>} : memref<128x32xf32, #tpu.memory_space<vmem>>, vector<16xf32>,
        %scan3A_198 = arith.constant 6 : i32
        %scan3A_199 = arith.addi %scan3A_60, %scan3A_198 : i32
        %mul3A_200 = arith.constant 1 : i32
        %mul3A_201 = arith.muli %scan3A_199, %mul3A_200 : i32
        %add3A_202 = arith.constant 0 : i32
        %add3A_203 = arith.addi %add3A_202, %mul3A_201 : i32
        %get3A_204 = arith.index_cast %add3A_203 : i32 to index
        %get3A_205 = arith.constant 0 : index
        %get3A_206 = tpu.vector_load %arg10[%get3A_204, %get3A_205] {strides = array<i32>} : memref<128x32xbf16, #tpu.memory_space<vmem>>, vector<32xbf16>,
        %bitcast3A_207 = vector.bitcast %get3A_206 : vector<32xbf16> to vector<16xi32>
        %shift_left3A_208 = arith.constant 16 : i32
        %shift_left3A_209 = vector.broadcast %shift_left3A_208 : i32 to vector<16xi32>
        %shift_left3A_210 = arith.shli %bitcast3A_207, %shift_left3A_209 : vector<16xi32>
        %bitcast3A_211 = vector.bitcast %shift_left3A_210 : vector<16xi32> to vector<16xf32>
        %and3A_212 = arith.constant -65536 : i32
        %and3A_213 = vector.broadcast %and3A_212 : i32 to vector<16xi32>
        %and3A_214 = arith.andi %bitcast3A_207, %and3A_213 : vector<16xi32>
        %bitcast3A_215 = vector.bitcast %and3A_214 : vector<16xi32> to vector<16xf32>
        %swap3A_216 = arith.index_cast %add3A_203 : i32 to index
        %swap3A_217 = arith.constant 0 : index
        %swap3A_218 = tpu.vector_load %arg12[%swap3A_216, %swap3A_217] {strides = array<i32>} : memref<128x32xf32, #tpu.memory_space<vmem>>, vector<16xf32>,
        tpu.vector_store %arg12[%swap3A_216, %swap3A_217], %bitcast3A_211 {strides = array<i32>} : memref<128x32xf32, #tpu.memory_space<vmem>>, vector<16xf32>,
        %swap3A_219 = arith.index_cast %add3A_203 : i32 to index
        %swap3A_220 = arith.constant 16 : index
        %swap3A_221 = tpu.vector_load %arg12[%swap3A_219, %swap3A_220] {strides = array<i32>} : memref<128x32xf32, #tpu.memory_space<vmem>>, vector<16xf32>,
        tpu.vector_store %arg12[%swap3A_219, %swap3A_220], %bitcast3A_215 {strides = array<i32>} : memref<128x32xf32, #tpu.memory_space<vmem>>, vector<16xf32>,
        %scan3A_222 = arith.constant 7 : i32
        %scan3A_223 = arith.addi %scan3A_60, %scan3A_222 : i32
        %mul3A_224 = arith.constant 1 : i32
        %mul3A_225 = arith.muli %scan3A_223, %mul3A_224 : i32
        %add3A_226 = arith.constant 0 : i32
        %add3A_227 = arith.addi %add3A_226, %mul3A_225 : i32
        %get3A_228 = arith.index_cast %add3A_227 : i32 to index
        %get3A_229 = arith.constant 0 : index
        %get3A_230 = tpu.vector_load %arg10[%get3A_228, %get3A_229] {strides = array<i32>} : memref<128x32xbf16, #tpu.memory_space<vmem>>, vector<32xbf16>,
        %bitcast3A_231 = vector.bitcast %get3A_230 : vector<32xbf16> to vector<16xi32>
        %shift_left3A_232 = arith.constant 16 : i32
        %shift_left3A_233 = vector.broadcast %shift_left3A_232 : i32 to vector<16xi32>
        %shift_left3A_234 = arith.shli %bitcast3A_231, %shift_left3A_233 : vector<16xi32>
        %bitcast3A_235 = vector.bitcast %shift_left3A_234 : vector<16xi32> to vector<16xf32>
        %and3A_236 = arith.constant -65536 : i32
        %and3A_237 = vector.broadcast %and3A_236 : i32 to vector<16xi32>
        %and3A_238 = arith.andi %bitcast3A_231, %and3A_237 : vector<16xi32>
        %bitcast3A_239 = vector.bitcast %and3A_238 : vector<16xi32> to vector<16xf32>
        %swap3A_240 = arith.index_cast %add3A_227 : i32 to index
        %swap3A_241 = arith.constant 0 : index
        %swap3A_242 = tpu.vector_load %arg12[%swap3A_240, %swap3A_241] {strides = array<i32>} : memref<128x32xf32, #tpu.memory_space<vmem>>, vector<16xf32>,
        tpu.vector_store %arg12[%swap3A_240, %swap3A_241], %bitcast3A_235 {strides = array<i32>} : memref<128x32xf32, #tpu.memory_space<vmem>>, vector<16xf32>,
        %swap3A_243 = arith.index_cast %add3A_227 : i32 to index
        %swap3A_244 = arith.constant 16 : index
        %swap3A_245 = tpu.vector_load %arg12[%swap3A_243, %swap3A_244] {strides = array<i32>} : memref<128x32xf32, #tpu.memory_space<vmem>>, vector<16xf32>,
        tpu.vector_store %arg12[%swap3A_243, %swap3A_244], %bitcast3A_239 {strides = array<i32>} : memref<128x32xf32, #tpu.memory_space<vmem>>, vector<16xf32>,
      }
      %scan3A_37 = arith.constant 128 : i32
      "tpu.region"() ({
        %run_scoped3A = tpu.sem_alloc : memref<!tpu.dma_semaphore, #tpu.memory_space<semaphore_mem>>
        %dma_start3A_60 = arith.constant 0 : i32
        %dma_start3A_61 = tpu.memref_slice %arg9[%mul3A_27, %dma_start3A_60] : memref<80x128xi32, #tpu.memory_space<vmem>> -> memref<1x128xi32, #tpu.memory_space<vmem>>
        %dma_start3A_62 = tpu.memref_squeeze %dma_start3A_61 : memref<1x128xi32, #tpu.memory_space<vmem>> -> memref<128xi32, #tpu.memory_space<vmem>>
        %dma_start3A_63 = arith.constant 0 : i32
        %dma_start3A_64 = arith.constant 0 : i32
        %dma_start3A_65 = tpu.memref_slice %arg7[%dma_start3A_63, %dma_start3A_64] : memref<10112x32xf32, #tpu.memory_space<vmem_shared>> -> memref<10112x32xf32, #tpu.memory_space<vmem_shared>>
        tpu.enqueue_indirect_dma source(%arg12 : memref<128x32xf32, #tpu.memory_space<vmem>>) target(%dma_start3A_65 : memref<10112x32xf32, #tpu.memory_space<vmem_shared>>) offsets(%dma_start3A_62 : memref<128xi32, #tpu.memory_space<vmem>>) semaphore(%run_scoped3A : memref<!tpu.dma_semaphore, #tpu.memory_space<semaphore_mem>>) {add = true}
        %dma_wait3A_66 = arith.constant 0 : i32
        %dma_wait3A_67 = tpu.memref_slice %arg9[%mul3A_27, %dma_wait3A_66] : memref<80x128xi32, #tpu.memory_space<vmem>> -> memref<1x128xi32, #tpu.memory_space<vmem>>
        %dma_wait3A_68 = tpu.memref_squeeze %dma_wait3A_67 : memref<1x128xi32, #tpu.memory_space<vmem>> -> memref<128xi32, #tpu.memory_space<vmem>>
        %dma_wait3A_69 = arith.constant 0 : i32
        %dma_wait3A_70 = arith.constant 0 : i32
        %dma_wait3A_71 = tpu.memref_slice %arg7[%dma_wait3A_69, %dma_wait3A_70] : memref<10112x32xf32, #tpu.memory_space<vmem_shared>> -> memref<10112x32xf32, #tpu.memory_space<vmem_shared>>
        tpu.wait_indirect_dma semaphore(%run_scoped3A : memref<!tpu.dma_semaphore, #tpu.memory_space<semaphore_mem>>) src(%arg12 : memref<128x32xf32, #tpu.memory_space<vmem>>) dst(%dma_wait3A_71 : memref<10112x32xf32, #tpu.memory_space<vmem_shared>>)
        tpu.yield
      }) : () -> ()
      %lt3A = arith.constant 39 : i32
      %lt3A_38 = arith.cmpi slt, %add3A_25, %lt3A : i32
      %convert_element_type3A = arith.extui %lt3A_38 : i1 to i32
      %cond3A = arith.constant 0 : i32
      %cond3A_39 = arith.cmpi ne, %convert_element_type3A, %cond3A : i32
      scf.if %cond3A_39 {
        %add3A_60 = arith.constant 2 : i32
        %add3A_61 = arith.addi %mul3A_27, %add3A_60 : i32
        %dma_start3A_62 = arith.constant 0 : i32
        %dma_start3A_63 = tpu.memref_slice %arg8[%add3A_61, %dma_start3A_62] : memref<80x128xi32, #tpu.memory_space<vmem>> -> memref<1x128xi32, #tpu.memory_space<vmem>>
        %dma_start3A_64 = tpu.memref_squeeze %dma_start3A_63 : memref<1x128xi32, #tpu.memory_space<vmem>> -> memref<128xi32, #tpu.memory_space<vmem>>
        %dma_start3A_65 = arith.constant 0 : i32
        %dma_start3A_66 = arith.constant 0 : i32
        %dma_start3A_67 = tpu.memref_slice %arg2[%dma_start3A_65, %dma_start3A_66] : memref<10112x32xbf16, #tpu.memory_space<hbm>> -> memref<10112x32xbf16, #tpu.memory_space<hbm>>
        tpu.enqueue_indirect_dma source(%dma_start3A_67 : memref<10112x32xbf16, #tpu.memory_space<hbm>>) target(%arg10 : memref<128x32xbf16, #tpu.memory_space<vmem>>) offsets(%dma_start3A_64 : memref<128xi32, #tpu.memory_space<vmem>>) semaphore(%arg14 : memref<!tpu.dma_semaphore, #tpu.memory_space<semaphore_mem>>)
      } else {
      }
      %add3A_40 = arith.constant 1 : i32
      %add3A_41 = arith.addi %mul3A_27, %add3A_40 : i32
      %dma_wait3A_42 = arith.constant 0 : i32
      %dma_wait3A_43 = tpu.memref_slice %arg8[%add3A_41, %dma_wait3A_42] : memref<80x128xi32, #tpu.memory_space<vmem>> -> memref<1x128xi32, #tpu.memory_space<vmem>>
      %dma_wait3A_44 = tpu.memref_squeeze %dma_wait3A_43 : memref<1x128xi32, #tpu.memory_space<vmem>> -> memref<128xi32, #tpu.memory_space<vmem>>
      %dma_wait3A_45 = arith.constant 0 : i32
      %dma_wait3A_46 = arith.constant 0 : i32
      %dma_wait3A_47 = tpu.memref_slice %arg2[%dma_wait3A_45, %dma_wait3A_46] : memref<10112x32xbf16, #tpu.memory_space<hbm>> -> memref<10112x32xbf16, #tpu.memory_space<hbm>>
      tpu.wait_indirect_dma semaphore(%arg15 : memref<!tpu.dma_semaphore, #tpu.memory_space<semaphore_mem>>) src(%dma_wait3A_47 : memref<10112x32xbf16, #tpu.memory_space<hbm>>) dst(%arg11 : memref<128x32xbf16, #tpu.memory_space<vmem>>)
      %scan3A_48 = arith.constant 0 : i32
      %scan3A_49 = arith.constant 128 : i32
      %scan3A_50 = arith.addi %scan3A_48, %scan3A_49 : i32
      %scan3A_51 = arith.constant 8 : i32
      scf.for %scan3A_60 = %scan3A_48 to %scan3A_50 step %scan3A_51  : i32 {
        %mul3A_61 = arith.constant 1 : i32
        %mul3A_62 = arith.muli %scan3A_60, %mul3A_61 : i32
        %add3A_63 = arith.constant 0 : i32
        %add3A_64 = arith.addi %add3A_63, %mul3A_62 : i32
        %get3A = arith.index_cast %add3A_64 : i32 to index
        %get3A_65 = arith.constant 0 : index
        %get3A_66 = tpu.vector_load %arg11[%get3A, %get3A_65] {strides = array<i32>} : memref<128x32xbf16, #tpu.memory_space<vmem>>, vector<32xbf16>,
        %bitcast3A = vector.bitcast %get3A_66 : vector<32xbf16> to vector<16xi32>
        %shift_left3A = arith.constant 16 : i32
        %shift_left3A_67 = vector.broadcast %shift_left3A : i32 to vector<16xi32>
        %shift_left3A_68 = arith.shli %bitcast3A, %shift_left3A_67 : vector<16xi32>
        %bitcast3A_69 = vector.bitcast %shift_left3A_68 : vector<16xi32> to vector<16xf32>
        %and3A = arith.constant -65536 : i32
        %and3A_70 = vector.broadcast %and3A : i32 to vector<16xi32>
        %and3A_71 = arith.andi %bitcast3A, %and3A_70 : vector<16xi32>
        %bitcast3A_72 = vector.bitcast %and3A_71 : vector<16xi32> to vector<16xf32>
        %swap3A = arith.index_cast %add3A_64 : i32 to index
        %swap3A_73 = arith.constant 0 : index
        %swap3A_74 = tpu.vector_load %arg13[%swap3A, %swap3A_73] {strides = array<i32>} : memref<128x32xf32, #tpu.memory_space<vmem>>, vector<16xf32>,
        tpu.vector_store %arg13[%swap3A, %swap3A_73], %bitcast3A_69 {strides = array<i32>} : memref<128x32xf32, #tpu.memory_space<vmem>>, vector<16xf32>,
        %swap3A_75 = arith.index_cast %add3A_64 : i32 to index
        %swap3A_76 = arith.constant 16 : index
        %swap3A_77 = tpu.vector_load %arg13[%swap3A_75, %swap3A_76] {strides = array<i32>} : memref<128x32xf32, #tpu.memory_space<vmem>>, vector<16xf32>,
        tpu.vector_store %arg13[%swap3A_75, %swap3A_76], %bitcast3A_72 {strides = array<i32>} : memref<128x32xf32, #tpu.memory_space<vmem>>, vector<16xf32>,
        %scan3A_78 = arith.constant 1 : i32
        %scan3A_79 = arith.addi %scan3A_60, %scan3A_78 : i32
        %mul3A_80 = arith.constant 1 : i32
        %mul3A_81 = arith.muli %scan3A_79, %mul3A_80 : i32
        %add3A_82 = arith.constant 0 : i32
        %add3A_83 = arith.addi %add3A_82, %mul3A_81 : i32
        %get3A_84 = arith.index_cast %add3A_83 : i32 to index
        %get3A_85 = arith.constant 0 : index
        %get3A_86 = tpu.vector_load %arg11[%get3A_84, %get3A_85] {strides = array<i32>} : memref<128x32xbf16, #tpu.memory_space<vmem>>, vector<32xbf16>,
        %bitcast3A_87 = vector.bitcast %get3A_86 : vector<32xbf16> to vector<16xi32>
        %shift_left3A_88 = arith.constant 16 : i32
        %shift_left3A_89 = vector.broadcast %shift_left3A_88 : i32 to vector<16xi32>
        %shift_left3A_90 = arith.shli %bitcast3A_87, %shift_left3A_89 : vector<16xi32>
        %bitcast3A_91 = vector.bitcast %shift_left3A_90 : vector<16xi32> to vector<16xf32>
        %and3A_92 = arith.constant -65536 : i32
        %and3A_93 = vector.broadcast %and3A_92 : i32 to vector<16xi32>
        %and3A_94 = arith.andi %bitcast3A_87, %and3A_93 : vector<16xi32>
        %bitcast3A_95 = vector.bitcast %and3A_94 : vector<16xi32> to vector<16xf32>
        %swap3A_96 = arith.index_cast %add3A_83 : i32 to index
        %swap3A_97 = arith.constant 0 : index
        %swap3A_98 = tpu.vector_load %arg13[%swap3A_96, %swap3A_97] {strides = array<i32>} : memref<128x32xf32, #tpu.memory_space<vmem>>, vector<16xf32>,
        tpu.vector_store %arg13[%swap3A_96, %swap3A_97], %bitcast3A_91 {strides = array<i32>} : memref<128x32xf32, #tpu.memory_space<vmem>>, vector<16xf32>,
        %swap3A_99 = arith.index_cast %add3A_83 : i32 to index
        %swap3A_100 = arith.constant 16 : index
        %swap3A_101 = tpu.vector_load %arg13[%swap3A_99, %swap3A_100] {strides = array<i32>} : memref<128x32xf32, #tpu.memory_space<vmem>>, vector<16xf32>,
        tpu.vector_store %arg13[%swap3A_99, %swap3A_100], %bitcast3A_95 {strides = array<i32>} : memref<128x32xf32, #tpu.memory_space<vmem>>, vector<16xf32>,
        %scan3A_102 = arith.constant 2 : i32
        %scan3A_103 = arith.addi %scan3A_60, %scan3A_102 : i32
        %mul3A_104 = arith.constant 1 : i32
        %mul3A_105 = arith.muli %scan3A_103, %mul3A_104 : i32
        %add3A_106 = arith.constant 0 : i32
        %add3A_107 = arith.addi %add3A_106, %mul3A_105 : i32
        %get3A_108 = arith.index_cast %add3A_107 : i32 to index
        %get3A_109 = arith.constant 0 : index
        %get3A_110 = tpu.vector_load %arg11[%get3A_108, %get3A_109] {strides = array<i32>} : memref<128x32xbf16, #tpu.memory_space<vmem>>, vector<32xbf16>,
        %bitcast3A_111 = vector.bitcast %get3A_110 : vector<32xbf16> to vector<16xi32>
        %shift_left3A_112 = arith.constant 16 : i32
        %shift_left3A_113 = vector.broadcast %shift_left3A_112 : i32 to vector<16xi32>
        %shift_left3A_114 = arith.shli %bitcast3A_111, %shift_left3A_113 : vector<16xi32>
        %bitcast3A_115 = vector.bitcast %shift_left3A_114 : vector<16xi32> to vector<16xf32>
        %and3A_116 = arith.constant -65536 : i32
        %and3A_117 = vector.broadcast %and3A_116 : i32 to vector<16xi32>
        %and3A_118 = arith.andi %bitcast3A_111, %and3A_117 : vector<16xi32>
        %bitcast3A_119 = vector.bitcast %and3A_118 : vector<16xi32> to vector<16xf32>
        %swap3A_120 = arith.index_cast %add3A_107 : i32 to index
        %swap3A_121 = arith.constant 0 : index
        %swap3A_122 = tpu.vector_load %arg13[%swap3A_120, %swap3A_121] {strides = array<i32>} : memref<128x32xf32, #tpu.memory_space<vmem>>, vector<16xf32>,
        tpu.vector_store %arg13[%swap3A_120, %swap3A_121], %bitcast3A_115 {strides = array<i32>} : memref<128x32xf32, #tpu.memory_space<vmem>>, vector<16xf32>,
        %swap3A_123 = arith.index_cast %add3A_107 : i32 to index
        %swap3A_124 = arith.constant 16 : index
        %swap3A_125 = tpu.vector_load %arg13[%swap3A_123, %swap3A_124] {strides = array<i32>} : memref<128x32xf32, #tpu.memory_space<vmem>>, vector<16xf32>,
        tpu.vector_store %arg13[%swap3A_123, %swap3A_124], %bitcast3A_119 {strides = array<i32>} : memref<128x32xf32, #tpu.memory_space<vmem>>, vector<16xf32>,
        %scan3A_126 = arith.constant 3 : i32
        %scan3A_127 = arith.addi %scan3A_60, %scan3A_126 : i32
        %mul3A_128 = arith.constant 1 : i32
        %mul3A_129 = arith.muli %scan3A_127, %mul3A_128 : i32
        %add3A_130 = arith.constant 0 : i32
        %add3A_131 = arith.addi %add3A_130, %mul3A_129 : i32
        %get3A_132 = arith.index_cast %add3A_131 : i32 to index
        %get3A_133 = arith.constant 0 : index
        %get3A_134 = tpu.vector_load %arg11[%get3A_132, %get3A_133] {strides = array<i32>} : memref<128x32xbf16, #tpu.memory_space<vmem>>, vector<32xbf16>,
        %bitcast3A_135 = vector.bitcast %get3A_134 : vector<32xbf16> to vector<16xi32>
        %shift_left3A_136 = arith.constant 16 : i32
        %shift_left3A_137 = vector.broadcast %shift_left3A_136 : i32 to vector<16xi32>
        %shift_left3A_138 = arith.shli %bitcast3A_135, %shift_left3A_137 : vector<16xi32>
        %bitcast3A_139 = vector.bitcast %shift_left3A_138 : vector<16xi32> to vector<16xf32>
        %and3A_140 = arith.constant -65536 : i32
        %and3A_141 = vector.broadcast %and3A_140 : i32 to vector<16xi32>
        %and3A_142 = arith.andi %bitcast3A_135, %and3A_141 : vector<16xi32>
        %bitcast3A_143 = vector.bitcast %and3A_142 : vector<16xi32> to vector<16xf32>
        %swap3A_144 = arith.index_cast %add3A_131 : i32 to index
        %swap3A_145 = arith.constant 0 : index
        %swap3A_146 = tpu.vector_load %arg13[%swap3A_144, %swap3A_145] {strides = array<i32>} : memref<128x32xf32, #tpu.memory_space<vmem>>, vector<16xf32>,
        tpu.vector_store %arg13[%swap3A_144, %swap3A_145], %bitcast3A_139 {strides = array<i32>} : memref<128x32xf32, #tpu.memory_space<vmem>>, vector<16xf32>,
        %swap3A_147 = arith.index_cast %add3A_131 : i32 to index
        %swap3A_148 = arith.constant 16 : index
        %swap3A_149 = tpu.vector_load %arg13[%swap3A_147, %swap3A_148] {strides = array<i32>} : memref<128x32xf32, #tpu.memory_space<vmem>>, vector<16xf32>,
        tpu.vector_store %arg13[%swap3A_147, %swap3A_148], %bitcast3A_143 {strides = array<i32>} : memref<128x32xf32, #tpu.memory_space<vmem>>, vector<16xf32>,
        %scan3A_150 = arith.constant 4 : i32
        %scan3A_151 = arith.addi %scan3A_60, %scan3A_150 : i32
        %mul3A_152 = arith.constant 1 : i32
        %mul3A_153 = arith.muli %scan3A_151, %mul3A_152 : i32
        %add3A_154 = arith.constant 0 : i32
        %add3A_155 = arith.addi %add3A_154, %mul3A_153 : i32
        %get3A_156 = arith.index_cast %add3A_155 : i32 to index
        %get3A_157 = arith.constant 0 : index
        %get3A_158 = tpu.vector_load %arg11[%get3A_156, %get3A_157] {strides = array<i32>} : memref<128x32xbf16, #tpu.memory_space<vmem>>, vector<32xbf16>,
        %bitcast3A_159 = vector.bitcast %get3A_158 : vector<32xbf16> to vector<16xi32>
        %shift_left3A_160 = arith.constant 16 : i32
        %shift_left3A_161 = vector.broadcast %shift_left3A_160 : i32 to vector<16xi32>
        %shift_left3A_162 = arith.shli %bitcast3A_159, %shift_left3A_161 : vector<16xi32>
        %bitcast3A_163 = vector.bitcast %shift_left3A_162 : vector<16xi32> to vector<16xf32>
        %and3A_164 = arith.constant -65536 : i32
        %and3A_165 = vector.broadcast %and3A_164 : i32 to vector<16xi32>
        %and3A_166 = arith.andi %bitcast3A_159, %and3A_165 : vector<16xi32>
        %bitcast3A_167 = vector.bitcast %and3A_166 : vector<16xi32> to vector<16xf32>
        %swap3A_168 = arith.index_cast %add3A_155 : i32 to index
        %swap3A_169 = arith.constant 0 : index
        %swap3A_170 = tpu.vector_load %arg13[%swap3A_168, %swap3A_169] {strides = array<i32>} : memref<128x32xf32, #tpu.memory_space<vmem>>, vector<16xf32>,
        tpu.vector_store %arg13[%swap3A_168, %swap3A_169], %bitcast3A_163 {strides = array<i32>} : memref<128x32xf32, #tpu.memory_space<vmem>>, vector<16xf32>,
        %swap3A_171 = arith.index_cast %add3A_155 : i32 to index
        %swap3A_172 = arith.constant 16 : index
        %swap3A_173 = tpu.vector_load %arg13[%swap3A_171, %swap3A_172] {strides = array<i32>} : memref<128x32xf32, #tpu.memory_space<vmem>>, vector<16xf32>,
        tpu.vector_store %arg13[%swap3A_171, %swap3A_172], %bitcast3A_167 {strides = array<i32>} : memref<128x32xf32, #tpu.memory_space<vmem>>, vector<16xf32>,
        %scan3A_174 = arith.constant 5 : i32
        %scan3A_175 = arith.addi %scan3A_60, %scan3A_174 : i32
        %mul3A_176 = arith.constant 1 : i32
        %mul3A_177 = arith.muli %scan3A_175, %mul3A_176 : i32
        %add3A_178 = arith.constant 0 : i32
        %add3A_179 = arith.addi %add3A_178, %mul3A_177 : i32
        %get3A_180 = arith.index_cast %add3A_179 : i32 to index
        %get3A_181 = arith.constant 0 : index
        %get3A_182 = tpu.vector_load %arg11[%get3A_180, %get3A_181] {strides = array<i32>} : memref<128x32xbf16, #tpu.memory_space<vmem>>, vector<32xbf16>,
        %bitcast3A_183 = vector.bitcast %get3A_182 : vector<32xbf16> to vector<16xi32>
        %shift_left3A_184 = arith.constant 16 : i32
        %shift_left3A_185 = vector.broadcast %shift_left3A_184 : i32 to vector<16xi32>
        %shift_left3A_186 = arith.shli %bitcast3A_183, %shift_left3A_185 : vector<16xi32>
        %bitcast3A_187 = vector.bitcast %shift_left3A_186 : vector<16xi32> to vector<16xf32>
        %and3A_188 = arith.constant -65536 : i32
        %and3A_189 = vector.broadcast %and3A_188 : i32 to vector<16xi32>
        %and3A_190 = arith.andi %bitcast3A_183, %and3A_189 : vector<16xi32>
        %bitcast3A_191 = vector.bitcast %and3A_190 : vector<16xi32> to vector<16xf32>
        %swap3A_192 = arith.index_cast %add3A_179 : i32 to index
        %swap3A_193 = arith.constant 0 : index
        %swap3A_194 = tpu.vector_load %arg13[%swap3A_192, %swap3A_193] {strides = array<i32>} : memref<128x32xf32, #tpu.memory_space<vmem>>, vector<16xf32>,
        tpu.vector_store %arg13[%swap3A_192, %swap3A_193], %bitcast3A_187 {strides = array<i32>} : memref<128x32xf32, #tpu.memory_space<vmem>>, vector<16xf32>,
        %swap3A_195 = arith.index_cast %add3A_179 : i32 to index
        %swap3A_196 = arith.constant 16 : index
        %swap3A_197 = tpu.vector_load %arg13[%swap3A_195, %swap3A_196] {strides = array<i32>} : memref<128x32xf32, #tpu.memory_space<vmem>>, vector<16xf32>,
        tpu.vector_store %arg13[%swap3A_195, %swap3A_196], %bitcast3A_191 {strides = array<i32>} : memref<128x32xf32, #tpu.memory_space<vmem>>, vector<16xf32>,
        %scan3A_198 = arith.constant 6 : i32
        %scan3A_199 = arith.addi %scan3A_60, %scan3A_198 : i32
        %mul3A_200 = arith.constant 1 : i32
        %mul3A_201 = arith.muli %scan3A_199, %mul3A_200 : i32
        %add3A_202 = arith.constant 0 : i32
        %add3A_203 = arith.addi %add3A_202, %mul3A_201 : i32
        %get3A_204 = arith.index_cast %add3A_203 : i32 to index
        %get3A_205 = arith.constant 0 : index
        %get3A_206 = tpu.vector_load %arg11[%get3A_204, %get3A_205] {strides = array<i32>} : memref<128x32xbf16, #tpu.memory_space<vmem>>, vector<32xbf16>,
        %bitcast3A_207 = vector.bitcast %get3A_206 : vector<32xbf16> to vector<16xi32>
        %shift_left3A_208 = arith.constant 16 : i32
        %shift_left3A_209 = vector.broadcast %shift_left3A_208 : i32 to vector<16xi32>
        %shift_left3A_210 = arith.shli %bitcast3A_207, %shift_left3A_209 : vector<16xi32>
        %bitcast3A_211 = vector.bitcast %shift_left3A_210 : vector<16xi32> to vector<16xf32>
        %and3A_212 = arith.constant -65536 : i32
        %and3A_213 = vector.broadcast %and3A_212 : i32 to vector<16xi32>
        %and3A_214 = arith.andi %bitcast3A_207, %and3A_213 : vector<16xi32>
        %bitcast3A_215 = vector.bitcast %and3A_214 : vector<16xi32> to vector<16xf32>
        %swap3A_216 = arith.index_cast %add3A_203 : i32 to index
        %swap3A_217 = arith.constant 0 : index
        %swap3A_218 = tpu.vector_load %arg13[%swap3A_216, %swap3A_217] {strides = array<i32>} : memref<128x32xf32, #tpu.memory_space<vmem>>, vector<16xf32>,
        tpu.vector_store %arg13[%swap3A_216, %swap3A_217], %bitcast3A_211 {strides = array<i32>} : memref<128x32xf32, #tpu.memory_space<vmem>>, vector<16xf32>,
        %swap3A_219 = arith.index_cast %add3A_203 : i32 to index
        %swap3A_220 = arith.constant 16 : index
        %swap3A_221 = tpu.vector_load %arg13[%swap3A_219, %swap3A_220] {strides = array<i32>} : memref<128x32xf32, #tpu.memory_space<vmem>>, vector<16xf32>,
        tpu.vector_store %arg13[%swap3A_219, %swap3A_220], %bitcast3A_215 {strides = array<i32>} : memref<128x32xf32, #tpu.memory_space<vmem>>, vector<16xf32>,
        %scan3A_222 = arith.constant 7 : i32
        %scan3A_223 = arith.addi %scan3A_60, %scan3A_222 : i32
        %mul3A_224 = arith.constant 1 : i32
        %mul3A_225 = arith.muli %scan3A_223, %mul3A_224 : i32
        %add3A_226 = arith.constant 0 : i32
        %add3A_227 = arith.addi %add3A_226, %mul3A_225 : i32
        %get3A_228 = arith.index_cast %add3A_227 : i32 to index
        %get3A_229 = arith.constant 0 : index
        %get3A_230 = tpu.vector_load %arg11[%get3A_228, %get3A_229] {strides = array<i32>} : memref<128x32xbf16, #tpu.memory_space<vmem>>, vector<32xbf16>,
        %bitcast3A_231 = vector.bitcast %get3A_230 : vector<32xbf16> to vector<16xi32>
        %shift_left3A_232 = arith.constant 16 : i32
        %shift_left3A_233 = vector.broadcast %shift_left3A_232 : i32 to vector<16xi32>
        %shift_left3A_234 = arith.shli %bitcast3A_231, %shift_left3A_233 : vector<16xi32>
        %bitcast3A_235 = vector.bitcast %shift_left3A_234 : vector<16xi32> to vector<16xf32>
        %and3A_236 = arith.constant -65536 : i32
        %and3A_237 = vector.broadcast %and3A_236 : i32 to vector<16xi32>
        %and3A_238 = arith.andi %bitcast3A_231, %and3A_237 : vector<16xi32>
        %bitcast3A_239 = vector.bitcast %and3A_238 : vector<16xi32> to vector<16xf32>
        %swap3A_240 = arith.index_cast %add3A_227 : i32 to index
        %swap3A_241 = arith.constant 0 : index
        %swap3A_242 = tpu.vector_load %arg13[%swap3A_240, %swap3A_241] {strides = array<i32>} : memref<128x32xf32, #tpu.memory_space<vmem>>, vector<16xf32>,
        tpu.vector_store %arg13[%swap3A_240, %swap3A_241], %bitcast3A_235 {strides = array<i32>} : memref<128x32xf32, #tpu.memory_space<vmem>>, vector<16xf32>,
        %swap3A_243 = arith.index_cast %add3A_227 : i32 to index
        %swap3A_244 = arith.constant 16 : index
        %swap3A_245 = tpu.vector_load %arg13[%swap3A_243, %swap3A_244] {strides = array<i32>} : memref<128x32xf32, #tpu.memory_space<vmem>>, vector<16xf32>,
        tpu.vector_store %arg13[%swap3A_243, %swap3A_244], %bitcast3A_239 {strides = array<i32>} : memref<128x32xf32, #tpu.memory_space<vmem>>, vector<16xf32>,
      }
      %scan3A_52 = arith.constant 128 : i32
      %add3A_53 = arith.constant 1 : i32
      %add3A_54 = arith.addi %mul3A_27, %add3A_53 : i32
      "tpu.region"() ({
        %run_scoped3A = tpu.sem_alloc : memref<!tpu.dma_semaphore, #tpu.memory_space<semaphore_mem>>
        %dma_start3A_60 = arith.constant 0 : i32
        %dma_start3A_61 = tpu.memref_slice %arg9[%add3A_54, %dma_start3A_60] : memref<80x128xi32, #tpu.memory_space<vmem>> -> memref<1x128xi32, #tpu.memory_space<vmem>>
        %dma_start3A_62 = tpu.memref_squeeze %dma_start3A_61 : memref<1x128xi32, #tpu.memory_space<vmem>> -> memref<128xi32, #tpu.memory_space<vmem>>
        %dma_start3A_63 = arith.constant 0 : i32
        %dma_start3A_64 = arith.constant 0 : i32
        %dma_start3A_65 = tpu.memref_slice %arg7[%dma_start3A_63, %dma_start3A_64] : memref<10112x32xf32, #tpu.memory_space<vmem_shared>> -> memref<10112x32xf32, #tpu.memory_space<vmem_shared>>
        tpu.enqueue_indirect_dma source(%arg13 : memref<128x32xf32, #tpu.memory_space<vmem>>) target(%dma_start3A_65 : memref<10112x32xf32, #tpu.memory_space<vmem_shared>>) offsets(%dma_start3A_62 : memref<128xi32, #tpu.memory_space<vmem>>) semaphore(%run_scoped3A : memref<!tpu.dma_semaphore, #tpu.memory_space<semaphore_mem>>) {add = true}
        %dma_wait3A_66 = arith.constant 0 : i32
        %dma_wait3A_67 = tpu.memref_slice %arg9[%add3A_54, %dma_wait3A_66] : memref<80x128xi32, #tpu.memory_space<vmem>> -> memref<1x128xi32, #tpu.memory_space<vmem>>
        %dma_wait3A_68 = tpu.memref_squeeze %dma_wait3A_67 : memref<1x128xi32, #tpu.memory_space<vmem>> -> memref<128xi32, #tpu.memory_space<vmem>>
        %dma_wait3A_69 = arith.constant 0 : i32
        %dma_wait3A_70 = arith.constant 0 : i32
        %dma_wait3A_71 = tpu.memref_slice %arg7[%dma_wait3A_69, %dma_wait3A_70] : memref<10112x32xf32, #tpu.memory_space<vmem_shared>> -> memref<10112x32xf32, #tpu.memory_space<vmem_shared>>
        tpu.wait_indirect_dma semaphore(%run_scoped3A : memref<!tpu.dma_semaphore, #tpu.memory_space<semaphore_mem>>) src(%arg13 : memref<128x32xf32, #tpu.memory_space<vmem>>) dst(%dma_wait3A_71 : memref<10112x32xf32, #tpu.memory_space<vmem_shared>>)
        tpu.yield
      }) : () -> ()
      %lt3A_55 = arith.constant 39 : i32
      %lt3A_56 = arith.cmpi slt, %add3A_25, %lt3A_55 : i32
      %convert_element_type3A_57 = arith.extui %lt3A_56 : i1 to i32
      %cond3A_58 = arith.constant 0 : i32
      %cond3A_59 = arith.cmpi ne, %convert_element_type3A_57, %cond3A_58 : i32
      scf.if %cond3A_59 {
        %add3A_60 = arith.constant 3 : i32
        %add3A_61 = arith.addi %mul3A_27, %add3A_60 : i32
        %dma_start3A_62 = arith.constant 0 : i32
        %dma_start3A_63 = tpu.memref_slice %arg8[%add3A_61, %dma_start3A_62] : memref<80x128xi32, #tpu.memory_space<vmem>> -> memref<1x128xi32, #tpu.memory_space<vmem>>
        %dma_start3A_64 = tpu.memref_squeeze %dma_start3A_63 : memref<1x128xi32, #tpu.memory_space<vmem>> -> memref<128xi32, #tpu.memory_space<vmem>>
        %dma_start3A_65 = arith.constant 0 : i32
        %dma_start3A_66 = arith.constant 0 : i32
        %dma_start3A_67 = tpu.memref_slice %arg2[%dma_start3A_65, %dma_start3A_66] : memref<10112x32xbf16, #tpu.memory_space<hbm>> -> memref<10112x32xbf16, #tpu.memory_space<hbm>>
        tpu.enqueue_indirect_dma source(%dma_start3A_67 : memref<10112x32xbf16, #tpu.memory_space<hbm>>) target(%arg11 : memref<128x32xbf16, #tpu.memory_space<vmem>>) offsets(%dma_start3A_64 : memref<128xi32, #tpu.memory_space<vmem>>) semaphore(%arg15 : memref<!tpu.dma_semaphore, #tpu.memory_space<semaphore_mem>>)
      } else {
      }
    }
    %scan3A_19 = arith.constant 40 : i32
    %barrier3A_20 = arith.constant 0 : index
    tpu.barrier barrier_id(%barrier3A_20)
    "tpu.region"() ({
      %run_scoped3A = tpu.sem_alloc : memref<!tpu.dma_semaphore, #tpu.memory_space<semaphore_mem>>
      %dma_start3A_21 = arith.constant 0 : i32
      %dma_start3A_22 = tpu.memref_slice %arg6[%arg0, %mul3A_2, %dma_start3A_21] : memref<2x10112x32xf32, #tpu.memory_space<hbm>> -> memref<1x632x32xf32, #tpu.memory_space<hbm>>
      %dma_start3A_23 = tpu.memref_squeeze %dma_start3A_22 : memref<1x632x32xf32, #tpu.memory_space<hbm>> -> memref<632x32xf32, #tpu.memory_space<hbm>>
      %dma_start3A_24 = arith.constant 0 : i32
      %dma_start3A_25 = tpu.memref_slice %arg7[%mul3A_2, %dma_start3A_24] : memref<10112x32xf32, #tpu.memory_space<vmem_shared>> -> memref<632x32xf32, #tpu.memory_space<vmem_shared>>
      tpu.enqueue_dma source(%dma_start3A_25 : memref<632x32xf32, #tpu.memory_space<vmem_shared>>) target(%dma_start3A_23 : memref<632x32xf32, #tpu.memory_space<hbm>>) target_semaphore(%run_scoped3A : memref<!tpu.dma_semaphore, #tpu.memory_space<semaphore_mem>>)
      %dma_wait3A = arith.constant 0 : i32
      %dma_wait3A_26 = tpu.memref_slice %arg6[%arg0, %mul3A_2, %dma_wait3A] : memref<2x10112x32xf32, #tpu.memory_space<hbm>> -> memref<1x632x32xf32, #tpu.memory_space<hbm>>
      %dma_wait3A_27 = tpu.memref_squeeze %dma_wait3A_26 : memref<1x632x32xf32, #tpu.memory_space<hbm>> -> memref<632x32xf32, #tpu.memory_space<hbm>>
      %dma_wait3A_28 = arith.constant 0 : i32
      %dma_wait3A_29 = tpu.memref_slice %arg7[%mul3A_2, %dma_wait3A_28] : memref<10112x32xf32, #tpu.memory_space<vmem_shared>> -> memref<632x32xf32, #tpu.memory_space<vmem_shared>>
      tpu.wait_dma2 semaphore(%run_scoped3A : memref<!tpu.dma_semaphore, #tpu.memory_space<semaphore_mem>>) src(%dma_wait3A_29 : memref<632x32xf32, #tpu.memory_space<vmem_shared>>) dst(%dma_wait3A_27 : memref<632x32xf32, #tpu.memory_space<hbm>>)
      tpu.yield
    }) : () -> ()
    return
  }
}

#map = affine_map<(d0, d1) -> (0, 0)>
#map1 = affine_map<(d0, d1) -> (0, 0, 0)>
module attributes {stable_mosaic.version = 14 : i64} {
  func.func @run(%arg0: i32, %arg1: i32, %arg2: memref<10112x32xbf16, #tpu.memory_space<hbm>>, %arg3: memref<32x80x128xi32, #tpu.memory_space<hbm>>, %arg4: memref<32x80x128xi32, #tpu.memory_space<hbm>>, %arg5: memref<10112x32xf32, #tpu.memory_space<hbm>>, %arg6: memref<2x10112x32xf32, #tpu.memory_space<hbm>>, %arg7: memref<10112x32xf32, #tpu.memory_space<vmem_shared>>, %arg8: memref<80x128xi32, #tpu.memory_space<vmem>>, %arg9: memref<80x128xi32, #tpu.memory_space<vmem>>, %arg10: memref<128x32xbf16, #tpu.memory_space<vmem>>, %arg11: memref<128x32xbf16, #tpu.memory_space<vmem>>, %arg12: memref<128x32xf32, #tpu.memory_space<vmem>>, %arg13: memref<128x32xf32, #tpu.memory_space<vmem>>, %arg14: memref<!tpu.dma_semaphore, #tpu.memory_space<semaphore_mem>>, %arg15: memref<!tpu.dma_semaphore, #tpu.memory_space<semaphore_mem>>) attributes {dimension_semantics = [#tpu.dimension_semantics<core_parallel>, #tpu.dimension_semantics<subcore_parallel>], iteration_bounds = array<i64: 2, 16>, scalar_prefetch = 0 : i64, scratch_operands = 9 : i64, tpu.core_type = #tpu.core_type<sc_vector_subcore>, window_params = [{transform_indices = #map}, {transform_indices = #map1}, {transform_indices = #map1}, {transform_indices = #map}, {transform_indices = #map1}]} {
    %mul3A = arith.constant 16 : i32
    %mul3A_0 = arith.muli %arg0, %mul3A : i32
    %add3A = arith.addi %mul3A_0, %arg1 : i32
    %mul3A_1 = arith.constant 632 : i32
    %mul3A_2 = arith.muli %arg1, %mul3A_1 : i32
    "tpu.region"() ({
      %run_scoped3A = tpu.sem_alloc : memref<!tpu.dma_semaphore, #tpu.memory_space<semaphore_mem>>
      %dma_start3A_21 = arith.constant 0 : i32
      %dma_start3A_22 = tpu.memref_slice %arg7[%mul3A_2, %dma_start3A_21] : memref<10112x32xf32, #tpu.memory_space<vmem_shared>> -> memref<632x32xf32, #tpu.memory_space<vmem_shared>>
      %dma_start3A_23 = arith.constant 0 : i32
      %dma_start3A_24 = tpu.memref_slice %arg5[%mul3A_2, %dma_start3A_23] : memref<10112x32xf32, #tpu.memory_space<hbm>> -> memref<632x32xf32, #tpu.memory_space<hbm>>
      tpu.enqueue_dma source(%dma_start3A_24 : memref<632x32xf32, #tpu.memory_space<hbm>>) target(%dma_start3A_22 : memref<632x32xf32, #tpu.memory_space<vmem_shared>>) target_semaphore(%run_scoped3A : memref<!tpu.dma_semaphore, #tpu.memory_space<semaphore_mem>>)
      %dma_wait3A = arith.constant 0 : i32
      %dma_wait3A_25 = tpu.memref_slice %arg7[%mul3A_2, %dma_wait3A] : memref<10112x32xf32, #tpu.memory_space<vmem_shared>> -> memref<632x32xf32, #tpu.memory_space<vmem_shared>>
      %dma_wait3A_26 = arith.constant 0 : i32
      %dma_wait3A_27 = tpu.memref_slice %arg5[%mul3A_2, %dma_wait3A_26] : memref<10112x32xf32, #tpu.memory_space<hbm>> -> memref<632x32xf32, #tpu.memory_space<hbm>>
      tpu.wait_dma2 semaphore(%run_scoped3A : memref<!tpu.dma_semaphore, #tpu.memory_space<semaphore_mem>>) src(%dma_wait3A_27 : memref<632x32xf32, #tpu.memory_space<hbm>>) dst(%dma_wait3A_25 : memref<632x32xf32, #tpu.memory_space<vmem_shared>>)
      tpu.yield
    }) : () -> ()
    "tpu.region"() ({
      %run_scoped3A = tpu.sem_alloc : memref<!tpu.dma_semaphore, #tpu.memory_space<semaphore_mem>>
      %dma_start3A_21 = arith.constant 0 : i32
      %dma_start3A_22 = arith.constant 0 : i32
      %dma_start3A_23 = tpu.memref_slice %arg3[%add3A, %dma_start3A_21, %dma_start3A_22] : memref<32x80x128xi32, #tpu.memory_space<hbm>> -> memref<1x80x128xi32, #tpu.memory_space<hbm>>
      %dma_start3A_24 = tpu.memref_squeeze %dma_start3A_23 : memref<1x80x128xi32, #tpu.memory_space<hbm>> -> memref<80x128xi32, #tpu.memory_space<hbm>>
      %dma_start3A_25 = arith.constant 0 : i32
      %dma_start3A_26 = arith.constant 0 : i32
      %dma_start3A_27 = tpu.memref_slice %arg3[%add3A, %dma_start3A_25, %dma_start3A_26] : memref<32x80x128xi32, #tpu.memory_space<hbm>> -> memref<1x80x128xi32, #tpu.memory_space<hbm>>
      %dma_start3A_28 = tpu.memref_squeeze %dma_start3A_27 : memref<1x80x128xi32, #tpu.memory_space<hbm>> -> memref<80x128xi32, #tpu.memory_space<hbm>>
      tpu.enqueue_dma source(%dma_start3A_28 : memref<80x128xi32, #tpu.memory_space<hbm>>) target(%arg8 : memref<80x128xi32, #tpu.memory_space<vmem>>) target_semaphore(%run_scoped3A : memref<!tpu.dma_semaphore, #tpu.memory_space<semaphore_mem>>)
      %dma_wait3A = arith.constant 0 : i32
      %dma_wait3A_29 = arith.constant 0 : i32
      %dma_wait3A_30 = tpu.memref_slice %arg3[%add3A, %dma_wait3A, %dma_wait3A_29] : memref<32x80x128xi32, #tpu.memory_space<hbm>> -> memref<1x80x128xi32, #tpu.memory_space<hbm>>
      %dma_wait3A_31 = tpu.memref_squeeze %dma_wait3A_30 : memref<1x80x128xi32, #tpu.memory_space<hbm>> -> memref<80x128xi32, #tpu.memory_space<hbm>>
      %dma_wait3A_32 = arith.constant 0 : i32
      %dma_wait3A_33 = arith.constant 0 : i32
      %dma_wait3A_34 = tpu.memref_slice %arg3[%add3A, %dma_wait3A_32, %dma_wait3A_33] : memref<32x80x128xi32, #tpu.memory_space<hbm>> -> memref<1x80x128xi32, #tpu.memory_space<hbm>>
      %dma_wait3A_35 = tpu.memref_squeeze %dma_wait3A_34 : memref<1x80x128xi32, #tpu.memory_space<hbm>> -> memref<80x128xi32, #tpu.memory_space<hbm>>
      tpu.wait_dma2 semaphore(%run_scoped3A : memref<!tpu.dma_semaphore, #tpu.memory_space<semaphore_mem>>) src(%dma_wait3A_35 : memref<80x128xi32, #tpu.memory_space<hbm>>) dst(%arg8 : memref<80x128xi32, #tpu.memory_space<vmem>>)
      tpu.yield
    }) : () -> ()
    "tpu.region"() ({
      %run_scoped3A = tpu.sem_alloc : memref<!tpu.dma_semaphore, #tpu.memory_space<semaphore_mem>>
      %dma_start3A_21 = arith.constant 0 : i32
      %dma_start3A_22 = arith.constant 0 : i32
      %dma_start3A_23 = tpu.memref_slice %arg4[%add3A, %dma_start3A_21, %dma_start3A_22] : memref<32x80x128xi32, #tpu.memory_space<hbm>> -> memref<1x80x128xi32, #tpu.memory_space<hbm>>
      %dma_start3A_24 = tpu.memref_squeeze %dma_start3A_23 : memref<1x80x128xi32, #tpu.memory_space<hbm>> -> memref<80x128xi32, #tpu.memory_space<hbm>>
      %dma_start3A_25 = arith.constant 0 : i32
      %dma_start3A_26 = arith.constant 0 : i32
      %dma_start3A_27 = tpu.memref_slice %arg4[%add3A, %dma_start3A_25, %dma_start3A_26] : memref<32x80x128xi32, #tpu.memory_space<hbm>> -> memref<1x80x128xi32, #tpu.memory_space<hbm>>
      %dma_start3A_28 = tpu.memref_squeeze %dma_start3A_27 : memref<1x80x128xi32, #tpu.memory_space<hbm>> -> memref<80x128xi32, #tpu.memory_space<hbm>>
      tpu.enqueue_dma source(%dma_start3A_28 : memref<80x128xi32, #tpu.memory_space<hbm>>) target(%arg9 : memref<80x128xi32, #tpu.memory_space<vmem>>) target_semaphore(%run_scoped3A : memref<!tpu.dma_semaphore, #tpu.memory_space<semaphore_mem>>)
      %dma_wait3A = arith.constant 0 : i32
      %dma_wait3A_29 = arith.constant 0 : i32
      %dma_wait3A_30 = tpu.memref_slice %arg4[%add3A, %dma_wait3A, %dma_wait3A_29] : memref<32x80x128xi32, #tpu.memory_space<hbm>> -> memref<1x80x128xi32, #tpu.memory_space<hbm>>
      %dma_wait3A_31 = tpu.memref_squeeze %dma_wait3A_30 : memref<1x80x128xi32, #tpu.memory_space<hbm>> -> memref<80x128xi32, #tpu.memory_space<hbm>>
      %dma_wait3A_32 = arith.constant 0 : i32
      %dma_wait3A_33 = arith.constant 0 : i32
      %dma_wait3A_34 = tpu.memref_slice %arg4[%add3A, %dma_wait3A_32, %dma_wait3A_33] : memref<32x80x128xi32, #tpu.memory_space<hbm>> -> memref<1x80x128xi32, #tpu.memory_space<hbm>>
      %dma_wait3A_35 = tpu.memref_squeeze %dma_wait3A_34 : memref<1x80x128xi32, #tpu.memory_space<hbm>> -> memref<80x128xi32, #tpu.memory_space<hbm>>
      tpu.wait_dma2 semaphore(%run_scoped3A : memref<!tpu.dma_semaphore, #tpu.memory_space<semaphore_mem>>) src(%dma_wait3A_35 : memref<80x128xi32, #tpu.memory_space<hbm>>) dst(%arg9 : memref<80x128xi32, #tpu.memory_space<vmem>>)
      tpu.yield
    }) : () -> ()
    %barrier3A = arith.constant 0 : index
    tpu.barrier barrier_id(%barrier3A)
    %dma_start3A = arith.constant 0 : i32
    %dma_start3A_3 = arith.constant 0 : i32
    %dma_start3A_4 = tpu.memref_slice %arg8[%dma_start3A, %dma_start3A_3] : memref<80x128xi32, #tpu.memory_space<vmem>> -> memref<1x128xi32, #tpu.memory_space<vmem>>
    %dma_start3A_5 = tpu.memref_squeeze %dma_start3A_4 : memref<1x128xi32, #tpu.memory_space<vmem>> -> memref<128xi32, #tpu.memory_space<vmem>>
    %dma_start3A_6 = arith.constant 0 : i32
    %dma_start3A_7 = arith.constant 0 : i32
    %dma_start3A_8 = tpu.memref_slice %arg2[%dma_start3A_6, %dma_start3A_7] : memref<10112x32xbf16, #tpu.memory_space<hbm>> -> memref<10112x32xbf16, #tpu.memory_space<hbm>>
    tpu.enqueue_indirect_dma source(%dma_start3A_8 : memref<10112x32xbf16, #tpu.memory_space<hbm>>) target(%arg10 : memref<128x32xbf16, #tpu.memory_space<vmem>>) offsets(%dma_start3A_5 : memref<128xi32, #tpu.memory_space<vmem>>) semaphore(%arg14 : memref<!tpu.dma_semaphore, #tpu.memory_space<semaphore_mem>>)
    %dma_start3A_9 = arith.constant 1 : i32
    %dma_start3A_10 = arith.constant 0 : i32
    %dma_start3A_11 = tpu.memref_slice %arg8[%dma_start3A_9, %dma_start3A_10] : memref<80x128xi32, #tpu.memory_space<vmem>> -> memref<1x128xi32, #tpu.memory_space<vmem>>
    %dma_start3A_12 = tpu.memref_squeeze %dma_start3A_11 : memref<1x128xi32, #tpu.memory_space<vmem>> -> memref<128xi32, #tpu.memory_space<vmem>>
    %dma_start3A_13 = arith.constant 0 : i32
    %dma_start3A_14 = arith.constant 0 : i32
    %dma_start3A_15 = tpu.memref_slice %arg2[%dma_start3A_13, %dma_start3A_14] : memref<10112x32xbf16, #tpu.memory_space<hbm>> -> memref<10112x32xbf16, #tpu.memory_space<hbm>>
    tpu.enqueue_indirect_dma source(%dma_start3A_15 : memref<10112x32xbf16, #tpu.memory_space<hbm>>) target(%arg11 : memref<128x32xbf16, #tpu.memory_space<vmem>>) offsets(%dma_start3A_12 : memref<128xi32, #tpu.memory_space<vmem>>) semaphore(%arg15 : memref<!tpu.dma_semaphore, #tpu.memory_space<semaphore_mem>>)
    %scan3A = arith.constant 0 : i32
    %scan3A_16 = arith.constant 40 : i32
    %scan3A_17 = arith.addi %scan3A, %scan3A_16 : i32
    %scan3A_18 = arith.constant 1 : i32
    scf.for %scan3A_21 = %scan3A to %scan3A_17 step %scan3A_18  : i32 {
      %mul3A_22 = arith.constant 1 : i32
      %mul3A_23 = arith.muli %scan3A_21, %mul3A_22 : i32
      %add3A_24 = arith.constant 0 : i32
      %add3A_25 = arith.addi %add3A_24, %mul3A_23 : i32
      %mul3A_26 = arith.constant 2 : i32
      %mul3A_27 = arith.muli %mul3A_26, %add3A_25 : i32
      %dma_wait3A = arith.constant 0 : i32
      %dma_wait3A_28 = tpu.memref_slice %arg8[%mul3A_27, %dma_wait3A] : memref<80x128xi32, #tpu.memory_space<vmem>> -> memref<1x128xi32, #tpu.memory_space<vmem>>
      %dma_wait3A_29 = tpu.memref_squeeze %dma_wait3A_28 : memref<1x128xi32, #tpu.memory_space<vmem>> -> memref<128xi32, #tpu.memory_space<vmem>>
      %dma_wait3A_30 = arith.constant 0 : i32
      %dma_wait3A_31 = arith.constant 0 : i32
      %dma_wait3A_32 = tpu.memref_slice %arg2[%dma_wait3A_30, %dma_wait3A_31] : memref<10112x32xbf16, #tpu.memory_space<hbm>> -> memref<10112x32xbf16, #tpu.memory_space<hbm>>
      tpu.wait_indirect_dma semaphore(%arg14 : memref<!tpu.dma_semaphore, #tpu.memory_space<semaphore_mem>>) src(%dma_wait3A_32 : memref<10112x32xbf16, #tpu.memory_space<hbm>>) dst(%arg10 : memref<128x32xbf16, #tpu.memory_space<vmem>>)
      %scan3A_33 = arith.constant 0 : i32
      %scan3A_34 = arith.constant 128 : i32
      %scan3A_35 = arith.addi %scan3A_33, %scan3A_34 : i32
      %scan3A_36 = arith.constant 8 : i32
      scf.for %scan3A_60 = %scan3A_33 to %scan3A_35 step %scan3A_36  : i32 {
        %mul3A_61 = arith.constant 1 : i32
        %mul3A_62 = arith.muli %scan3A_60, %mul3A_61 : i32
        %add3A_63 = arith.constant 0 : i32
        %add3A_64 = arith.addi %add3A_63, %mul3A_62 : i32
        %get3A = arith.index_cast %add3A_64 : i32 to index
        %get3A_65 = arith.constant 0 : index
        %get3A_66 = tpu.vector_load %arg10[%get3A, %get3A_65] {strides = array<i32>} : memref<128x32xbf16, #tpu.memory_space<vmem>>, vector<32xbf16>,
        %bitcast3A = vector.bitcast %get3A_66 : vector<32xbf16> to vector<16xi32>
        %shift_left3A = arith.constant 16 : i32
        %shift_left3A_67 = vector.broadcast %shift_left3A : i32 to vector<16xi32>
        %shift_left3A_68 = arith.shli %bitcast3A, %shift_left3A_67 : vector<16xi32>
        %bitcast3A_69 = vector.bitcast %shift_left3A_68 : vector<16xi32> to vector<16xf32>
        %and3A = arith.constant -65536 : i32
        %and3A_70 = vector.broadcast %and3A : i32 to vector<16xi32>
        %and3A_71 = arith.andi %bitcast3A, %and3A_70 : vector<16xi32>
        %bitcast3A_72 = vector.bitcast %and3A_71 : vector<16xi32> to vector<16xf32>
        %swap3A = arith.index_cast %add3A_64 : i32 to index
        %swap3A_73 = arith.constant 0 : index
        %swap3A_74 = tpu.vector_load %arg12[%swap3A, %swap3A_73] {strides = array<i32>} : memref<128x32xf32, #tpu.memory_space<vmem>>, vector<16xf32>,
        tpu.vector_store %arg12[%swap3A, %swap3A_73], %bitcast3A_69 {strides = array<i32>} : memref<128x32xf32, #tpu.memory_space<vmem>>, vector<16xf32>,
        %swap3A_75 = arith.index_cast %add3A_64 : i32 to index
        %swap3A_76 = arith.constant 16 : index
        %swap3A_77 = tpu.vector_load %arg12[%swap3A_75, %swap3A_76] {strides = array<i32>} : memref<128x32xf32, #tpu.memory_space<vmem>>, vector<16xf32>,
        tpu.vector_store %arg12[%swap3A_75, %swap3A_76], %bitcast3A_72 {strides = array<i32>} : memref<128x32xf32, #tpu.memory_space<vmem>>, vector<16xf32>,
        %scan3A_78 = arith.constant 1 : i32
        %scan3A_79 = arith.addi %scan3A_60, %scan3A_78 : i32
        %mul3A_80 = arith.constant 1 : i32
        %mul3A_81 = arith.muli %scan3A_79, %mul3A_80 : i32
        %add3A_82 = arith.constant 0 : i32
        %add3A_83 = arith.addi %add3A_82, %mul3A_81 : i32
        %get3A_84 = arith.index_cast %add3A_83 : i32 to index
        %get3A_85 = arith.constant 0 : index
        %get3A_86 = tpu.vector_load %arg10[%get3A_84, %get3A_85] {strides = array<i32>} : memref<128x32xbf16, #tpu.memory_space<vmem>>, vector<32xbf16>,
        %bitcast3A_87 = vector.bitcast %get3A_86 : vector<32xbf16> to vector<16xi32>
        %shift_left3A_88 = arith.constant 16 : i32
        %shift_left3A_89 = vector.broadcast %shift_left3A_88 : i32 to vector<16xi32>
        %shift_left3A_90 = arith.shli %bitcast3A_87, %shift_left3A_89 : vector<16xi32>
        %bitcast3A_91 = vector.bitcast %shift_left3A_90 : vector<16xi32> to vector<16xf32>
        %and3A_92 = arith.constant -65536 : i32
        %and3A_93 = vector.broadcast %and3A_92 : i32 to vector<16xi32>
        %and3A_94 = arith.andi %bitcast3A_87, %and3A_93 : vector<16xi32>
        %bitcast3A_95 = vector.bitcast %and3A_94 : vector<16xi32> to vector<16xf32>
        %swap3A_96 = arith.index_cast %add3A_83 : i32 to index
        %swap3A_97 = arith.constant 0 : index
        %swap3A_98 = tpu.vector_load %arg12[%swap3A_96, %swap3A_97] {strides = array<i32>} : memref<128x32xf32, #tpu.memory_space<vmem>>, vector<16xf32>,
        tpu.vector_store %arg12[%swap3A_96, %swap3A_97], %bitcast3A_91 {strides = array<i32>} : memref<128x32xf32, #tpu.memory_space<vmem>>, vector<16xf32>,
        %swap3A_99 = arith.index_cast %add3A_83 : i32 to index
        %swap3A_100 = arith.constant 16 : index
        %swap3A_101 = tpu.vector_load %arg12[%swap3A_99, %swap3A_100] {strides = array<i32>} : memref<128x32xf32, #tpu.memory_space<vmem>>, vector<16xf32>,
        tpu.vector_store %arg12[%swap3A_99, %swap3A_100], %bitcast3A_95 {strides = array<i32>} : memref<128x32xf32, #tpu.memory_space<vmem>>, vector<16xf32>,
        %scan3A_102 = arith.constant 2 : i32
        %scan3A_103 = arith.addi %scan3A_60, %scan3A_102 : i32
        %mul3A_104 = arith.constant 1 : i32
        %mul3A_105 = arith.muli %scan3A_103, %mul3A_104 : i32
        %add3A_106 = arith.constant 0 : i32
        %add3A_107 = arith.addi %add3A_106, %mul3A_105 : i32
        %get3A_108 = arith.index_cast %add3A_107 : i32 to index
        %get3A_109 = arith.constant 0 : index
        %get3A_110 = tpu.vector_load %arg10[%get3A_108, %get3A_109] {strides = array<i32>} : memref<128x32xbf16, #tpu.memory_space<vmem>>, vector<32xbf16>,
        %bitcast3A_111 = vector.bitcast %get3A_110 : vector<32xbf16> to vector<16xi32>
        %shift_left3A_112 = arith.constant 16 : i32
        %shift_left3A_113 = vector.broadcast %shift_left3A_112 : i32 to vector<16xi32>
        %shift_left3A_114 = arith.shli %bitcast3A_111, %shift_left3A_113 : vector<16xi32>
        %bitcast3A_115 = vector.bitcast %shift_left3A_114 : vector<16xi32> to vector<16xf32>
        %and3A_116 = arith.constant -65536 : i32
        %and3A_117 = vector.broadcast %and3A_116 : i32 to vector<16xi32>
        %and3A_118 = arith.andi %bitcast3A_111, %and3A_117 : vector<16xi32>
        %bitcast3A_119 = vector.bitcast %and3A_118 : vector<16xi32> to vector<16xf32>
        %swap3A_120 = arith.index_cast %add3A_107 : i32 to index
        %swap3A_121 = arith.constant 0 : index
        %swap3A_122 = tpu.vector_load %arg12[%swap3A_120, %swap3A_121] {strides = array<i32>} : memref<128x32xf32, #tpu.memory_space<vmem>>, vector<16xf32>,
        tpu.vector_store %arg12[%swap3A_120, %swap3A_121], %bitcast3A_115 {strides = array<i32>} : memref<128x32xf32, #tpu.memory_space<vmem>>, vector<16xf32>,
        %swap3A_123 = arith.index_cast %add3A_107 : i32 to index
        %swap3A_124 = arith.constant 16 : index
        %swap3A_125 = tpu.vector_load %arg12[%swap3A_123, %swap3A_124] {strides = array<i32>} : memref<128x32xf32, #tpu.memory_space<vmem>>, vector<16xf32>,
        tpu.vector_store %arg12[%swap3A_123, %swap3A_124], %bitcast3A_119 {strides = array<i32>} : memref<128x32xf32, #tpu.memory_space<vmem>>, vector<16xf32>,
        %scan3A_126 = arith.constant 3 : i32
        %scan3A_127 = arith.addi %scan3A_60, %scan3A_126 : i32
        %mul3A_128 = arith.constant 1 : i32
        %mul3A_129 = arith.muli %scan3A_127, %mul3A_128 : i32
        %add3A_130 = arith.constant 0 : i32
        %add3A_131 = arith.addi %add3A_130, %mul3A_129 : i32
        %get3A_132 = arith.index_cast %add3A_131 : i32 to index
        %get3A_133 = arith.constant 0 : index
        %get3A_134 = tpu.vector_load %arg10[%get3A_132, %get3A_133] {strides = array<i32>} : memref<128x32xbf16, #tpu.memory_space<vmem>>, vector<32xbf16>,
        %bitcast3A_135 = vector.bitcast %get3A_134 : vector<32xbf16> to vector<16xi32>
        %shift_left3A_136 = arith.constant 16 : i32
        %shift_left3A_137 = vector.broadcast %shift_left3A_136 : i32 to vector<16xi32>
        %shift_left3A_138 = arith.shli %bitcast3A_135, %shift_left3A_137 : vector<16xi32>
        %bitcast3A_139 = vector.bitcast %shift_left3A_138 : vector<16xi32> to vector<16xf32>
        %and3A_140 = arith.constant -65536 : i32
        %and3A_141 = vector.broadcast %and3A_140 : i32 to vector<16xi32>
        %and3A_142 = arith.andi %bitcast3A_135, %and3A_141 : vector<16xi32>
        %bitcast3A_143 = vector.bitcast %and3A_142 : vector<16xi32> to vector<16xf32>
        %swap3A_144 = arith.index_cast %add3A_131 : i32 to index
        %swap3A_145 = arith.constant 0 : index
        %swap3A_146 = tpu.vector_load %arg12[%swap3A_144, %swap3A_145] {strides = array<i32>} : memref<128x32xf32, #tpu.memory_space<vmem>>, vector<16xf32>,
        tpu.vector_store %arg12[%swap3A_144, %swap3A_145], %bitcast3A_139 {strides = array<i32>} : memref<128x32xf32, #tpu.memory_space<vmem>>, vector<16xf32>,
        %swap3A_147 = arith.index_cast %add3A_131 : i32 to index
        %swap3A_148 = arith.constant 16 : index
        %swap3A_149 = tpu.vector_load %arg12[%swap3A_147, %swap3A_148] {strides = array<i32>} : memref<128x32xf32, #tpu.memory_space<vmem>>, vector<16xf32>,
        tpu.vector_store %arg12[%swap3A_147, %swap3A_148], %bitcast3A_143 {strides = array<i32>} : memref<128x32xf32, #tpu.memory_space<vmem>>, vector<16xf32>,
        %scan3A_150 = arith.constant 4 : i32
        %scan3A_151 = arith.addi %scan3A_60, %scan3A_150 : i32
        %mul3A_152 = arith.constant 1 : i32
        %mul3A_153 = arith.muli %scan3A_151, %mul3A_152 : i32
        %add3A_154 = arith.constant 0 : i32
        %add3A_155 = arith.addi %add3A_154, %mul3A_153 : i32
        %get3A_156 = arith.index_cast %add3A_155 : i32 to index
        %get3A_157 = arith.constant 0 : index
        %get3A_158 = tpu.vector_load %arg10[%get3A_156, %get3A_157] {strides = array<i32>} : memref<128x32xbf16, #tpu.memory_space<vmem>>, vector<32xbf16>,
        %bitcast3A_159 = vector.bitcast %get3A_158 : vector<32xbf16> to vector<16xi32>
        %shift_left3A_160 = arith.constant 16 : i32
        %shift_left3A_161 = vector.broadcast %shift_left3A_160 : i32 to vector<16xi32>
        %shift_left3A_162 = arith.shli %bitcast3A_159, %shift_left3A_161 : vector<16xi32>
        %bitcast3A_163 = vector.bitcast %shift_left3A_162 : vector<16xi32> to vector<16xf32>
        %and3A_164 = arith.constant -65536 : i32
        %and3A_165 = vector.broadcast %and3A_164 : i32 to vector<16xi32>
        %and3A_166 = arith.andi %bitcast3A_159, %and3A_165 : vector<16xi32>
        %bitcast3A_167 = vector.bitcast %and3A_166 : vector<16xi32> to vector<16xf32>
        %swap3A_168 = arith.index_cast %add3A_155 : i32 to index
        %swap3A_169 = arith.constant 0 : index
        %swap3A_170 = tpu.vector_load %arg12[%swap3A_168, %swap3A_169] {strides = array<i32>} : memref<128x32xf32, #tpu.memory_space<vmem>>, vector<16xf32>,
        tpu.vector_store %arg12[%swap3A_168, %swap3A_169], %bitcast3A_163 {strides = array<i32>} : memref<128x32xf32, #tpu.memory_space<vmem>>, vector<16xf32>,
        %swap3A_171 = arith.index_cast %add3A_155 : i32 to index
        %swap3A_172 = arith.constant 16 : index
        %swap3A_173 = tpu.vector_load %arg12[%swap3A_171, %swap3A_172] {strides = array<i32>} : memref<128x32xf32, #tpu.memory_space<vmem>>, vector<16xf32>,
        tpu.vector_store %arg12[%swap3A_171, %swap3A_172], %bitcast3A_167 {strides = array<i32>} : memref<128x32xf32, #tpu.memory_space<vmem>>, vector<16xf32>,
        %scan3A_174 = arith.constant 5 : i32
        %scan3A_175 = arith.addi %scan3A_60, %scan3A_174 : i32
        %mul3A_176 = arith.constant 1 : i32
        %mul3A_177 = arith.muli %scan3A_175, %mul3A_176 : i32
        %add3A_178 = arith.constant 0 : i32
        %add3A_179 = arith.addi %add3A_178, %mul3A_177 : i32
        %get3A_180 = arith.index_cast %add3A_179 : i32 to index
        %get3A_181 = arith.constant 0 : index
        %get3A_182 = tpu.vector_load %arg10[%get3A_180, %get3A_181] {strides = array<i32>} : memref<128x32xbf16, #tpu.memory_space<vmem>>, vector<32xbf16>,
        %bitcast3A_183 = vector.bitcast %get3A_182 : vector<32xbf16> to vector<16xi32>
        %shift_left3A_184 = arith.constant 16 : i32
        %shift_left3A_185 = vector.broadcast %shift_left3A_184 : i32 to vector<16xi32>
        %shift_left3A_186 = arith.shli %bitcast3A_183, %shift_left3A_185 : vector<16xi32>
        %bitcast3A_187 = vector.bitcast %shift_left3A_186 : vector<16xi32> to vector<16xf32>
        %and3A_188 = arith.constant -65536 : i32
        %and3A_189 = vector.broadcast %and3A_188 : i32 to vector<16xi32>
        %and3A_190 = arith.andi %bitcast3A_183, %and3A_189 : vector<16xi32>
        %bitcast3A_191 = vector.bitcast %and3A_190 : vector<16xi32> to vector<16xf32>
        %swap3A_192 = arith.index_cast %add3A_179 : i32 to index
        %swap3A_193 = arith.constant 0 : index
        %swap3A_194 = tpu.vector_load %arg12[%swap3A_192, %swap3A_193] {strides = array<i32>} : memref<128x32xf32, #tpu.memory_space<vmem>>, vector<16xf32>,
        tpu.vector_store %arg12[%swap3A_192, %swap3A_193], %bitcast3A_187 {strides = array<i32>} : memref<128x32xf32, #tpu.memory_space<vmem>>, vector<16xf32>,
        %swap3A_195 = arith.index_cast %add3A_179 : i32 to index
        %swap3A_196 = arith.constant 16 : index
        %swap3A_197 = tpu.vector_load %arg12[%swap3A_195, %swap3A_196] {strides = array<i32>} : memref<128x32xf32, #tpu.memory_space<vmem>>, vector<16xf32>,
        tpu.vector_store %arg12[%swap3A_195, %swap3A_196], %bitcast3A_191 {strides = array<i32>} : memref<128x32xf32, #tpu.memory_space<vmem>>, vector<16xf32>,
        %scan3A_198 = arith.constant 6 : i32
        %scan3A_199 = arith.addi %scan3A_60, %scan3A_198 : i32
        %mul3A_200 = arith.constant 1 : i32
        %mul3A_201 = arith.muli %scan3A_199, %mul3A_200 : i32
        %add3A_202 = arith.constant 0 : i32
        %add3A_203 = arith.addi %add3A_202, %mul3A_201 : i32
        %get3A_204 = arith.index_cast %add3A_203 : i32 to index
        %get3A_205 = arith.constant 0 : index
        %get3A_206 = tpu.vector_load %arg10[%get3A_204, %get3A_205] {strides = array<i32>} : memref<128x32xbf16, #tpu.memory_space<vmem>>, vector<32xbf16>,
        %bitcast3A_207 = vector.bitcast %get3A_206 : vector<32xbf16> to vector<16xi32>
        %shift_left3A_208 = arith.constant 16 : i32
        %shift_left3A_209 = vector.broadcast %shift_left3A_208 : i32 to vector<16xi32>
        %shift_left3A_210 = arith.shli %bitcast3A_207, %shift_left3A_209 : vector<16xi32>
        %bitcast3A_211 = vector.bitcast %shift_left3A_210 : vector<16xi32> to vector<16xf32>
        %and3A_212 = arith.constant -65536 : i32
        %and3A_213 = vector.broadcast %and3A_212 : i32 to vector<16xi32>
        %and3A_214 = arith.andi %bitcast3A_207, %and3A_213 : vector<16xi32>
        %bitcast3A_215 = vector.bitcast %and3A_214 : vector<16xi32> to vector<16xf32>
        %swap3A_216 = arith.index_cast %add3A_203 : i32 to index
        %swap3A_217 = arith.constant 0 : index
        %swap3A_218 = tpu.vector_load %arg12[%swap3A_216, %swap3A_217] {strides = array<i32>} : memref<128x32xf32, #tpu.memory_space<vmem>>, vector<16xf32>,
        tpu.vector_store %arg12[%swap3A_216, %swap3A_217], %bitcast3A_211 {strides = array<i32>} : memref<128x32xf32, #tpu.memory_space<vmem>>, vector<16xf32>,
        %swap3A_219 = arith.index_cast %add3A_203 : i32 to index
        %swap3A_220 = arith.constant 16 : index
        %swap3A_221 = tpu.vector_load %arg12[%swap3A_219, %swap3A_220] {strides = array<i32>} : memref<128x32xf32, #tpu.memory_space<vmem>>, vector<16xf32>,
        tpu.vector_store %arg12[%swap3A_219, %swap3A_220], %bitcast3A_215 {strides = array<i32>} : memref<128x32xf32, #tpu.memory_space<vmem>>, vector<16xf32>,
        %scan3A_222 = arith.constant 7 : i32
        %scan3A_223 = arith.addi %scan3A_60, %scan3A_222 : i32
        %mul3A_224 = arith.constant 1 : i32
        %mul3A_225 = arith.muli %scan3A_223, %mul3A_224 : i32
        %add3A_226 = arith.constant 0 : i32
        %add3A_227 = arith.addi %add3A_226, %mul3A_225 : i32
        %get3A_228 = arith.index_cast %add3A_227 : i32 to index
        %get3A_229 = arith.constant 0 : index
        %get3A_230 = tpu.vector_load %arg10[%get3A_228, %get3A_229] {strides = array<i32>} : memref<128x32xbf16, #tpu.memory_space<vmem>>, vector<32xbf16>,
        %bitcast3A_231 = vector.bitcast %get3A_230 : vector<32xbf16> to vector<16xi32>
        %shift_left3A_232 = arith.constant 16 : i32
        %shift_left3A_233 = vector.broadcast %shift_left3A_232 : i32 to vector<16xi32>
        %shift_left3A_234 = arith.shli %bitcast3A_231, %shift_left3A_233 : vector<16xi32>
        %bitcast3A_235 = vector.bitcast %shift_left3A_234 : vector<16xi32> to vector<16xf32>
        %and3A_236 = arith.constant -65536 : i32
        %and3A_237 = vector.broadcast %and3A_236 : i32 to vector<16xi32>
        %and3A_238 = arith.andi %bitcast3A_231, %and3A_237 : vector<16xi32>
        %bitcast3A_239 = vector.bitcast %and3A_238 : vector<16xi32> to vector<16xf32>
        %swap3A_240 = arith.index_cast %add3A_227 : i32 to index
        %swap3A_241 = arith.constant 0 : index
        %swap3A_242 = tpu.vector_load %arg12[%swap3A_240, %swap3A_241] {strides = array<i32>} : memref<128x32xf32, #tpu.memory_space<vmem>>, vector<16xf32>,
        tpu.vector_store %arg12[%swap3A_240, %swap3A_241], %bitcast3A_235 {strides = array<i32>} : memref<128x32xf32, #tpu.memory_space<vmem>>, vector<16xf32>,
        %swap3A_243 = arith.index_cast %add3A_227 : i32 to index
        %swap3A_244 = arith.constant 16 : index
        %swap3A_245 = tpu.vector_load %arg12[%swap3A_243, %swap3A_244] {strides = array<i32>} : memref<128x32xf32, #tpu.memory_space<vmem>>, vector<16xf32>,
        tpu.vector_store %arg12[%swap3A_243, %swap3A_244], %bitcast3A_239 {strides = array<i32>} : memref<128x32xf32, #tpu.memory_space<vmem>>, vector<16xf32>,
      }
      %scan3A_37 = arith.constant 128 : i32
      "tpu.region"() ({
        %run_scoped3A = tpu.sem_alloc : memref<!tpu.dma_semaphore, #tpu.memory_space<semaphore_mem>>
        %dma_start3A_60 = arith.constant 0 : i32
        %dma_start3A_61 = tpu.memref_slice %arg9[%mul3A_27, %dma_start3A_60] : memref<80x128xi32, #tpu.memory_space<vmem>> -> memref<1x128xi32, #tpu.memory_space<vmem>>
        %dma_start3A_62 = tpu.memref_squeeze %dma_start3A_61 : memref<1x128xi32, #tpu.memory_space<vmem>> -> memref<128xi32, #tpu.memory_space<vmem>>
        %dma_start3A_63 = arith.constant 0 : i32
        %dma_start3A_64 = arith.constant 0 : i32
        %dma_start3A_65 = tpu.memref_slice %arg7[%dma_start3A_63, %dma_start3A_64] : memref<10112x32xf32, #tpu.memory_space<vmem_shared>> -> memref<10112x32xf32, #tpu.memory_space<vmem_shared>>
        tpu.enqueue_indirect_dma source(%arg12 : memref<128x32xf32, #tpu.memory_space<vmem>>) target(%dma_start3A_65 : memref<10112x32xf32, #tpu.memory_space<vmem_shared>>) offsets(%dma_start3A_62 : memref<128xi32, #tpu.memory_space<vmem>>) semaphore(%run_scoped3A : memref<!tpu.dma_semaphore, #tpu.memory_space<semaphore_mem>>) {add = true}
        %dma_wait3A_66 = arith.constant 0 : i32
        %dma_wait3A_67 = tpu.memref_slice %arg9[%mul3A_27, %dma_wait3A_66] : memref<80x128xi32, #tpu.memory_space<vmem>> -> memref<1x128xi32, #tpu.memory_space<vmem>>
        %dma_wait3A_68 = tpu.memref_squeeze %dma_wait3A_67 : memref<1x128xi32, #tpu.memory_space<vmem>> -> memref<128xi32, #tpu.memory_space<vmem>>
        %dma_wait3A_69 = arith.constant 0 : i32
        %dma_wait3A_70 = arith.constant 0 : i32
        %dma_wait3A_71 = tpu.memref_slice %arg7[%dma_wait3A_69, %dma_wait3A_70] : memref<10112x32xf32, #tpu.memory_space<vmem_shared>> -> memref<10112x32xf32, #tpu.memory_space<vmem_shared>>
        tpu.wait_indirect_dma semaphore(%run_scoped3A : memref<!tpu.dma_semaphore, #tpu.memory_space<semaphore_mem>>) src(%arg12 : memref<128x32xf32, #tpu.memory_space<vmem>>) dst(%dma_wait3A_71 : memref<10112x32xf32, #tpu.memory_space<vmem_shared>>)
        tpu.yield
      }) : () -> ()
      %lt3A = arith.constant 39 : i32
      %lt3A_38 = arith.cmpi slt, %add3A_25, %lt3A : i32
      %convert_element_type3A = arith.extui %lt3A_38 : i1 to i32
      %cond3A = arith.constant 0 : i32
      %cond3A_39 = arith.cmpi ne, %convert_element_type3A, %cond3A : i32
      scf.if %cond3A_39 {
        %add3A_60 = arith.constant 2 : i32
        %add3A_61 = arith.addi %mul3A_27, %add3A_60 : i32
        %dma_start3A_62 = arith.constant 0 : i32
        %dma_start3A_63 = tpu.memref_slice %arg8[%add3A_61, %dma_start3A_62] : memref<80x128xi32, #tpu.memory_space<vmem>> -> memref<1x128xi32, #tpu.memory_space<vmem>>
        %dma_start3A_64 = tpu.memref_squeeze %dma_start3A_63 : memref<1x128xi32, #tpu.memory_space<vmem>> -> memref<128xi32, #tpu.memory_space<vmem>>
        %dma_start3A_65 = arith.constant 0 : i32
        %dma_start3A_66 = arith.constant 0 : i32
        %dma_start3A_67 = tpu.memref_slice %arg2[%dma_start3A_65, %dma_start3A_66] : memref<10112x32xbf16, #tpu.memory_space<hbm>> -> memref<10112x32xbf16, #tpu.memory_space<hbm>>
        tpu.enqueue_indirect_dma source(%dma_start3A_67 : memref<10112x32xbf16, #tpu.memory_space<hbm>>) target(%arg10 : memref<128x32xbf16, #tpu.memory_space<vmem>>) offsets(%dma_start3A_64 : memref<128xi32, #tpu.memory_space<vmem>>) semaphore(%arg14 : memref<!tpu.dma_semaphore, #tpu.memory_space<semaphore_mem>>)
      } else {
      }
      %add3A_40 = arith.constant 1 : i32
      %add3A_41 = arith.addi %mul3A_27, %add3A_40 : i32
      %dma_wait3A_42 = arith.constant 0 : i32
      %dma_wait3A_43 = tpu.memref_slice %arg8[%add3A_41, %dma_wait3A_42] : memref<80x128xi32, #tpu.memory_space<vmem>> -> memref<1x128xi32, #tpu.memory_space<vmem>>
      %dma_wait3A_44 = tpu.memref_squeeze %dma_wait3A_43 : memref<1x128xi32, #tpu.memory_space<vmem>> -> memref<128xi32, #tpu.memory_space<vmem>>
      %dma_wait3A_45 = arith.constant 0 : i32
      %dma_wait3A_46 = arith.constant 0 : i32
      %dma_wait3A_47 = tpu.memref_slice %arg2[%dma_wait3A_45, %dma_wait3A_46] : memref<10112x32xbf16, #tpu.memory_space<hbm>> -> memref<10112x32xbf16, #tpu.memory_space<hbm>>
      tpu.wait_indirect_dma semaphore(%arg15 : memref<!tpu.dma_semaphore, #tpu.memory_space<semaphore_mem>>) src(%dma_wait3A_47 : memref<10112x32xbf16, #tpu.memory_space<hbm>>) dst(%arg11 : memref<128x32xbf16, #tpu.memory_space<vmem>>)
      %scan3A_48 = arith.constant 0 : i32
      %scan3A_49 = arith.constant 128 : i32
      %scan3A_50 = arith.addi %scan3A_48, %scan3A_49 : i32
      %scan3A_51 = arith.constant 8 : i32
      scf.for %scan3A_60 = %scan3A_48 to %scan3A_50 step %scan3A_51  : i32 {
        %mul3A_61 = arith.constant 1 : i32
        %mul3A_62 = arith.muli %scan3A_60, %mul3A_61 : i32
        %add3A_63 = arith.constant 0 : i32
        %add3A_64 = arith.addi %add3A_63, %mul3A_62 : i32
        %get3A = arith.index_cast %add3A_64 : i32 to index
        %get3A_65 = arith.constant 0 : index
        %get3A_66 = tpu.vector_load %arg11[%get3A, %get3A_65] {strides = array<i32>} : memref<128x32xbf16, #tpu.memory_space<vmem>>, vector<32xbf16>,
        %bitcast3A = vector.bitcast %get3A_66 : vector<32xbf16> to vector<16xi32>
        %shift_left3A = arith.constant 16 : i32
        %shift_left3A_67 = vector.broadcast %shift_left3A : i32 to vector<16xi32>
        %shift_left3A_68 = arith.shli %bitcast3A, %shift_left3A_67 : vector<16xi32>
        %bitcast3A_69 = vector.bitcast %shift_left3A_68 : vector<16xi32> to vector<16xf32>
        %and3A = arith.constant -65536 : i32
        %and3A_70 = vector.broadcast %and3A : i32 to vector<16xi32>
        %and3A_71 = arith.andi %bitcast3A, %and3A_70 : vector<16xi32>
        %bitcast3A_72 = vector.bitcast %and3A_71 : vector<16xi32> to vector<16xf32>
        %swap3A = arith.index_cast %add3A_64 : i32 to index
        %swap3A_73 = arith.constant 0 : index
        %swap3A_74 = tpu.vector_load %arg13[%swap3A, %swap3A_73] {strides = array<i32>} : memref<128x32xf32, #tpu.memory_space<vmem>>, vector<16xf32>,
        tpu.vector_store %arg13[%swap3A, %swap3A_73], %bitcast3A_69 {strides = array<i32>} : memref<128x32xf32, #tpu.memory_space<vmem>>, vector<16xf32>,
        %swap3A_75 = arith.index_cast %add3A_64 : i32 to index
        %swap3A_76 = arith.constant 16 : index
        %swap3A_77 = tpu.vector_load %arg13[%swap3A_75, %swap3A_76] {strides = array<i32>} : memref<128x32xf32, #tpu.memory_space<vmem>>, vector<16xf32>,
        tpu.vector_store %arg13[%swap3A_75, %swap3A_76], %bitcast3A_72 {strides = array<i32>} : memref<128x32xf32, #tpu.memory_space<vmem>>, vector<16xf32>,
        %scan3A_78 = arith.constant 1 : i32
        %scan3A_79 = arith.addi %scan3A_60, %scan3A_78 : i32
        %mul3A_80 = arith.constant 1 : i32
        %mul3A_81 = arith.muli %scan3A_79, %mul3A_80 : i32
        %add3A_82 = arith.constant 0 : i32
        %add3A_83 = arith.addi %add3A_82, %mul3A_81 : i32
        %get3A_84 = arith.index_cast %add3A_83 : i32 to index
        %get3A_85 = arith.constant 0 : index
        %get3A_86 = tpu.vector_load %arg11[%get3A_84, %get3A_85] {strides = array<i32>} : memref<128x32xbf16, #tpu.memory_space<vmem>>, vector<32xbf16>,
        %bitcast3A_87 = vector.bitcast %get3A_86 : vector<32xbf16> to vector<16xi32>
        %shift_left3A_88 = arith.constant 16 : i32
        %shift_left3A_89 = vector.broadcast %shift_left3A_88 : i32 to vector<16xi32>
        %shift_left3A_90 = arith.shli %bitcast3A_87, %shift_left3A_89 : vector<16xi32>
        %bitcast3A_91 = vector.bitcast %shift_left3A_90 : vector<16xi32> to vector<16xf32>
        %and3A_92 = arith.constant -65536 : i32
        %and3A_93 = vector.broadcast %and3A_92 : i32 to vector<16xi32>
        %and3A_94 = arith.andi %bitcast3A_87, %and3A_93 : vector<16xi32>
        %bitcast3A_95 = vector.bitcast %and3A_94 : vector<16xi32> to vector<16xf32>
        %swap3A_96 = arith.index_cast %add3A_83 : i32 to index
        %swap3A_97 = arith.constant 0 : index
        %swap3A_98 = tpu.vector_load %arg13[%swap3A_96, %swap3A_97] {strides = array<i32>} : memref<128x32xf32, #tpu.memory_space<vmem>>, vector<16xf32>,
        tpu.vector_store %arg13[%swap3A_96, %swap3A_97], %bitcast3A_91 {strides = array<i32>} : memref<128x32xf32, #tpu.memory_space<vmem>>, vector<16xf32>,
        %swap3A_99 = arith.index_cast %add3A_83 : i32 to index
        %swap3A_100 = arith.constant 16 : index
        %swap3A_101 = tpu.vector_load %arg13[%swap3A_99, %swap3A_100] {strides = array<i32>} : memref<128x32xf32, #tpu.memory_space<vmem>>, vector<16xf32>,
        tpu.vector_store %arg13[%swap3A_99, %swap3A_100], %bitcast3A_95 {strides = array<i32>} : memref<128x32xf32, #tpu.memory_space<vmem>>, vector<16xf32>,
        %scan3A_102 = arith.constant 2 : i32
        %scan3A_103 = arith.addi %scan3A_60, %scan3A_102 : i32
        %mul3A_104 = arith.constant 1 : i32
        %mul3A_105 = arith.muli %scan3A_103, %mul3A_104 : i32
        %add3A_106 = arith.constant 0 : i32
        %add3A_107 = arith.addi %add3A_106, %mul3A_105 : i32
        %get3A_108 = arith.index_cast %add3A_107 : i32 to index
        %get3A_109 = arith.constant 0 : index
        %get3A_110 = tpu.vector_load %arg11[%get3A_108, %get3A_109] {strides = array<i32>} : memref<128x32xbf16, #tpu.memory_space<vmem>>, vector<32xbf16>,
        %bitcast3A_111 = vector.bitcast %get3A_110 : vector<32xbf16> to vector<16xi32>
        %shift_left3A_112 = arith.constant 16 : i32
        %shift_left3A_113 = vector.broadcast %shift_left3A_112 : i32 to vector<16xi32>
        %shift_left3A_114 = arith.shli %bitcast3A_111, %shift_left3A_113 : vector<16xi32>
        %bitcast3A_115 = vector.bitcast %shift_left3A_114 : vector<16xi32> to vector<16xf32>
        %and3A_116 = arith.constant -65536 : i32
        %and3A_117 = vector.broadcast %and3A_116 : i32 to vector<16xi32>
        %and3A_118 = arith.andi %bitcast3A_111, %and3A_117 : vector<16xi32>
        %bitcast3A_119 = vector.bitcast %and3A_118 : vector<16xi32> to vector<16xf32>
        %swap3A_120 = arith.index_cast %add3A_107 : i32 to index
        %swap3A_121 = arith.constant 0 : index
        %swap3A_122 = tpu.vector_load %arg13[%swap3A_120, %swap3A_121] {strides = array<i32>} : memref<128x32xf32, #tpu.memory_space<vmem>>, vector<16xf32>,
        tpu.vector_store %arg13[%swap3A_120, %swap3A_121], %bitcast3A_115 {strides = array<i32>} : memref<128x32xf32, #tpu.memory_space<vmem>>, vector<16xf32>,
        %swap3A_123 = arith.index_cast %add3A_107 : i32 to index
        %swap3A_124 = arith.constant 16 : index
        %swap3A_125 = tpu.vector_load %arg13[%swap3A_123, %swap3A_124] {strides = array<i32>} : memref<128x32xf32, #tpu.memory_space<vmem>>, vector<16xf32>,
        tpu.vector_store %arg13[%swap3A_123, %swap3A_124], %bitcast3A_119 {strides = array<i32>} : memref<128x32xf32, #tpu.memory_space<vmem>>, vector<16xf32>,
        %scan3A_126 = arith.constant 3 : i32
        %scan3A_127 = arith.addi %scan3A_60, %scan3A_126 : i32
        %mul3A_128 = arith.constant 1 : i32
        %mul3A_129 = arith.muli %scan3A_127, %mul3A_128 : i32
        %add3A_130 = arith.constant 0 : i32
        %add3A_131 = arith.addi %add3A_130, %mul3A_129 : i32
        %get3A_132 = arith.index_cast %add3A_131 : i32 to index
        %get3A_133 = arith.constant 0 : index
        %get3A_134 = tpu.vector_load %arg11[%get3A_132, %get3A_133] {strides = array<i32>} : memref<128x32xbf16, #tpu.memory_space<vmem>>, vector<32xbf16>,
        %bitcast3A_135 = vector.bitcast %get3A_134 : vector<32xbf16> to vector<16xi32>
        %shift_left3A_136 = arith.constant 16 : i32
        %shift_left3A_137 = vector.broadcast %shift_left3A_136 : i32 to vector<16xi32>
        %shift_left3A_138 = arith.shli %bitcast3A_135, %shift_left3A_137 : vector<16xi32>
        %bitcast3A_139 = vector.bitcast %shift_left3A_138 : vector<16xi32> to vector<16xf32>
        %and3A_140 = arith.constant -65536 : i32
        %and3A_141 = vector.broadcast %and3A_140 : i32 to vector<16xi32>
        %and3A_142 = arith.andi %bitcast3A_135, %and3A_141 : vector<16xi32>
        %bitcast3A_143 = vector.bitcast %and3A_142 : vector<16xi32> to vector<16xf32>
        %swap3A_144 = arith.index_cast %add3A_131 : i32 to index
        %swap3A_145 = arith.constant 0 : index
        %swap3A_146 = tpu.vector_load %arg13[%swap3A_144, %swap3A_145] {strides = array<i32>} : memref<128x32xf32, #tpu.memory_space<vmem>>, vector<16xf32>,
        tpu.vector_store %arg13[%swap3A_144, %swap3A_145], %bitcast3A_139 {strides = array<i32>} : memref<128x32xf32, #tpu.memory_space<vmem>>, vector<16xf32>,
        %swap3A_147 = arith.index_cast %add3A_131 : i32 to index
        %swap3A_148 = arith.constant 16 : index
        %swap3A_149 = tpu.vector_load %arg13[%swap3A_147, %swap3A_148] {strides = array<i32>} : memref<128x32xf32, #tpu.memory_space<vmem>>, vector<16xf32>,
        tpu.vector_store %arg13[%swap3A_147, %swap3A_148], %bitcast3A_143 {strides = array<i32>} : memref<128x32xf32, #tpu.memory_space<vmem>>, vector<16xf32>,
        %scan3A_150 = arith.constant 4 : i32
        %scan3A_151 = arith.addi %scan3A_60, %scan3A_150 : i32
        %mul3A_152 = arith.constant 1 : i32
        %mul3A_153 = arith.muli %scan3A_151, %mul3A_152 : i32
        %add3A_154 = arith.constant 0 : i32
        %add3A_155 = arith.addi %add3A_154, %mul3A_153 : i32
        %get3A_156 = arith.index_cast %add3A_155 : i32 to index
        %get3A_157 = arith.constant 0 : index
        %get3A_158 = tpu.vector_load %arg11[%get3A_156, %get3A_157] {strides = array<i32>} : memref<128x32xbf16, #tpu.memory_space<vmem>>, vector<32xbf16>,
        %bitcast3A_159 = vector.bitcast %get3A_158 : vector<32xbf16> to vector<16xi32>
        %shift_left3A_160 = arith.constant 16 : i32
        %shift_left3A_161 = vector.broadcast %shift_left3A_160 : i32 to vector<16xi32>
        %shift_left3A_162 = arith.shli %bitcast3A_159, %shift_left3A_161 : vector<16xi32>
        %bitcast3A_163 = vector.bitcast %shift_left3A_162 : vector<16xi32> to vector<16xf32>
        %and3A_164 = arith.constant -65536 : i32
        %and3A_165 = vector.broadcast %and3A_164 : i32 to vector<16xi32>
        %and3A_166 = arith.andi %bitcast3A_159, %and3A_165 : vector<16xi32>
        %bitcast3A_167 = vector.bitcast %and3A_166 : vector<16xi32> to vector<16xf32>
        %swap3A_168 = arith.index_cast %add3A_155 : i32 to index
        %swap3A_169 = arith.constant 0 : index
        %swap3A_170 = tpu.vector_load %arg13[%swap3A_168, %swap3A_169] {strides = array<i32>} : memref<128x32xf32, #tpu.memory_space<vmem>>, vector<16xf32>,
        tpu.vector_store %arg13[%swap3A_168, %swap3A_169], %bitcast3A_163 {strides = array<i32>} : memref<128x32xf32, #tpu.memory_space<vmem>>, vector<16xf32>,
        %swap3A_171 = arith.index_cast %add3A_155 : i32 to index
        %swap3A_172 = arith.constant 16 : index
        %swap3A_173 = tpu.vector_load %arg13[%swap3A_171, %swap3A_172] {strides = array<i32>} : memref<128x32xf32, #tpu.memory_space<vmem>>, vector<16xf32>,
        tpu.vector_store %arg13[%swap3A_171, %swap3A_172], %bitcast3A_167 {strides = array<i32>} : memref<128x32xf32, #tpu.memory_space<vmem>>, vector<16xf32>,
        %scan3A_174 = arith.constant 5 : i32
        %scan3A_175 = arith.addi %scan3A_60, %scan3A_174 : i32
        %mul3A_176 = arith.constant 1 : i32
        %mul3A_177 = arith.muli %scan3A_175, %mul3A_176 : i32
        %add3A_178 = arith.constant 0 : i32
        %add3A_179 = arith.addi %add3A_178, %mul3A_177 : i32
        %get3A_180 = arith.index_cast %add3A_179 : i32 to index
        %get3A_181 = arith.constant 0 : index
        %get3A_182 = tpu.vector_load %arg11[%get3A_180, %get3A_181] {strides = array<i32>} : memref<128x32xbf16, #tpu.memory_space<vmem>>, vector<32xbf16>,
        %bitcast3A_183 = vector.bitcast %get3A_182 : vector<32xbf16> to vector<16xi32>
        %shift_left3A_184 = arith.constant 16 : i32
        %shift_left3A_185 = vector.broadcast %shift_left3A_184 : i32 to vector<16xi32>
        %shift_left3A_186 = arith.shli %bitcast3A_183, %shift_left3A_185 : vector<16xi32>
        %bitcast3A_187 = vector.bitcast %shift_left3A_186 : vector<16xi32> to vector<16xf32>
        %and3A_188 = arith.constant -65536 : i32
        %and3A_189 = vector.broadcast %and3A_188 : i32 to vector<16xi32>
        %and3A_190 = arith.andi %bitcast3A_183, %and3A_189 : vector<16xi32>
        %bitcast3A_191 = vector.bitcast %and3A_190 : vector<16xi32> to vector<16xf32>
        %swap3A_192 = arith.index_cast %add3A_179 : i32 to index
        %swap3A_193 = arith.constant 0 : index
        %swap3A_194 = tpu.vector_load %arg13[%swap3A_192, %swap3A_193] {strides = array<i32>} : memref<128x32xf32, #tpu.memory_space<vmem>>, vector<16xf32>,
        tpu.vector_store %arg13[%swap3A_192, %swap3A_193], %bitcast3A_187 {strides = array<i32>} : memref<128x32xf32, #tpu.memory_space<vmem>>, vector<16xf32>,
        %swap3A_195 = arith.index_cast %add3A_179 : i32 to index
        %swap3A_196 = arith.constant 16 : index
        %swap3A_197 = tpu.vector_load %arg13[%swap3A_195, %swap3A_196] {strides = array<i32>} : memref<128x32xf32, #tpu.memory_space<vmem>>, vector<16xf32>,
        tpu.vector_store %arg13[%swap3A_195, %swap3A_196], %bitcast3A_191 {strides = array<i32>} : memref<128x32xf32, #tpu.memory_space<vmem>>, vector<16xf32>,
        %scan3A_198 = arith.constant 6 : i32
        %scan3A_199 = arith.addi %scan3A_60, %scan3A_198 : i32
        %mul3A_200 = arith.constant 1 : i32
        %mul3A_201 = arith.muli %scan3A_199, %mul3A_200 : i32
        %add3A_202 = arith.constant 0 : i32
        %add3A_203 = arith.addi %add3A_202, %mul3A_201 : i32
        %get3A_204 = arith.index_cast %add3A_203 : i32 to index
        %get3A_205 = arith.constant 0 : index
        %get3A_206 = tpu.vector_load %arg11[%get3A_204, %get3A_205] {strides = array<i32>} : memref<128x32xbf16, #tpu.memory_space<vmem>>, vector<32xbf16>,
        %bitcast3A_207 = vector.bitcast %get3A_206 : vector<32xbf16> to vector<16xi32>
        %shift_left3A_208 = arith.constant 16 : i32
        %shift_left3A_209 = vector.broadcast %shift_left3A_208 : i32 to vector<16xi32>
        %shift_left3A_210 = arith.shli %bitcast3A_207, %shift_left3A_209 : vector<16xi32>
        %bitcast3A_211 = vector.bitcast %shift_left3A_210 : vector<16xi32> to vector<16xf32>
        %and3A_212 = arith.constant -65536 : i32
        %and3A_213 = vector.broadcast %and3A_212 : i32 to vector<16xi32>
        %and3A_214 = arith.andi %bitcast3A_207, %and3A_213 : vector<16xi32>
        %bitcast3A_215 = vector.bitcast %and3A_214 : vector<16xi32> to vector<16xf32>
        %swap3A_216 = arith.index_cast %add3A_203 : i32 to index
        %swap3A_217 = arith.constant 0 : index
        %swap3A_218 = tpu.vector_load %arg13[%swap3A_216, %swap3A_217] {strides = array<i32>} : memref<128x32xf32, #tpu.memory_space<vmem>>, vector<16xf32>,
        tpu.vector_store %arg13[%swap3A_216, %swap3A_217], %bitcast3A_211 {strides = array<i32>} : memref<128x32xf32, #tpu.memory_space<vmem>>, vector<16xf32>,
        %swap3A_219 = arith.index_cast %add3A_203 : i32 to index
        %swap3A_220 = arith.constant 16 : index
        %swap3A_221 = tpu.vector_load %arg13[%swap3A_219, %swap3A_220] {strides = array<i32>} : memref<128x32xf32, #tpu.memory_space<vmem>>, vector<16xf32>,
        tpu.vector_store %arg13[%swap3A_219, %swap3A_220], %bitcast3A_215 {strides = array<i32>} : memref<128x32xf32, #tpu.memory_space<vmem>>, vector<16xf32>,
        %scan3A_222 = arith.constant 7 : i32
        %scan3A_223 = arith.addi %scan3A_60, %scan3A_222 : i32
        %mul3A_224 = arith.constant 1 : i32
        %mul3A_225 = arith.muli %scan3A_223, %mul3A_224 : i32
        %add3A_226 = arith.constant 0 : i32
        %add3A_227 = arith.addi %add3A_226, %mul3A_225 : i32
        %get3A_228 = arith.index_cast %add3A_227 : i32 to index
        %get3A_229 = arith.constant 0 : index
        %get3A_230 = tpu.vector_load %arg11[%get3A_228, %get3A_229] {strides = array<i32>} : memref<128x32xbf16, #tpu.memory_space<vmem>>, vector<32xbf16>,
        %bitcast3A_231 = vector.bitcast %get3A_230 : vector<32xbf16> to vector<16xi32>
        %shift_left3A_232 = arith.constant 16 : i32
        %shift_left3A_233 = vector.broadcast %shift_left3A_232 : i32 to vector<16xi32>
        %shift_left3A_234 = arith.shli %bitcast3A_231, %shift_left3A_233 : vector<16xi32>
        %bitcast3A_235 = vector.bitcast %shift_left3A_234 : vector<16xi32> to vector<16xf32>
        %and3A_236 = arith.constant -65536 : i32
        %and3A_237 = vector.broadcast %and3A_236 : i32 to vector<16xi32>
        %and3A_238 = arith.andi %bitcast3A_231, %and3A_237 : vector<16xi32>
        %bitcast3A_239 = vector.bitcast %and3A_238 : vector<16xi32> to vector<16xf32>
        %swap3A_240 = arith.index_cast %add3A_227 : i32 to index
        %swap3A_241 = arith.constant 0 : index
        %swap3A_242 = tpu.vector_load %arg13[%swap3A_240, %swap3A_241] {strides = array<i32>} : memref<128x32xf32, #tpu.memory_space<vmem>>, vector<16xf32>,
        tpu.vector_store %arg13[%swap3A_240, %swap3A_241], %bitcast3A_235 {strides = array<i32>} : memref<128x32xf32, #tpu.memory_space<vmem>>, vector<16xf32>,
        %swap3A_243 = arith.index_cast %add3A_227 : i32 to index
        %swap3A_244 = arith.constant 16 : index
        %swap3A_245 = tpu.vector_load %arg13[%swap3A_243, %swap3A_244] {strides = array<i32>} : memref<128x32xf32, #tpu.memory_space<vmem>>, vector<16xf32>,
        tpu.vector_store %arg13[%swap3A_243, %swap3A_244], %bitcast3A_239 {strides = array<i32>} : memref<128x32xf32, #tpu.memory_space<vmem>>, vector<16xf32>,
      }
      %scan3A_52 = arith.constant 128 : i32
      %add3A_53 = arith.constant 1 : i32
      %add3A_54 = arith.addi %mul3A_27, %add3A_53 : i32
      "tpu.region"() ({
        %run_scoped3A = tpu.sem_alloc : memref<!tpu.dma_semaphore, #tpu.memory_space<semaphore_mem>>
        %dma_start3A_60 = arith.constant 0 : i32
        %dma_start3A_61 = tpu.memref_slice %arg9[%add3A_54, %dma_start3A_60] : memref<80x128xi32, #tpu.memory_space<vmem>> -> memref<1x128xi32, #tpu.memory_space<vmem>>
        %dma_start3A_62 = tpu.memref_squeeze %dma_start3A_61 : memref<1x128xi32, #tpu.memory_space<vmem>> -> memref<128xi32, #tpu.memory_space<vmem>>
        %dma_start3A_63 = arith.constant 0 : i32
        %dma_start3A_64 = arith.constant 0 : i32
        %dma_start3A_65 = tpu.memref_slice %arg7[%dma_start3A_63, %dma_start3A_64] : memref<10112x32xf32, #tpu.memory_space<vmem_shared>> -> memref<10112x32xf32, #tpu.memory_space<vmem_shared>>
        tpu.enqueue_indirect_dma source(%arg13 : memref<128x32xf32, #tpu.memory_space<vmem>>) target(%dma_start3A_65 : memref<10112x32xf32, #tpu.memory_space<vmem_shared>>) offsets(%dma_start3A_62 : memref<128xi32, #tpu.memory_space<vmem>>) semaphore(%run_scoped3A : memref<!tpu.dma_semaphore, #tpu.memory_space<semaphore_mem>>) {add = true}
        %dma_wait3A_66 = arith.constant 0 : i32
        %dma_wait3A_67 = tpu.memref_slice %arg9[%add3A_54, %dma_wait3A_66] : memref<80x128xi32, #tpu.memory_space<vmem>> -> memref<1x128xi32, #tpu.memory_space<vmem>>
        %dma_wait3A_68 = tpu.memref_squeeze %dma_wait3A_67 : memref<1x128xi32, #tpu.memory_space<vmem>> -> memref<128xi32, #tpu.memory_space<vmem>>
        %dma_wait3A_69 = arith.constant 0 : i32
        %dma_wait3A_70 = arith.constant 0 : i32
        %dma_wait3A_71 = tpu.memref_slice %arg7[%dma_wait3A_69, %dma_wait3A_70] : memref<10112x32xf32, #tpu.memory_space<vmem_shared>> -> memref<10112x32xf32, #tpu.memory_space<vmem_shared>>
        tpu.wait_indirect_dma semaphore(%run_scoped3A : memref<!tpu.dma_semaphore, #tpu.memory_space<semaphore_mem>>) src(%arg13 : memref<128x32xf32, #tpu.memory_space<vmem>>) dst(%dma_wait3A_71 : memref<10112x32xf32, #tpu.memory_space<vmem_shared>>)
        tpu.yield
      }) : () -> ()
      %lt3A_55 = arith.constant 39 : i32
      %lt3A_56 = arith.cmpi slt, %add3A_25, %lt3A_55 : i32
      %convert_element_type3A_57 = arith.extui %lt3A_56 : i1 to i32
      %cond3A_58 = arith.constant 0 : i32
      %cond3A_59 = arith.cmpi ne, %convert_element_type3A_57, %cond3A_58 : i32
      scf.if %cond3A_59 {
        %add3A_60 = arith.constant 3 : i32
        %add3A_61 = arith.addi %mul3A_27, %add3A_60 : i32
        %dma_start3A_62 = arith.constant 0 : i32
        %dma_start3A_63 = tpu.memref_slice %arg8[%add3A_61, %dma_start3A_62] : memref<80x128xi32, #tpu.memory_space<vmem>> -> memref<1x128xi32, #tpu.memory_space<vmem>>
        %dma_start3A_64 = tpu.memref_squeeze %dma_start3A_63 : memref<1x128xi32, #tpu.memory_space<vmem>> -> memref<128xi32, #tpu.memory_space<vmem>>
        %dma_start3A_65 = arith.constant 0 : i32
        %dma_start3A_66 = arith.constant 0 : i32
        %dma_start3A_67 = tpu.memref_slice %arg2[%dma_start3A_65, %dma_start3A_66] : memref<10112x32xbf16, #tpu.memory_space<hbm>> -> memref<10112x32xbf16, #tpu.memory_space<hbm>>
        tpu.enqueue_indirect_dma source(%dma_start3A_67 : memref<10112x32xbf16, #tpu.memory_space<hbm>>) target(%arg11 : memref<128x32xbf16, #tpu.memory_space<vmem>>) offsets(%dma_start3A_64 : memref<128xi32, #tpu.memory_space<vmem>>) semaphore(%arg15 : memref<!tpu.dma_semaphore, #tpu.memory_space<semaphore_mem>>)
      } else {
      }
    }
    %scan3A_19 = arith.constant 40 : i32
    %barrier3A_20 = arith.constant 0 : index
    tpu.barrier barrier_id(%barrier3A_20)
    "tpu.region"() ({
      %run_scoped3A = tpu.sem_alloc : memref<!tpu.dma_semaphore, #tpu.memory_space<semaphore_mem>>
      %dma_start3A_21 = arith.constant 0 : i32
      %dma_start3A_22 = tpu.memref_slice %arg6[%arg0, %mul3A_2, %dma_start3A_21] : memref<2x10112x32xf32, #tpu.memory_space<hbm>> -> memref<1x632x32xf32, #tpu.memory_space<hbm>>
      %dma_start3A_23 = tpu.memref_squeeze %dma_start3A_22 : memref<1x632x32xf32, #tpu.memory_space<hbm>> -> memref<632x32xf32, #tpu.memory_space<hbm>>
      %dma_start3A_24 = arith.constant 0 : i32
      %dma_start3A_25 = tpu.memref_slice %arg7[%mul3A_2, %dma_start3A_24] : memref<10112x32xf32, #tpu.memory_space<vmem_shared>> -> memref<632x32xf32, #tpu.memory_space<vmem_shared>>
      tpu.enqueue_dma source(%dma_start3A_25 : memref<632x32xf32, #tpu.memory_space<vmem_shared>>) target(%dma_start3A_23 : memref<632x32xf32, #tpu.memory_space<hbm>>) target_semaphore(%run_scoped3A : memref<!tpu.dma_semaphore, #tpu.memory_space<semaphore_mem>>)
      %dma_wait3A = arith.constant 0 : i32
      %dma_wait3A_26 = tpu.memref_slice %arg6[%arg0, %mul3A_2, %dma_wait3A] : memref<2x10112x32xf32, #tpu.memory_space<hbm>> -> memref<1x632x32xf32, #tpu.memory_space<hbm>>
      %dma_wait3A_27 = tpu.memref_squeeze %dma_wait3A_26 : memref<1x632x32xf32, #tpu.memory_space<hbm>> -> memref<632x32xf32, #tpu.memory_space<hbm>>
      %dma_wait3A_28 = arith.constant 0 : i32
      %dma_wait3A_29 = tpu.memref_slice %arg7[%mul3A_2, %dma_wait3A_28] : memref<10112x32xf32, #tpu.memory_space<vmem_shared>> -> memref<632x32xf32, #tpu.memory_space<vmem_shared>>
      tpu.wait_dma2 semaphore(%run_scoped3A : memref<!tpu.dma_semaphore, #tpu.memory_space<semaphore_mem>>) src(%dma_wait3A_29 : memref<632x32xf32, #tpu.memory_space<vmem_shared>>) dst(%dma_wait3A_27 : memref<632x32xf32, #tpu.memory_space<hbm>>)
      tpu.yield
    }) : () -> ()
    return
  }
}

#map = affine_map<(d0, d1) -> (0, 0)>
#map1 = affine_map<(d0, d1) -> (0, 0, 0)>
module attributes {stable_mosaic.version = 14 : i64} {
  func.func @run(%arg0: i32, %arg1: i32, %arg2: memref<10112x32xbf16, #tpu.memory_space<hbm>>, %arg3: memref<32x80x128xi32, #tpu.memory_space<hbm>>, %arg4: memref<32x80x128xi32, #tpu.memory_space<hbm>>, %arg5: memref<10112x32xf32, #tpu.memory_space<hbm>>, %arg6: memref<2x10112x32xf32, #tpu.memory_space<hbm>>, %arg7: memref<10112x32xf32, #tpu.memory_space<vmem_shared>>, %arg8: memref<80x128xi32, #tpu.memory_space<vmem>>, %arg9: memref<80x128xi32, #tpu.memory_space<vmem>>, %arg10: memref<128x32xbf16, #tpu.memory_space<vmem>>, %arg11: memref<128x32xbf16, #tpu.memory_space<vmem>>, %arg12: memref<128x32xf32, #tpu.memory_space<vmem>>, %arg13: memref<128x32xf32, #tpu.memory_space<vmem>>, %arg14: memref<!tpu.dma_semaphore, #tpu.memory_space<semaphore_mem>>, %arg15: memref<!tpu.dma_semaphore, #tpu.memory_space<semaphore_mem>>) attributes {dimension_semantics = [#tpu.dimension_semantics<core_parallel>, #tpu.dimension_semantics<subcore_parallel>], iteration_bounds = array<i64: 2, 16>, scalar_prefetch = 0 : i64, scratch_operands = 9 : i64, tpu.core_type = #tpu.core_type<sc_vector_subcore>, window_params = [{transform_indices = #map}, {transform_indices = #map1}, {transform_indices = #map1}, {transform_indices = #map}, {transform_indices = #map1}]} {
    %mul3A = arith.constant 16 : i32
    %mul3A_0 = arith.muli %arg0, %mul3A : i32
    %add3A = arith.addi %mul3A_0, %arg1 : i32
    %mul3A_1 = arith.constant 632 : i32
    %mul3A_2 = arith.muli %arg1, %mul3A_1 : i32
    "tpu.region"() ({
      %run_scoped3A = tpu.sem_alloc : memref<!tpu.dma_semaphore, #tpu.memory_space<semaphore_mem>>
      %dma_start3A_21 = arith.constant 0 : i32
      %dma_start3A_22 = tpu.memref_slice %arg7[%mul3A_2, %dma_start3A_21] : memref<10112x32xf32, #tpu.memory_space<vmem_shared>> -> memref<632x32xf32, #tpu.memory_space<vmem_shared>>
      %dma_start3A_23 = arith.constant 0 : i32
      %dma_start3A_24 = tpu.memref_slice %arg5[%mul3A_2, %dma_start3A_23] : memref<10112x32xf32, #tpu.memory_space<hbm>> -> memref<632x32xf32, #tpu.memory_space<hbm>>
      tpu.enqueue_dma source(%dma_start3A_24 : memref<632x32xf32, #tpu.memory_space<hbm>>) target(%dma_start3A_22 : memref<632x32xf32, #tpu.memory_space<vmem_shared>>) target_semaphore(%run_scoped3A : memref<!tpu.dma_semaphore, #tpu.memory_space<semaphore_mem>>)
      %dma_wait3A = arith.constant 0 : i32
      %dma_wait3A_25 = tpu.memref_slice %arg7[%mul3A_2, %dma_wait3A] : memref<10112x32xf32, #tpu.memory_space<vmem_shared>> -> memref<632x32xf32, #tpu.memory_space<vmem_shared>>
      %dma_wait3A_26 = arith.constant 0 : i32
      %dma_wait3A_27 = tpu.memref_slice %arg5[%mul3A_2, %dma_wait3A_26] : memref<10112x32xf32, #tpu.memory_space<hbm>> -> memref<632x32xf32, #tpu.memory_space<hbm>>
      tpu.wait_dma2 semaphore(%run_scoped3A : memref<!tpu.dma_semaphore, #tpu.memory_space<semaphore_mem>>) src(%dma_wait3A_27 : memref<632x32xf32, #tpu.memory_space<hbm>>) dst(%dma_wait3A_25 : memref<632x32xf32, #tpu.memory_space<vmem_shared>>)
      tpu.yield
    }) : () -> ()
    "tpu.region"() ({
      %run_scoped3A = tpu.sem_alloc : memref<!tpu.dma_semaphore, #tpu.memory_space<semaphore_mem>>
      %dma_start3A_21 = arith.constant 0 : i32
      %dma_start3A_22 = arith.constant 0 : i32
      %dma_start3A_23 = tpu.memref_slice %arg3[%add3A, %dma_start3A_21, %dma_start3A_22] : memref<32x80x128xi32, #tpu.memory_space<hbm>> -> memref<1x80x128xi32, #tpu.memory_space<hbm>>
      %dma_start3A_24 = tpu.memref_squeeze %dma_start3A_23 : memref<1x80x128xi32, #tpu.memory_space<hbm>> -> memref<80x128xi32, #tpu.memory_space<hbm>>
      %dma_start3A_25 = arith.constant 0 : i32
      %dma_start3A_26 = arith.constant 0 : i32
      %dma_start3A_27 = tpu.memref_slice %arg3[%add3A, %dma_start3A_25, %dma_start3A_26] : memref<32x80x128xi32, #tpu.memory_space<hbm>> -> memref<1x80x128xi32, #tpu.memory_space<hbm>>
      %dma_start3A_28 = tpu.memref_squeeze %dma_start3A_27 : memref<1x80x128xi32, #tpu.memory_space<hbm>> -> memref<80x128xi32, #tpu.memory_space<hbm>>
      tpu.enqueue_dma source(%dma_start3A_28 : memref<80x128xi32, #tpu.memory_space<hbm>>) target(%arg8 : memref<80x128xi32, #tpu.memory_space<vmem>>) target_semaphore(%run_scoped3A : memref<!tpu.dma_semaphore, #tpu.memory_space<semaphore_mem>>)
      %dma_wait3A = arith.constant 0 : i32
      %dma_wait3A_29 = arith.constant 0 : i32
      %dma_wait3A_30 = tpu.memref_slice %arg3[%add3A, %dma_wait3A, %dma_wait3A_29] : memref<32x80x128xi32, #tpu.memory_space<hbm>> -> memref<1x80x128xi32, #tpu.memory_space<hbm>>
      %dma_wait3A_31 = tpu.memref_squeeze %dma_wait3A_30 : memref<1x80x128xi32, #tpu.memory_space<hbm>> -> memref<80x128xi32, #tpu.memory_space<hbm>>
      %dma_wait3A_32 = arith.constant 0 : i32
      %dma_wait3A_33 = arith.constant 0 : i32
      %dma_wait3A_34 = tpu.memref_slice %arg3[%add3A, %dma_wait3A_32, %dma_wait3A_33] : memref<32x80x128xi32, #tpu.memory_space<hbm>> -> memref<1x80x128xi32, #tpu.memory_space<hbm>>
      %dma_wait3A_35 = tpu.memref_squeeze %dma_wait3A_34 : memref<1x80x128xi32, #tpu.memory_space<hbm>> -> memref<80x128xi32, #tpu.memory_space<hbm>>
      tpu.wait_dma2 semaphore(%run_scoped3A : memref<!tpu.dma_semaphore, #tpu.memory_space<semaphore_mem>>) src(%dma_wait3A_35 : memref<80x128xi32, #tpu.memory_space<hbm>>) dst(%arg8 : memref<80x128xi32, #tpu.memory_space<vmem>>)
      tpu.yield
    }) : () -> ()
    "tpu.region"() ({
      %run_scoped3A = tpu.sem_alloc : memref<!tpu.dma_semaphore, #tpu.memory_space<semaphore_mem>>
      %dma_start3A_21 = arith.constant 0 : i32
      %dma_start3A_22 = arith.constant 0 : i32
      %dma_start3A_23 = tpu.memref_slice %arg4[%add3A, %dma_start3A_21, %dma_start3A_22] : memref<32x80x128xi32, #tpu.memory_space<hbm>> -> memref<1x80x128xi32, #tpu.memory_space<hbm>>
      %dma_start3A_24 = tpu.memref_squeeze %dma_start3A_23 : memref<1x80x128xi32, #tpu.memory_space<hbm>> -> memref<80x128xi32, #tpu.memory_space<hbm>>
      %dma_start3A_25 = arith.constant 0 : i32
      %dma_start3A_26 = arith.constant 0 : i32
      %dma_start3A_27 = tpu.memref_slice %arg4[%add3A, %dma_start3A_25, %dma_start3A_26] : memref<32x80x128xi32, #tpu.memory_space<hbm>> -> memref<1x80x128xi32, #tpu.memory_space<hbm>>
      %dma_start3A_28 = tpu.memref_squeeze %dma_start3A_27 : memref<1x80x128xi32, #tpu.memory_space<hbm>> -> memref<80x128xi32, #tpu.memory_space<hbm>>
      tpu.enqueue_dma source(%dma_start3A_28 : memref<80x128xi32, #tpu.memory_space<hbm>>) target(%arg9 : memref<80x128xi32, #tpu.memory_space<vmem>>) target_semaphore(%run_scoped3A : memref<!tpu.dma_semaphore, #tpu.memory_space<semaphore_mem>>)
      %dma_wait3A = arith.constant 0 : i32
      %dma_wait3A_29 = arith.constant 0 : i32
      %dma_wait3A_30 = tpu.memref_slice %arg4[%add3A, %dma_wait3A, %dma_wait3A_29] : memref<32x80x128xi32, #tpu.memory_space<hbm>> -> memref<1x80x128xi32, #tpu.memory_space<hbm>>
      %dma_wait3A_31 = tpu.memref_squeeze %dma_wait3A_30 : memref<1x80x128xi32, #tpu.memory_space<hbm>> -> memref<80x128xi32, #tpu.memory_space<hbm>>
      %dma_wait3A_32 = arith.constant 0 : i32
      %dma_wait3A_33 = arith.constant 0 : i32
      %dma_wait3A_34 = tpu.memref_slice %arg4[%add3A, %dma_wait3A_32, %dma_wait3A_33] : memref<32x80x128xi32, #tpu.memory_space<hbm>> -> memref<1x80x128xi32, #tpu.memory_space<hbm>>
      %dma_wait3A_35 = tpu.memref_squeeze %dma_wait3A_34 : memref<1x80x128xi32, #tpu.memory_space<hbm>> -> memref<80x128xi32, #tpu.memory_space<hbm>>
      tpu.wait_dma2 semaphore(%run_scoped3A : memref<!tpu.dma_semaphore, #tpu.memory_space<semaphore_mem>>) src(%dma_wait3A_35 : memref<80x128xi32, #tpu.memory_space<hbm>>) dst(%arg9 : memref<80x128xi32, #tpu.memory_space<vmem>>)
      tpu.yield
    }) : () -> ()
    %barrier3A = arith.constant 0 : index
    tpu.barrier barrier_id(%barrier3A)
    %dma_start3A = arith.constant 0 : i32
    %dma_start3A_3 = arith.constant 0 : i32
    %dma_start3A_4 = tpu.memref_slice %arg8[%dma_start3A, %dma_start3A_3] : memref<80x128xi32, #tpu.memory_space<vmem>> -> memref<1x128xi32, #tpu.memory_space<vmem>>
    %dma_start3A_5 = tpu.memref_squeeze %dma_start3A_4 : memref<1x128xi32, #tpu.memory_space<vmem>> -> memref<128xi32, #tpu.memory_space<vmem>>
    %dma_start3A_6 = arith.constant 0 : i32
    %dma_start3A_7 = arith.constant 0 : i32
    %dma_start3A_8 = tpu.memref_slice %arg2[%dma_start3A_6, %dma_start3A_7] : memref<10112x32xbf16, #tpu.memory_space<hbm>> -> memref<10112x32xbf16, #tpu.memory_space<hbm>>
    tpu.enqueue_indirect_dma source(%dma_start3A_8 : memref<10112x32xbf16, #tpu.memory_space<hbm>>) target(%arg10 : memref<128x32xbf16, #tpu.memory_space<vmem>>) offsets(%dma_start3A_5 : memref<128xi32, #tpu.memory_space<vmem>>) semaphore(%arg14 : memref<!tpu.dma_semaphore, #tpu.memory_space<semaphore_mem>>)
    %dma_start3A_9 = arith.constant 1 : i32
    %dma_start3A_10 = arith.constant 0 : i32
    %dma_start3A_11 = tpu.memref_slice %arg8[%dma_start3A_9, %dma_start3A_10] : memref<80x128xi32, #tpu.memory_space<vmem>> -> memref<1x128xi32, #tpu.memory_space<vmem>>
    %dma_start3A_12 = tpu.memref_squeeze %dma_start3A_11 : memref<1x128xi32, #tpu.memory_space<vmem>> -> memref<128xi32, #tpu.memory_space<vmem>>
    %dma_start3A_13 = arith.constant 0 : i32
    %dma_start3A_14 = arith.constant 0 : i32
    %dma_start3A_15 = tpu.memref_slice %arg2[%dma_start3A_13, %dma_start3A_14] : memref<10112x32xbf16, #tpu.memory_space<hbm>> -> memref<10112x32xbf16, #tpu.memory_space<hbm>>
    tpu.enqueue_indirect_dma source(%dma_start3A_15 : memref<10112x32xbf16, #tpu.memory_space<hbm>>) target(%arg11 : memref<128x32xbf16, #tpu.memory_space<vmem>>) offsets(%dma_start3A_12 : memref<128xi32, #tpu.memory_space<vmem>>) semaphore(%arg15 : memref<!tpu.dma_semaphore, #tpu.memory_space<semaphore_mem>>)
    %scan3A = arith.constant 0 : i32
    %scan3A_16 = arith.constant 40 : i32
    %scan3A_17 = arith.addi %scan3A, %scan3A_16 : i32
    %scan3A_18 = arith.constant 1 : i32
    scf.for %scan3A_21 = %scan3A to %scan3A_17 step %scan3A_18  : i32 {
      %mul3A_22 = arith.constant 1 : i32
      %mul3A_23 = arith.muli %scan3A_21, %mul3A_22 : i32
      %add3A_24 = arith.constant 0 : i32
      %add3A_25 = arith.addi %add3A_24, %mul3A_23 : i32
      %mul3A_26 = arith.constant 2 : i32
      %mul3A_27 = arith.muli %mul3A_26, %add3A_25 : i32
      %dma_wait3A = arith.constant 0 : i32
      %dma_wait3A_28 = tpu.memref_slice %arg8[%mul3A_27, %dma_wait3A] : memref<80x128xi32, #tpu.memory_space<vmem>> -> memref<1x128xi32, #tpu.memory_space<vmem>>
      %dma_wait3A_29 = tpu.memref_squeeze %dma_wait3A_28 : memref<1x128xi32, #tpu.memory_space<vmem>> -> memref<128xi32, #tpu.memory_space<vmem>>
      %dma_wait3A_30 = arith.constant 0 : i32
      %dma_wait3A_31 = arith.constant 0 : i32
      %dma_wait3A_32 = tpu.memref_slice %arg2[%dma_wait3A_30, %dma_wait3A_31] : memref<10112x32xbf16, #tpu.memory_space<hbm>> -> memref<10112x32xbf16, #tpu.memory_space<hbm>>
      tpu.wait_indirect_dma semaphore(%arg14 : memref<!tpu.dma_semaphore, #tpu.memory_space<semaphore_mem>>) src(%dma_wait3A_32 : memref<10112x32xbf16, #tpu.memory_space<hbm>>) dst(%arg10 : memref<128x32xbf16, #tpu.memory_space<vmem>>)
      %scan3A_33 = arith.constant 0 : i32
      %scan3A_34 = arith.constant 128 : i32
      %scan3A_35 = arith.addi %scan3A_33, %scan3A_34 : i32
      %scan3A_36 = arith.constant 8 : i32
      scf.for %scan3A_60 = %scan3A_33 to %scan3A_35 step %scan3A_36  : i32 {
        %mul3A_61 = arith.constant 1 : i32
        %mul3A_62 = arith.muli %scan3A_60, %mul3A_61 : i32
        %add3A_63 = arith.constant 0 : i32
        %add3A_64 = arith.addi %add3A_63, %mul3A_62 : i32
        %get3A = arith.index_cast %add3A_64 : i32 to index
        %get3A_65 = arith.constant 0 : index
        %get3A_66 = tpu.vector_load %arg10[%get3A, %get3A_65] {strides = array<i32>} : memref<128x32xbf16, #tpu.memory_space<vmem>>, vector<32xbf16>,
        %bitcast3A = vector.bitcast %get3A_66 : vector<32xbf16> to vector<16xi32>
        %shift_left3A = arith.constant 16 : i32
        %shift_left3A_67 = vector.broadcast %shift_left3A : i32 to vector<16xi32>
        %shift_left3A_68 = arith.shli %bitcast3A, %shift_left3A_67 : vector<16xi32>
        %bitcast3A_69 = vector.bitcast %shift_left3A_68 : vector<16xi32> to vector<16xf32>
        %and3A = arith.constant -65536 : i32
        %and3A_70 = vector.broadcast %and3A : i32 to vector<16xi32>
        %and3A_71 = arith.andi %bitcast3A, %and3A_70 : vector<16xi32>
        %bitcast3A_72 = vector.bitcast %and3A_71 : vector<16xi32> to vector<16xf32>
        %swap3A = arith.index_cast %add3A_64 : i32 to index
        %swap3A_73 = arith.constant 0 : index
        %swap3A_74 = tpu.vector_load %arg12[%swap3A, %swap3A_73] {strides = array<i32>} : memref<128x32xf32, #tpu.memory_space<vmem>>, vector<16xf32>,
        tpu.vector_store %arg12[%swap3A, %swap3A_73], %bitcast3A_69 {strides = array<i32>} : memref<128x32xf32, #tpu.memory_space<vmem>>, vector<16xf32>,
        %swap3A_75 = arith.index_cast %add3A_64 : i32 to index
        %swap3A_76 = arith.constant 16 : index
        %swap3A_77 = tpu.vector_load %arg12[%swap3A_75, %swap3A_76] {strides = array<i32>} : memref<128x32xf32, #tpu.memory_space<vmem>>, vector<16xf32>,
        tpu.vector_store %arg12[%swap3A_75, %swap3A_76], %bitcast3A_72 {strides = array<i32>} : memref<128x32xf32, #tpu.memory_space<vmem>>, vector<16xf32>,
        %scan3A_78 = arith.constant 1 : i32
        %scan3A_79 = arith.addi %scan3A_60, %scan3A_78 : i32
        %mul3A_80 = arith.constant 1 : i32
        %mul3A_81 = arith.muli %scan3A_79, %mul3A_80 : i32
        %add3A_82 = arith.constant 0 : i32
        %add3A_83 = arith.addi %add3A_82, %mul3A_81 : i32
        %get3A_84 = arith.index_cast %add3A_83 : i32 to index
        %get3A_85 = arith.constant 0 : index
        %get3A_86 = tpu.vector_load %arg10[%get3A_84, %get3A_85] {strides = array<i32>} : memref<128x32xbf16, #tpu.memory_space<vmem>>, vector<32xbf16>,
        %bitcast3A_87 = vector.bitcast %get3A_86 : vector<32xbf16> to vector<16xi32>
        %shift_left3A_88 = arith.constant 16 : i32
        %shift_left3A_89 = vector.broadcast %shift_left3A_88 : i32 to vector<16xi32>
        %shift_left3A_90 = arith.shli %bitcast3A_87, %shift_left3A_89 : vector<16xi32>
        %bitcast3A_91 = vector.bitcast %shift_left3A_90 : vector<16xi32> to vector<16xf32>
        %and3A_92 = arith.constant -65536 : i32
        %and3A_93 = vector.broadcast %and3A_92 : i32 to vector<16xi32>
        %and3A_94 = arith.andi %bitcast3A_87, %and3A_93 : vector<16xi32>
        %bitcast3A_95 = vector.bitcast %and3A_94 : vector<16xi32> to vector<16xf32>
        %swap3A_96 = arith.index_cast %add3A_83 : i32 to index
        %swap3A_97 = arith.constant 0 : index
        %swap3A_98 = tpu.vector_load %arg12[%swap3A_96, %swap3A_97] {strides = array<i32>} : memref<128x32xf32, #tpu.memory_space<vmem>>, vector<16xf32>,
        tpu.vector_store %arg12[%swap3A_96, %swap3A_97], %bitcast3A_91 {strides = array<i32>} : memref<128x32xf32, #tpu.memory_space<vmem>>, vector<16xf32>,
        %swap3A_99 = arith.index_cast %add3A_83 : i32 to index
        %swap3A_100 = arith.constant 16 : index
        %swap3A_101 = tpu.vector_load %arg12[%swap3A_99, %swap3A_100] {strides = array<i32>} : memref<128x32xf32, #tpu.memory_space<vmem>>, vector<16xf32>,
        tpu.vector_store %arg12[%swap3A_99, %swap3A_100], %bitcast3A_95 {strides = array<i32>} : memref<128x32xf32, #tpu.memory_space<vmem>>, vector<16xf32>,
        %scan3A_102 = arith.constant 2 : i32
        %scan3A_103 = arith.addi %scan3A_60, %scan3A_102 : i32
        %mul3A_104 = arith.constant 1 : i32
        %mul3A_105 = arith.muli %scan3A_103, %mul3A_104 : i32
        %add3A_106 = arith.constant 0 : i32
        %add3A_107 = arith.addi %add3A_106, %mul3A_105 : i32
        %get3A_108 = arith.index_cast %add3A_107 : i32 to index
        %get3A_109 = arith.constant 0 : index
        %get3A_110 = tpu.vector_load %arg10[%get3A_108, %get3A_109] {strides = array<i32>} : memref<128x32xbf16, #tpu.memory_space<vmem>>, vector<32xbf16>,
        %bitcast3A_111 = vector.bitcast %get3A_110 : vector<32xbf16> to vector<16xi32>
        %shift_left3A_112 = arith.constant 16 : i32
        %shift_left3A_113 = vector.broadcast %shift_left3A_112 : i32 to vector<16xi32>
        %shift_left3A_114 = arith.shli %bitcast3A_111, %shift_left3A_113 : vector<16xi32>
        %bitcast3A_115 = vector.bitcast %shift_left3A_114 : vector<16xi32> to vector<16xf32>
        %and3A_116 = arith.constant -65536 : i32
        %and3A_117 = vector.broadcast %and3A_116 : i32 to vector<16xi32>
        %and3A_118 = arith.andi %bitcast3A_111, %and3A_117 : vector<16xi32>
        %bitcast3A_119 = vector.bitcast %and3A_118 : vector<16xi32> to vector<16xf32>
        %swap3A_120 = arith.index_cast %add3A_107 : i32 to index
        %swap3A_121 = arith.constant 0 : index
        %swap3A_122 = tpu.vector_load %arg12[%swap3A_120, %swap3A_121] {strides = array<i32>} : memref<128x32xf32, #tpu.memory_space<vmem>>, vector<16xf32>,
        tpu.vector_store %arg12[%swap3A_120, %swap3A_121], %bitcast3A_115 {strides = array<i32>} : memref<128x32xf32, #tpu.memory_space<vmem>>, vector<16xf32>,
        %swap3A_123 = arith.index_cast %add3A_107 : i32 to index
        %swap3A_124 = arith.constant 16 : index
        %swap3A_125 = tpu.vector_load %arg12[%swap3A_123, %swap3A_124] {strides = array<i32>} : memref<128x32xf32, #tpu.memory_space<vmem>>, vector<16xf32>,
        tpu.vector_store %arg12[%swap3A_123, %swap3A_124], %bitcast3A_119 {strides = array<i32>} : memref<128x32xf32, #tpu.memory_space<vmem>>, vector<16xf32>,
        %scan3A_126 = arith.constant 3 : i32
        %scan3A_127 = arith.addi %scan3A_60, %scan3A_126 : i32
        %mul3A_128 = arith.constant 1 : i32
        %mul3A_129 = arith.muli %scan3A_127, %mul3A_128 : i32
        %add3A_130 = arith.constant 0 : i32
        %add3A_131 = arith.addi %add3A_130, %mul3A_129 : i32
        %get3A_132 = arith.index_cast %add3A_131 : i32 to index
        %get3A_133 = arith.constant 0 : index
        %get3A_134 = tpu.vector_load %arg10[%get3A_132, %get3A_133] {strides = array<i32>} : memref<128x32xbf16, #tpu.memory_space<vmem>>, vector<32xbf16>,
        %bitcast3A_135 = vector.bitcast %get3A_134 : vector<32xbf16> to vector<16xi32>
        %shift_left3A_136 = arith.constant 16 : i32
        %shift_left3A_137 = vector.broadcast %shift_left3A_136 : i32 to vector<16xi32>
        %shift_left3A_138 = arith.shli %bitcast3A_135, %shift_left3A_137 : vector<16xi32>
        %bitcast3A_139 = vector.bitcast %shift_left3A_138 : vector<16xi32> to vector<16xf32>
        %and3A_140 = arith.constant -65536 : i32
        %and3A_141 = vector.broadcast %and3A_140 : i32 to vector<16xi32>
        %and3A_142 = arith.andi %bitcast3A_135, %and3A_141 : vector<16xi32>
        %bitcast3A_143 = vector.bitcast %and3A_142 : vector<16xi32> to vector<16xf32>
        %swap3A_144 = arith.index_cast %add3A_131 : i32 to index
        %swap3A_145 = arith.constant 0 : index
        %swap3A_146 = tpu.vector_load %arg12[%swap3A_144, %swap3A_145] {strides = array<i32>} : memref<128x32xf32, #tpu.memory_space<vmem>>, vector<16xf32>,
        tpu.vector_store %arg12[%swap3A_144, %swap3A_145], %bitcast3A_139 {strides = array<i32>} : memref<128x32xf32, #tpu.memory_space<vmem>>, vector<16xf32>,
        %swap3A_147 = arith.index_cast %add3A_131 : i32 to index
        %swap3A_148 = arith.constant 16 : index
        %swap3A_149 = tpu.vector_load %arg12[%swap3A_147, %swap3A_148] {strides = array<i32>} : memref<128x32xf32, #tpu.memory_space<vmem>>, vector<16xf32>,
        tpu.vector_store %arg12[%swap3A_147, %swap3A_148], %bitcast3A_143 {strides = array<i32>} : memref<128x32xf32, #tpu.memory_space<vmem>>, vector<16xf32>,
        %scan3A_150 = arith.constant 4 : i32
        %scan3A_151 = arith.addi %scan3A_60, %scan3A_150 : i32
        %mul3A_152 = arith.constant 1 : i32
        %mul3A_153 = arith.muli %scan3A_151, %mul3A_152 : i32
        %add3A_154 = arith.constant 0 : i32
        %add3A_155 = arith.addi %add3A_154, %mul3A_153 : i32
        %get3A_156 = arith.index_cast %add3A_155 : i32 to index
        %get3A_157 = arith.constant 0 : index
        %get3A_158 = tpu.vector_load %arg10[%get3A_156, %get3A_157] {strides = array<i32>} : memref<128x32xbf16, #tpu.memory_space<vmem>>, vector<32xbf16>,
        %bitcast3A_159 = vector.bitcast %get3A_158 : vector<32xbf16> to vector<16xi32>
        %shift_left3A_160 = arith.constant 16 : i32
        %shift_left3A_161 = vector.broadcast %shift_left3A_160 : i32 to vector<16xi32>
        %shift_left3A_162 = arith.shli %bitcast3A_159, %shift_left3A_161 : vector<16xi32>
        %bitcast3A_163 = vector.bitcast %shift_left3A_162 : vector<16xi32> to vector<16xf32>
        %and3A_164 = arith.constant -65536 : i32
        %and3A_165 = vector.broadcast %and3A_164 : i32 to vector<16xi32>
        %and3A_166 = arith.andi %bitcast3A_159, %and3A_165 : vector<16xi32>
        %bitcast3A_167 = vector.bitcast %and3A_166 : vector<16xi32> to vector<16xf32>
        %swap3A_168 = arith.index_cast %add3A_155 : i32 to index
        %swap3A_169 = arith.constant 0 : index
        %swap3A_170 = tpu.vector_load %arg12[%swap3A_168, %swap3A_169] {strides = array<i32>} : memref<128x32xf32, #tpu.memory_space<vmem>>, vector<16xf32>,
        tpu.vector_store %arg12[%swap3A_168, %swap3A_169], %bitcast3A_163 {strides = array<i32>} : memref<128x32xf32, #tpu.memory_space<vmem>>, vector<16xf32>,
        %swap3A_171 = arith.index_cast %add3A_155 : i32 to index
        %swap3A_172 = arith.constant 16 : index
        %swap3A_173 = tpu.vector_load %arg12[%swap3A_171, %swap3A_172] {strides = array<i32>} : memref<128x32xf32, #tpu.memory_space<vmem>>, vector<16xf32>,
        tpu.vector_store %arg12[%swap3A_171, %swap3A_172], %bitcast3A_167 {strides = array<i32>} : memref<128x32xf32, #tpu.memory_space<vmem>>, vector<16xf32>,
        %scan3A_174 = arith.constant 5 : i32
        %scan3A_175 = arith.addi %scan3A_60, %scan3A_174 : i32
        %mul3A_176 = arith.constant 1 : i32
        %mul3A_177 = arith.muli %scan3A_175, %mul3A_176 : i32
        %add3A_178 = arith.constant 0 : i32
        %add3A_179 = arith.addi %add3A_178, %mul3A_177 : i32
        %get3A_180 = arith.index_cast %add3A_179 : i32 to index
        %get3A_181 = arith.constant 0 : index
        %get3A_182 = tpu.vector_load %arg10[%get3A_180, %get3A_181] {strides = array<i32>} : memref<128x32xbf16, #tpu.memory_space<vmem>>, vector<32xbf16>,
        %bitcast3A_183 = vector.bitcast %get3A_182 : vector<32xbf16> to vector<16xi32>
        %shift_left3A_184 = arith.constant 16 : i32
        %shift_left3A_185 = vector.broadcast %shift_left3A_184 : i32 to vector<16xi32>
        %shift_left3A_186 = arith.shli %bitcast3A_183, %shift_left3A_185 : vector<16xi32>
        %bitcast3A_187 = vector.bitcast %shift_left3A_186 : vector<16xi32> to vector<16xf32>
        %and3A_188 = arith.constant -65536 : i32
        %and3A_189 = vector.broadcast %and3A_188 : i32 to vector<16xi32>
        %and3A_190 = arith.andi %bitcast3A_183, %and3A_189 : vector<16xi32>
        %bitcast3A_191 = vector.bitcast %and3A_190 : vector<16xi32> to vector<16xf32>
        %swap3A_192 = arith.index_cast %add3A_179 : i32 to index
        %swap3A_193 = arith.constant 0 : index
        %swap3A_194 = tpu.vector_load %arg12[%swap3A_192, %swap3A_193] {strides = array<i32>} : memref<128x32xf32, #tpu.memory_space<vmem>>, vector<16xf32>,
        tpu.vector_store %arg12[%swap3A_192, %swap3A_193], %bitcast3A_187 {strides = array<i32>} : memref<128x32xf32, #tpu.memory_space<vmem>>, vector<16xf32>,
        %swap3A_195 = arith.index_cast %add3A_179 : i32 to index
        %swap3A_196 = arith.constant 16 : index
        %swap3A_197 = tpu.vector_load %arg12[%swap3A_195, %swap3A_196] {strides = array<i32>} : memref<128x32xf32, #tpu.memory_space<vmem>>, vector<16xf32>,
        tpu.vector_store %arg12[%swap3A_195, %swap3A_196], %bitcast3A_191 {strides = array<i32>} : memref<128x32xf32, #tpu.memory_space<vmem>>, vector<16xf32>,
        %scan3A_198 = arith.constant 6 : i32
        %scan3A_199 = arith.addi %scan3A_60, %scan3A_198 : i32
        %mul3A_200 = arith.constant 1 : i32
        %mul3A_201 = arith.muli %scan3A_199, %mul3A_200 : i32
        %add3A_202 = arith.constant 0 : i32
        %add3A_203 = arith.addi %add3A_202, %mul3A_201 : i32
        %get3A_204 = arith.index_cast %add3A_203 : i32 to index
        %get3A_205 = arith.constant 0 : index
        %get3A_206 = tpu.vector_load %arg10[%get3A_204, %get3A_205] {strides = array<i32>} : memref<128x32xbf16, #tpu.memory_space<vmem>>, vector<32xbf16>,
        %bitcast3A_207 = vector.bitcast %get3A_206 : vector<32xbf16> to vector<16xi32>
        %shift_left3A_208 = arith.constant 16 : i32
        %shift_left3A_209 = vector.broadcast %shift_left3A_208 : i32 to vector<16xi32>
        %shift_left3A_210 = arith.shli %bitcast3A_207, %shift_left3A_209 : vector<16xi32>
        %bitcast3A_211 = vector.bitcast %shift_left3A_210 : vector<16xi32> to vector<16xf32>
        %and3A_212 = arith.constant -65536 : i32
        %and3A_213 = vector.broadcast %and3A_212 : i32 to vector<16xi32>
        %and3A_214 = arith.andi %bitcast3A_207, %and3A_213 : vector<16xi32>
        %bitcast3A_215 = vector.bitcast %and3A_214 : vector<16xi32> to vector<16xf32>
        %swap3A_216 = arith.index_cast %add3A_203 : i32 to index
        %swap3A_217 = arith.constant 0 : index
        %swap3A_218 = tpu.vector_load %arg12[%swap3A_216, %swap3A_217] {strides = array<i32>} : memref<128x32xf32, #tpu.memory_space<vmem>>, vector<16xf32>,
        tpu.vector_store %arg12[%swap3A_216, %swap3A_217], %bitcast3A_211 {strides = array<i32>} : memref<128x32xf32, #tpu.memory_space<vmem>>, vector<16xf32>,
        %swap3A_219 = arith.index_cast %add3A_203 : i32 to index
        %swap3A_220 = arith.constant 16 : index
        %swap3A_221 = tpu.vector_load %arg12[%swap3A_219, %swap3A_220] {strides = array<i32>} : memref<128x32xf32, #tpu.memory_space<vmem>>, vector<16xf32>,
        tpu.vector_store %arg12[%swap3A_219, %swap3A_220], %bitcast3A_215 {strides = array<i32>} : memref<128x32xf32, #tpu.memory_space<vmem>>, vector<16xf32>,
        %scan3A_222 = arith.constant 7 : i32
        %scan3A_223 = arith.addi %scan3A_60, %scan3A_222 : i32
        %mul3A_224 = arith.constant 1 : i32
        %mul3A_225 = arith.muli %scan3A_223, %mul3A_224 : i32
        %add3A_226 = arith.constant 0 : i32
        %add3A_227 = arith.addi %add3A_226, %mul3A_225 : i32
        %get3A_228 = arith.index_cast %add3A_227 : i32 to index
        %get3A_229 = arith.constant 0 : index
        %get3A_230 = tpu.vector_load %arg10[%get3A_228, %get3A_229] {strides = array<i32>} : memref<128x32xbf16, #tpu.memory_space<vmem>>, vector<32xbf16>,
        %bitcast3A_231 = vector.bitcast %get3A_230 : vector<32xbf16> to vector<16xi32>
        %shift_left3A_232 = arith.constant 16 : i32
        %shift_left3A_233 = vector.broadcast %shift_left3A_232 : i32 to vector<16xi32>
        %shift_left3A_234 = arith.shli %bitcast3A_231, %shift_left3A_233 : vector<16xi32>
        %bitcast3A_235 = vector.bitcast %shift_left3A_234 : vector<16xi32> to vector<16xf32>
        %and3A_236 = arith.constant -65536 : i32
        %and3A_237 = vector.broadcast %and3A_236 : i32 to vector<16xi32>
        %and3A_238 = arith.andi %bitcast3A_231, %and3A_237 : vector<16xi32>
        %bitcast3A_239 = vector.bitcast %and3A_238 : vector<16xi32> to vector<16xf32>
        %swap3A_240 = arith.index_cast %add3A_227 : i32 to index
        %swap3A_241 = arith.constant 0 : index
        %swap3A_242 = tpu.vector_load %arg12[%swap3A_240, %swap3A_241] {strides = array<i32>} : memref<128x32xf32, #tpu.memory_space<vmem>>, vector<16xf32>,
        tpu.vector_store %arg12[%swap3A_240, %swap3A_241], %bitcast3A_235 {strides = array<i32>} : memref<128x32xf32, #tpu.memory_space<vmem>>, vector<16xf32>,
        %swap3A_243 = arith.index_cast %add3A_227 : i32 to index
        %swap3A_244 = arith.constant 16 : index
        %swap3A_245 = tpu.vector_load %arg12[%swap3A_243, %swap3A_244] {strides = array<i32>} : memref<128x32xf32, #tpu.memory_space<vmem>>, vector<16xf32>,
        tpu.vector_store %arg12[%swap3A_243, %swap3A_244], %bitcast3A_239 {strides = array<i32>} : memref<128x32xf32, #tpu.memory_space<vmem>>, vector<16xf32>,
      }
      %scan3A_37 = arith.constant 128 : i32
      "tpu.region"() ({
        %run_scoped3A = tpu.sem_alloc : memref<!tpu.dma_semaphore, #tpu.memory_space<semaphore_mem>>
        %dma_start3A_60 = arith.constant 0 : i32
        %dma_start3A_61 = tpu.memref_slice %arg9[%mul3A_27, %dma_start3A_60] : memref<80x128xi32, #tpu.memory_space<vmem>> -> memref<1x128xi32, #tpu.memory_space<vmem>>
        %dma_start3A_62 = tpu.memref_squeeze %dma_start3A_61 : memref<1x128xi32, #tpu.memory_space<vmem>> -> memref<128xi32, #tpu.memory_space<vmem>>
        %dma_start3A_63 = arith.constant 0 : i32
        %dma_start3A_64 = arith.constant 0 : i32
        %dma_start3A_65 = tpu.memref_slice %arg7[%dma_start3A_63, %dma_start3A_64] : memref<10112x32xf32, #tpu.memory_space<vmem_shared>> -> memref<10112x32xf32, #tpu.memory_space<vmem_shared>>
        tpu.enqueue_indirect_dma source(%arg12 : memref<128x32xf32, #tpu.memory_space<vmem>>) target(%dma_start3A_65 : memref<10112x32xf32, #tpu.memory_space<vmem_shared>>) offsets(%dma_start3A_62 : memref<128xi32, #tpu.memory_space<vmem>>) semaphore(%run_scoped3A : memref<!tpu.dma_semaphore, #tpu.memory_space<semaphore_mem>>) {add = true}
        %dma_wait3A_66 = arith.constant 0 : i32
        %dma_wait3A_67 = tpu.memref_slice %arg9[%mul3A_27, %dma_wait3A_66] : memref<80x128xi32, #tpu.memory_space<vmem>> -> memref<1x128xi32, #tpu.memory_space<vmem>>
        %dma_wait3A_68 = tpu.memref_squeeze %dma_wait3A_67 : memref<1x128xi32, #tpu.memory_space<vmem>> -> memref<128xi32, #tpu.memory_space<vmem>>
        %dma_wait3A_69 = arith.constant 0 : i32
        %dma_wait3A_70 = arith.constant 0 : i32
        %dma_wait3A_71 = tpu.memref_slice %arg7[%dma_wait3A_69, %dma_wait3A_70] : memref<10112x32xf32, #tpu.memory_space<vmem_shared>> -> memref<10112x32xf32, #tpu.memory_space<vmem_shared>>
        tpu.wait_indirect_dma semaphore(%run_scoped3A : memref<!tpu.dma_semaphore, #tpu.memory_space<semaphore_mem>>) src(%arg12 : memref<128x32xf32, #tpu.memory_space<vmem>>) dst(%dma_wait3A_71 : memref<10112x32xf32, #tpu.memory_space<vmem_shared>>)
        tpu.yield
      }) : () -> ()
      %lt3A = arith.constant 39 : i32
      %lt3A_38 = arith.cmpi slt, %add3A_25, %lt3A : i32
      %convert_element_type3A = arith.extui %lt3A_38 : i1 to i32
      %cond3A = arith.constant 0 : i32
      %cond3A_39 = arith.cmpi ne, %convert_element_type3A, %cond3A : i32
      scf.if %cond3A_39 {
        %add3A_60 = arith.constant 2 : i32
        %add3A_61 = arith.addi %mul3A_27, %add3A_60 : i32
        %dma_start3A_62 = arith.constant 0 : i32
        %dma_start3A_63 = tpu.memref_slice %arg8[%add3A_61, %dma_start3A_62] : memref<80x128xi32, #tpu.memory_space<vmem>> -> memref<1x128xi32, #tpu.memory_space<vmem>>
        %dma_start3A_64 = tpu.memref_squeeze %dma_start3A_63 : memref<1x128xi32, #tpu.memory_space<vmem>> -> memref<128xi32, #tpu.memory_space<vmem>>
        %dma_start3A_65 = arith.constant 0 : i32
        %dma_start3A_66 = arith.constant 0 : i32
        %dma_start3A_67 = tpu.memref_slice %arg2[%dma_start3A_65, %dma_start3A_66] : memref<10112x32xbf16, #tpu.memory_space<hbm>> -> memref<10112x32xbf16, #tpu.memory_space<hbm>>
        tpu.enqueue_indirect_dma source(%dma_start3A_67 : memref<10112x32xbf16, #tpu.memory_space<hbm>>) target(%arg10 : memref<128x32xbf16, #tpu.memory_space<vmem>>) offsets(%dma_start3A_64 : memref<128xi32, #tpu.memory_space<vmem>>) semaphore(%arg14 : memref<!tpu.dma_semaphore, #tpu.memory_space<semaphore_mem>>)
      } else {
      }
      %add3A_40 = arith.constant 1 : i32
      %add3A_41 = arith.addi %mul3A_27, %add3A_40 : i32
      %dma_wait3A_42 = arith.constant 0 : i32
      %dma_wait3A_43 = tpu.memref_slice %arg8[%add3A_41, %dma_wait3A_42] : memref<80x128xi32, #tpu.memory_space<vmem>> -> memref<1x128xi32, #tpu.memory_space<vmem>>
      %dma_wait3A_44 = tpu.memref_squeeze %dma_wait3A_43 : memref<1x128xi32, #tpu.memory_space<vmem>> -> memref<128xi32, #tpu.memory_space<vmem>>
      %dma_wait3A_45 = arith.constant 0 : i32
      %dma_wait3A_46 = arith.constant 0 : i32
      %dma_wait3A_47 = tpu.memref_slice %arg2[%dma_wait3A_45, %dma_wait3A_46] : memref<10112x32xbf16, #tpu.memory_space<hbm>> -> memref<10112x32xbf16, #tpu.memory_space<hbm>>
      tpu.wait_indirect_dma semaphore(%arg15 : memref<!tpu.dma_semaphore, #tpu.memory_space<semaphore_mem>>) src(%dma_wait3A_47 : memref<10112x32xbf16, #tpu.memory_space<hbm>>) dst(%arg11 : memref<128x32xbf16, #tpu.memory_space<vmem>>)
      %scan3A_48 = arith.constant 0 : i32
      %scan3A_49 = arith.constant 128 : i32
      %scan3A_50 = arith.addi %scan3A_48, %scan3A_49 : i32
      %scan3A_51 = arith.constant 8 : i32
      scf.for %scan3A_60 = %scan3A_48 to %scan3A_50 step %scan3A_51  : i32 {
        %mul3A_61 = arith.constant 1 : i32
        %mul3A_62 = arith.muli %scan3A_60, %mul3A_61 : i32
        %add3A_63 = arith.constant 0 : i32
        %add3A_64 = arith.addi %add3A_63, %mul3A_62 : i32
        %get3A = arith.index_cast %add3A_64 : i32 to index
        %get3A_65 = arith.constant 0 : index
        %get3A_66 = tpu.vector_load %arg11[%get3A, %get3A_65] {strides = array<i32>} : memref<128x32xbf16, #tpu.memory_space<vmem>>, vector<32xbf16>,
        %bitcast3A = vector.bitcast %get3A_66 : vector<32xbf16> to vector<16xi32>
        %shift_left3A = arith.constant 16 : i32
        %shift_left3A_67 = vector.broadcast %shift_left3A : i32 to vector<16xi32>
        %shift_left3A_68 = arith.shli %bitcast3A, %shift_left3A_67 : vector<16xi32>
        %bitcast3A_69 = vector.bitcast %shift_left3A_68 : vector<16xi32> to vector<16xf32>
        %and3A = arith.constant -65536 : i32
        %and3A_70 = vector.broadcast %and3A : i32 to vector<16xi32>
        %and3A_71 = arith.andi %bitcast3A, %and3A_70 : vector<16xi32>
        %bitcast3A_72 = vector.bitcast %and3A_71 : vector<16xi32> to vector<16xf32>
        %swap3A = arith.index_cast %add3A_64 : i32 to index
        %swap3A_73 = arith.constant 0 : index
        %swap3A_74 = tpu.vector_load %arg13[%swap3A, %swap3A_73] {strides = array<i32>} : memref<128x32xf32, #tpu.memory_space<vmem>>, vector<16xf32>,
        tpu.vector_store %arg13[%swap3A, %swap3A_73], %bitcast3A_69 {strides = array<i32>} : memref<128x32xf32, #tpu.memory_space<vmem>>, vector<16xf32>,
        %swap3A_75 = arith.index_cast %add3A_64 : i32 to index
        %swap3A_76 = arith.constant 16 : index
        %swap3A_77 = tpu.vector_load %arg13[%swap3A_75, %swap3A_76] {strides = array<i32>} : memref<128x32xf32, #tpu.memory_space<vmem>>, vector<16xf32>,
        tpu.vector_store %arg13[%swap3A_75, %swap3A_76], %bitcast3A_72 {strides = array<i32>} : memref<128x32xf32, #tpu.memory_space<vmem>>, vector<16xf32>,
        %scan3A_78 = arith.constant 1 : i32
        %scan3A_79 = arith.addi %scan3A_60, %scan3A_78 : i32
        %mul3A_80 = arith.constant 1 : i32
        %mul3A_81 = arith.muli %scan3A_79, %mul3A_80 : i32
        %add3A_82 = arith.constant 0 : i32
        %add3A_83 = arith.addi %add3A_82, %mul3A_81 : i32
        %get3A_84 = arith.index_cast %add3A_83 : i32 to index
        %get3A_85 = arith.constant 0 : index
        %get3A_86 = tpu.vector_load %arg11[%get3A_84, %get3A_85] {strides = array<i32>} : memref<128x32xbf16, #tpu.memory_space<vmem>>, vector<32xbf16>,
        %bitcast3A_87 = vector.bitcast %get3A_86 : vector<32xbf16> to vector<16xi32>
        %shift_left3A_88 = arith.constant 16 : i32
        %shift_left3A_89 = vector.broadcast %shift_left3A_88 : i32 to vector<16xi32>
        %shift_left3A_90 = arith.shli %bitcast3A_87, %shift_left3A_89 : vector<16xi32>
        %bitcast3A_91 = vector.bitcast %shift_left3A_90 : vector<16xi32> to vector<16xf32>
        %and3A_92 = arith.constant -65536 : i32
        %and3A_93 = vector.broadcast %and3A_92 : i32 to vector<16xi32>
        %and3A_94 = arith.andi %bitcast3A_87, %and3A_93 : vector<16xi32>
        %bitcast3A_95 = vector.bitcast %and3A_94 : vector<16xi32> to vector<16xf32>
        %swap3A_96 = arith.index_cast %add3A_83 : i32 to index
        %swap3A_97 = arith.constant 0 : index
        %swap3A_98 = tpu.vector_load %arg13[%swap3A_96, %swap3A_97] {strides = array<i32>} : memref<128x32xf32, #tpu.memory_space<vmem>>, vector<16xf32>,
        tpu.vector_store %arg13[%swap3A_96, %swap3A_97], %bitcast3A_91 {strides = array<i32>} : memref<128x32xf32, #tpu.memory_space<vmem>>, vector<16xf32>,
        %swap3A_99 = arith.index_cast %add3A_83 : i32 to index
        %swap3A_100 = arith.constant 16 : index
        %swap3A_101 = tpu.vector_load %arg13[%swap3A_99, %swap3A_100] {strides = array<i32>} : memref<128x32xf32, #tpu.memory_space<vmem>>, vector<16xf32>,
        tpu.vector_store %arg13[%swap3A_99, %swap3A_100], %bitcast3A_95 {strides = array<i32>} : memref<128x32xf32, #tpu.memory_space<vmem>>, vector<16xf32>,
        %scan3A_102 = arith.constant 2 : i32
        %scan3A_103 = arith.addi %scan3A_60, %scan3A_102 : i32
        %mul3A_104 = arith.constant 1 : i32
        %mul3A_105 = arith.muli %scan3A_103, %mul3A_104 : i32
        %add3A_106 = arith.constant 0 : i32
        %add3A_107 = arith.addi %add3A_106, %mul3A_105 : i32
        %get3A_108 = arith.index_cast %add3A_107 : i32 to index
        %get3A_109 = arith.constant 0 : index
        %get3A_110 = tpu.vector_load %arg11[%get3A_108, %get3A_109] {strides = array<i32>} : memref<128x32xbf16, #tpu.memory_space<vmem>>, vector<32xbf16>,
        %bitcast3A_111 = vector.bitcast %get3A_110 : vector<32xbf16> to vector<16xi32>
        %shift_left3A_112 = arith.constant 16 : i32
        %shift_left3A_113 = vector.broadcast %shift_left3A_112 : i32 to vector<16xi32>
        %shift_left3A_114 = arith.shli %bitcast3A_111, %shift_left3A_113 : vector<16xi32>
        %bitcast3A_115 = vector.bitcast %shift_left3A_114 : vector<16xi32> to vector<16xf32>
        %and3A_116 = arith.constant -65536 : i32
        %and3A_117 = vector.broadcast %and3A_116 : i32 to vector<16xi32>
        %and3A_118 = arith.andi %bitcast3A_111, %and3A_117 : vector<16xi32>
        %bitcast3A_119 = vector.bitcast %and3A_118 : vector<16xi32> to vector<16xf32>
        %swap3A_120 = arith.index_cast %add3A_107 : i32 to index
        %swap3A_121 = arith.constant 0 : index
        %swap3A_122 = tpu.vector_load %arg13[%swap3A_120, %swap3A_121] {strides = array<i32>} : memref<128x32xf32, #tpu.memory_space<vmem>>, vector<16xf32>,
        tpu.vector_store %arg13[%swap3A_120, %swap3A_121], %bitcast3A_115 {strides = array<i32>} : memref<128x32xf32, #tpu.memory_space<vmem>>, vector<16xf32>,
        %swap3A_123 = arith.index_cast %add3A_107 : i32 to index
        %swap3A_124 = arith.constant 16 : index
        %swap3A_125 = tpu.vector_load %arg13[%swap3A_123, %swap3A_124] {strides = array<i32>} : memref<128x32xf32, #tpu.memory_space<vmem>>, vector<16xf32>,
        tpu.vector_store %arg13[%swap3A_123, %swap3A_124], %bitcast3A_119 {strides = array<i32>} : memref<128x32xf32, #tpu.memory_space<vmem>>, vector<16xf32>,
        %scan3A_126 = arith.constant 3 : i32
        %scan3A_127 = arith.addi %scan3A_60, %scan3A_126 : i32
        %mul3A_128 = arith.constant 1 : i32
        %mul3A_129 = arith.muli %scan3A_127, %mul3A_128 : i32
        %add3A_130 = arith.constant 0 : i32
        %add3A_131 = arith.addi %add3A_130, %mul3A_129 : i32
        %get3A_132 = arith.index_cast %add3A_131 : i32 to index
        %get3A_133 = arith.constant 0 : index
        %get3A_134 = tpu.vector_load %arg11[%get3A_132, %get3A_133] {strides = array<i32>} : memref<128x32xbf16, #tpu.memory_space<vmem>>, vector<32xbf16>,
        %bitcast3A_135 = vector.bitcast %get3A_134 : vector<32xbf16> to vector<16xi32>
        %shift_left3A_136 = arith.constant 16 : i32
        %shift_left3A_137 = vector.broadcast %shift_left3A_136 : i32 to vector<16xi32>
        %shift_left3A_138 = arith.shli %bitcast3A_135, %shift_left3A_137 : vector<16xi32>
        %bitcast3A_139 = vector.bitcast %shift_left3A_138 : vector<16xi32> to vector<16xf32>
        %and3A_140 = arith.constant -65536 : i32
        %and3A_141 = vector.broadcast %and3A_140 : i32 to vector<16xi32>
        %and3A_142 = arith.andi %bitcast3A_135, %and3A_141 : vector<16xi32>
        %bitcast3A_143 = vector.bitcast %and3A_142 : vector<16xi32> to vector<16xf32>
        %swap3A_144 = arith.index_cast %add3A_131 : i32 to index
        %swap3A_145 = arith.constant 0 : index
        %swap3A_146 = tpu.vector_load %arg13[%swap3A_144, %swap3A_145] {strides = array<i32>} : memref<128x32xf32, #tpu.memory_space<vmem>>, vector<16xf32>,
        tpu.vector_store %arg13[%swap3A_144, %swap3A_145], %bitcast3A_139 {strides = array<i32>} : memref<128x32xf32, #tpu.memory_space<vmem>>, vector<16xf32>,
        %swap3A_147 = arith.index_cast %add3A_131 : i32 to index
        %swap3A_148 = arith.constant 16 : index
        %swap3A_149 = tpu.vector_load %arg13[%swap3A_147, %swap3A_148] {strides = array<i32>} : memref<128x32xf32, #tpu.memory_space<vmem>>, vector<16xf32>,
        tpu.vector_store %arg13[%swap3A_147, %swap3A_148], %bitcast3A_143 {strides = array<i32>} : memref<128x32xf32, #tpu.memory_space<vmem>>, vector<16xf32>,
        %scan3A_150 = arith.constant 4 : i32
        %scan3A_151 = arith.addi %scan3A_60, %scan3A_150 : i32
        %mul3A_152 = arith.constant 1 : i32
        %mul3A_153 = arith.muli %scan3A_151, %mul3A_152 : i32
        %add3A_154 = arith.constant 0 : i32
        %add3A_155 = arith.addi %add3A_154, %mul3A_153 : i32
        %get3A_156 = arith.index_cast %add3A_155 : i32 to index
        %get3A_157 = arith.constant 0 : index
        %get3A_158 = tpu.vector_load %arg11[%get3A_156, %get3A_157] {strides = array<i32>} : memref<128x32xbf16, #tpu.memory_space<vmem>>, vector<32xbf16>,
        %bitcast3A_159 = vector.bitcast %get3A_158 : vector<32xbf16> to vector<16xi32>
        %shift_left3A_160 = arith.constant 16 : i32
        %shift_left3A_161 = vector.broadcast %shift_left3A_160 : i32 to vector<16xi32>
        %shift_left3A_162 = arith.shli %bitcast3A_159, %shift_left3A_161 : vector<16xi32>
        %bitcast3A_163 = vector.bitcast %shift_left3A_162 : vector<16xi32> to vector<16xf32>
        %and3A_164 = arith.constant -65536 : i32
        %and3A_165 = vector.broadcast %and3A_164 : i32 to vector<16xi32>
        %and3A_166 = arith.andi %bitcast3A_159, %and3A_165 : vector<16xi32>
        %bitcast3A_167 = vector.bitcast %and3A_166 : vector<16xi32> to vector<16xf32>
        %swap3A_168 = arith.index_cast %add3A_155 : i32 to index
        %swap3A_169 = arith.constant 0 : index
        %swap3A_170 = tpu.vector_load %arg13[%swap3A_168, %swap3A_169] {strides = array<i32>} : memref<128x32xf32, #tpu.memory_space<vmem>>, vector<16xf32>,
        tpu.vector_store %arg13[%swap3A_168, %swap3A_169], %bitcast3A_163 {strides = array<i32>} : memref<128x32xf32, #tpu.memory_space<vmem>>, vector<16xf32>,
        %swap3A_171 = arith.index_cast %add3A_155 : i32 to index
        %swap3A_172 = arith.constant 16 : index
        %swap3A_173 = tpu.vector_load %arg13[%swap3A_171, %swap3A_172] {strides = array<i32>} : memref<128x32xf32, #tpu.memory_space<vmem>>, vector<16xf32>,
        tpu.vector_store %arg13[%swap3A_171, %swap3A_172], %bitcast3A_167 {strides = array<i32>} : memref<128x32xf32, #tpu.memory_space<vmem>>, vector<16xf32>,
        %scan3A_174 = arith.constant 5 : i32
        %scan3A_175 = arith.addi %scan3A_60, %scan3A_174 : i32
        %mul3A_176 = arith.constant 1 : i32
        %mul3A_177 = arith.muli %scan3A_175, %mul3A_176 : i32
        %add3A_178 = arith.constant 0 : i32
        %add3A_179 = arith.addi %add3A_178, %mul3A_177 : i32
        %get3A_180 = arith.index_cast %add3A_179 : i32 to index
        %get3A_181 = arith.constant 0 : index
        %get3A_182 = tpu.vector_load %arg11[%get3A_180, %get3A_181] {strides = array<i32>} : memref<128x32xbf16, #tpu.memory_space<vmem>>, vector<32xbf16>,
        %bitcast3A_183 = vector.bitcast %get3A_182 : vector<32xbf16> to vector<16xi32>
        %shift_left3A_184 = arith.constant 16 : i32
        %shift_left3A_185 = vector.broadcast %shift_left3A_184 : i32 to vector<16xi32>
        %shift_left3A_186 = arith.shli %bitcast3A_183, %shift_left3A_185 : vector<16xi32>
        %bitcast3A_187 = vector.bitcast %shift_left3A_186 : vector<16xi32> to vector<16xf32>
        %and3A_188 = arith.constant -65536 : i32
        %and3A_189 = vector.broadcast %and3A_188 : i32 to vector<16xi32>
        %and3A_190 = arith.andi %bitcast3A_183, %and3A_189 : vector<16xi32>
        %bitcast3A_191 = vector.bitcast %and3A_190 : vector<16xi32> to vector<16xf32>
        %swap3A_192 = arith.index_cast %add3A_179 : i32 to index
        %swap3A_193 = arith.constant 0 : index
        %swap3A_194 = tpu.vector_load %arg13[%swap3A_192, %swap3A_193] {strides = array<i32>} : memref<128x32xf32, #tpu.memory_space<vmem>>, vector<16xf32>,
        tpu.vector_store %arg13[%swap3A_192, %swap3A_193], %bitcast3A_187 {strides = array<i32>} : memref<128x32xf32, #tpu.memory_space<vmem>>, vector<16xf32>,
        %swap3A_195 = arith.index_cast %add3A_179 : i32 to index
        %swap3A_196 = arith.constant 16 : index
        %swap3A_197 = tpu.vector_load %arg13[%swap3A_195, %swap3A_196] {strides = array<i32>} : memref<128x32xf32, #tpu.memory_space<vmem>>, vector<16xf32>,
        tpu.vector_store %arg13[%swap3A_195, %swap3A_196], %bitcast3A_191 {strides = array<i32>} : memref<128x32xf32, #tpu.memory_space<vmem>>, vector<16xf32>,
        %scan3A_198 = arith.constant 6 : i32
        %scan3A_199 = arith.addi %scan3A_60, %scan3A_198 : i32
        %mul3A_200 = arith.constant 1 : i32
        %mul3A_201 = arith.muli %scan3A_199, %mul3A_200 : i32
        %add3A_202 = arith.constant 0 : i32
        %add3A_203 = arith.addi %add3A_202, %mul3A_201 : i32
        %get3A_204 = arith.index_cast %add3A_203 : i32 to index
        %get3A_205 = arith.constant 0 : index
        %get3A_206 = tpu.vector_load %arg11[%get3A_204, %get3A_205] {strides = array<i32>} : memref<128x32xbf16, #tpu.memory_space<vmem>>, vector<32xbf16>,
        %bitcast3A_207 = vector.bitcast %get3A_206 : vector<32xbf16> to vector<16xi32>
        %shift_left3A_208 = arith.constant 16 : i32
        %shift_left3A_209 = vector.broadcast %shift_left3A_208 : i32 to vector<16xi32>
        %shift_left3A_210 = arith.shli %bitcast3A_207, %shift_left3A_209 : vector<16xi32>
        %bitcast3A_211 = vector.bitcast %shift_left3A_210 : vector<16xi32> to vector<16xf32>
        %and3A_212 = arith.constant -65536 : i32
        %and3A_213 = vector.broadcast %and3A_212 : i32 to vector<16xi32>
        %and3A_214 = arith.andi %bitcast3A_207, %and3A_213 : vector<16xi32>
        %bitcast3A_215 = vector.bitcast %and3A_214 : vector<16xi32> to vector<16xf32>
        %swap3A_216 = arith.index_cast %add3A_203 : i32 to index
        %swap3A_217 = arith.constant 0 : index
        %swap3A_218 = tpu.vector_load %arg13[%swap3A_216, %swap3A_217] {strides = array<i32>} : memref<128x32xf32, #tpu.memory_space<vmem>>, vector<16xf32>,
        tpu.vector_store %arg13[%swap3A_216, %swap3A_217], %bitcast3A_211 {strides = array<i32>} : memref<128x32xf32, #tpu.memory_space<vmem>>, vector<16xf32>,
        %swap3A_219 = arith.index_cast %add3A_203 : i32 to index
        %swap3A_220 = arith.constant 16 : index
        %swap3A_221 = tpu.vector_load %arg13[%swap3A_219, %swap3A_220] {strides = array<i32>} : memref<128x32xf32, #tpu.memory_space<vmem>>, vector<16xf32>,
        tpu.vector_store %arg13[%swap3A_219, %swap3A_220], %bitcast3A_215 {strides = array<i32>} : memref<128x32xf32, #tpu.memory_space<vmem>>, vector<16xf32>,
        %scan3A_222 = arith.constant 7 : i32
        %scan3A_223 = arith.addi %scan3A_60, %scan3A_222 : i32
        %mul3A_224 = arith.constant 1 : i32
        %mul3A_225 = arith.muli %scan3A_223, %mul3A_224 : i32
        %add3A_226 = arith.constant 0 : i32
        %add3A_227 = arith.addi %add3A_226, %mul3A_225 : i32
        %get3A_228 = arith.index_cast %add3A_227 : i32 to index
        %get3A_229 = arith.constant 0 : index
        %get3A_230 = tpu.vector_load %arg11[%get3A_228, %get3A_229] {strides = array<i32>} : memref<128x32xbf16, #tpu.memory_space<vmem>>, vector<32xbf16>,
        %bitcast3A_231 = vector.bitcast %get3A_230 : vector<32xbf16> to vector<16xi32>
        %shift_left3A_232 = arith.constant 16 : i32
        %shift_left3A_233 = vector.broadcast %shift_left3A_232 : i32 to vector<16xi32>
        %shift_left3A_234 = arith.shli %bitcast3A_231, %shift_left3A_233 : vector<16xi32>
        %bitcast3A_235 = vector.bitcast %shift_left3A_234 : vector<16xi32> to vector<16xf32>
        %and3A_236 = arith.constant -65536 : i32
        %and3A_237 = vector.broadcast %and3A_236 : i32 to vector<16xi32>
        %and3A_238 = arith.andi %bitcast3A_231, %and3A_237 : vector<16xi32>
        %bitcast3A_239 = vector.bitcast %and3A_238 : vector<16xi32> to vector<16xf32>
        %swap3A_240 = arith.index_cast %add3A_227 : i32 to index
        %swap3A_241 = arith.constant 0 : index
        %swap3A_242 = tpu.vector_load %arg13[%swap3A_240, %swap3A_241] {strides = array<i32>} : memref<128x32xf32, #tpu.memory_space<vmem>>, vector<16xf32>,
        tpu.vector_store %arg13[%swap3A_240, %swap3A_241], %bitcast3A_235 {strides = array<i32>} : memref<128x32xf32, #tpu.memory_space<vmem>>, vector<16xf32>,
        %swap3A_243 = arith.index_cast %add3A_227 : i32 to index
        %swap3A_244 = arith.constant 16 : index
        %swap3A_245 = tpu.vector_load %arg13[%swap3A_243, %swap3A_244] {strides = array<i32>} : memref<128x32xf32, #tpu.memory_space<vmem>>, vector<16xf32>,
        tpu.vector_store %arg13[%swap3A_243, %swap3A_244], %bitcast3A_239 {strides = array<i32>} : memref<128x32xf32, #tpu.memory_space<vmem>>, vector<16xf32>,
      }
      %scan3A_52 = arith.constant 128 : i32
      %add3A_53 = arith.constant 1 : i32
      %add3A_54 = arith.addi %mul3A_27, %add3A_53 : i32
      "tpu.region"() ({
        %run_scoped3A = tpu.sem_alloc : memref<!tpu.dma_semaphore, #tpu.memory_space<semaphore_mem>>
        %dma_start3A_60 = arith.constant 0 : i32
        %dma_start3A_61 = tpu.memref_slice %arg9[%add3A_54, %dma_start3A_60] : memref<80x128xi32, #tpu.memory_space<vmem>> -> memref<1x128xi32, #tpu.memory_space<vmem>>
        %dma_start3A_62 = tpu.memref_squeeze %dma_start3A_61 : memref<1x128xi32, #tpu.memory_space<vmem>> -> memref<128xi32, #tpu.memory_space<vmem>>
        %dma_start3A_63 = arith.constant 0 : i32
        %dma_start3A_64 = arith.constant 0 : i32
        %dma_start3A_65 = tpu.memref_slice %arg7[%dma_start3A_63, %dma_start3A_64] : memref<10112x32xf32, #tpu.memory_space<vmem_shared>> -> memref<10112x32xf32, #tpu.memory_space<vmem_shared>>
        tpu.enqueue_indirect_dma source(%arg13 : memref<128x32xf32, #tpu.memory_space<vmem>>) target(%dma_start3A_65 : memref<10112x32xf32, #tpu.memory_space<vmem_shared>>) offsets(%dma_start3A_62 : memref<128xi32, #tpu.memory_space<vmem>>) semaphore(%run_scoped3A : memref<!tpu.dma_semaphore, #tpu.memory_space<semaphore_mem>>) {add = true}
        %dma_wait3A_66 = arith.constant 0 : i32
        %dma_wait3A_67 = tpu.memref_slice %arg9[%add3A_54, %dma_wait3A_66] : memref<80x128xi32, #tpu.memory_space<vmem>> -> memref<1x128xi32, #tpu.memory_space<vmem>>
        %dma_wait3A_68 = tpu.memref_squeeze %dma_wait3A_67 : memref<1x128xi32, #tpu.memory_space<vmem>> -> memref<128xi32, #tpu.memory_space<vmem>>
        %dma_wait3A_69 = arith.constant 0 : i32
        %dma_wait3A_70 = arith.constant 0 : i32
        %dma_wait3A_71 = tpu.memref_slice %arg7[%dma_wait3A_69, %dma_wait3A_70] : memref<10112x32xf32, #tpu.memory_space<vmem_shared>> -> memref<10112x32xf32, #tpu.memory_space<vmem_shared>>
        tpu.wait_indirect_dma semaphore(%run_scoped3A : memref<!tpu.dma_semaphore, #tpu.memory_space<semaphore_mem>>) src(%arg13 : memref<128x32xf32, #tpu.memory_space<vmem>>) dst(%dma_wait3A_71 : memref<10112x32xf32, #tpu.memory_space<vmem_shared>>)
        tpu.yield
      }) : () -> ()
      %lt3A_55 = arith.constant 39 : i32
      %lt3A_56 = arith.cmpi slt, %add3A_25, %lt3A_55 : i32
      %convert_element_type3A_57 = arith.extui %lt3A_56 : i1 to i32
      %cond3A_58 = arith.constant 0 : i32
      %cond3A_59 = arith.cmpi ne, %convert_element_type3A_57, %cond3A_58 : i32
      scf.if %cond3A_59 {
        %add3A_60 = arith.constant 3 : i32
        %add3A_61 = arith.addi %mul3A_27, %add3A_60 : i32
        %dma_start3A_62 = arith.constant 0 : i32
        %dma_start3A_63 = tpu.memref_slice %arg8[%add3A_61, %dma_start3A_62] : memref<80x128xi32, #tpu.memory_space<vmem>> -> memref<1x128xi32, #tpu.memory_space<vmem>>
        %dma_start3A_64 = tpu.memref_squeeze %dma_start3A_63 : memref<1x128xi32, #tpu.memory_space<vmem>> -> memref<128xi32, #tpu.memory_space<vmem>>
        %dma_start3A_65 = arith.constant 0 : i32
        %dma_start3A_66 = arith.constant 0 : i32
        %dma_start3A_67 = tpu.memref_slice %arg2[%dma_start3A_65, %dma_start3A_66] : memref<10112x32xbf16, #tpu.memory_space<hbm>> -> memref<10112x32xbf16, #tpu.memory_space<hbm>>
        tpu.enqueue_indirect_dma source(%dma_start3A_67 : memref<10112x32xbf16, #tpu.memory_space<hbm>>) target(%arg11 : memref<128x32xbf16, #tpu.memory_space<vmem>>) offsets(%dma_start3A_64 : memref<128xi32, #tpu.memory_space<vmem>>) semaphore(%arg15 : memref<!tpu.dma_semaphore, #tpu.memory_space<semaphore_mem>>)
      } else {
      }
    }
    %scan3A_19 = arith.constant 40 : i32
    %barrier3A_20 = arith.constant 0 : index
    tpu.barrier barrier_id(%barrier3A_20)
    "tpu.region"() ({
      %run_scoped3A = tpu.sem_alloc : memref<!tpu.dma_semaphore, #tpu.memory_space<semaphore_mem>>
      %dma_start3A_21 = arith.constant 0 : i32
      %dma_start3A_22 = tpu.memref_slice %arg6[%arg0, %mul3A_2, %dma_start3A_21] : memref<2x10112x32xf32, #tpu.memory_space<hbm>> -> memref<1x632x32xf32, #tpu.memory_space<hbm>>
      %dma_start3A_23 = tpu.memref_squeeze %dma_start3A_22 : memref<1x632x32xf32, #tpu.memory_space<hbm>> -> memref<632x32xf32, #tpu.memory_space<hbm>>
      %dma_start3A_24 = arith.constant 0 : i32
      %dma_start3A_25 = tpu.memref_slice %arg7[%mul3A_2, %dma_start3A_24] : memref<10112x32xf32, #tpu.memory_space<vmem_shared>> -> memref<632x32xf32, #tpu.memory_space<vmem_shared>>
      tpu.enqueue_dma source(%dma_start3A_25 : memref<632x32xf32, #tpu.memory_space<vmem_shared>>) target(%dma_start3A_23 : memref<632x32xf32, #tpu.memory_space<hbm>>) target_semaphore(%run_scoped3A : memref<!tpu.dma_semaphore, #tpu.memory_space<semaphore_mem>>)
      %dma_wait3A = arith.constant 0 : i32
      %dma_wait3A_26 = tpu.memref_slice %arg6[%arg0, %mul3A_2, %dma_wait3A] : memref<2x10112x32xf32, #tpu.memory_space<hbm>> -> memref<1x632x32xf32, #tpu.memory_space<hbm>>
      %dma_wait3A_27 = tpu.memref_squeeze %dma_wait3A_26 : memref<1x632x32xf32, #tpu.memory_space<hbm>> -> memref<632x32xf32, #tpu.memory_space<hbm>>
      %dma_wait3A_28 = arith.constant 0 : i32
      %dma_wait3A_29 = tpu.memref_slice %arg7[%mul3A_2, %dma_wait3A_28] : memref<10112x32xf32, #tpu.memory_space<vmem_shared>> -> memref<632x32xf32, #tpu.memory_space<vmem_shared>>
      tpu.wait_dma2 semaphore(%run_scoped3A : memref<!tpu.dma_semaphore, #tpu.memory_space<semaphore_mem>>) src(%dma_wait3A_29 : memref<632x32xf32, #tpu.memory_space<vmem_shared>>) dst(%dma_wait3A_27 : memref<632x32xf32, #tpu.memory_space<hbm>>)
      tpu.yield
    }) : () -> ()
    return
  }
}

module attributes {stable_mosaic.version = 14 : i64} {
  func.func @body(%arg0: memref<2x10112x16xf32, #tpu.memory_space<vmem>>, %arg1: memref<2x10112x16xf32, #tpu.memory_space<vmem>>, %arg2: memref<10112x128xf32, #tpu.memory_space<vmem>>, %arg3: memref<128x32xf32, #tpu.memory_space<vmem>>, %arg4: memref<128x32xf32, #tpu.memory_space<vmem>>, %arg5: memref<32x128xf32, #tpu.memory_space<vmem>>, %arg6: memref<10112x32xbf16, #tpu.memory_space<vmem>>, %arg7: memref<10112x32xf32, #tpu.memory_space<vmem>>, %arg8: memref<10112x128xf32, #tpu.memory_space<vmem>>, %arg9: memref<10112x1xf32, #tpu.memory_space<vmem>>, %arg10: memref<10112x1xf32, #tpu.memory_space<vmem>>) attributes {dimension_semantics = [], scalar_prefetch = 0 : i64, scratch_operands = 0 : i64, tpu.core_type = #tpu.core_type<tc>} {
    %get3A = arith.constant 0 : index
    %get3A_0 = arith.constant 0 : index
    %get3A_1 = arith.constant 0 : index
    %get3A_2 = vector.load %arg0[%get3A, %get3A_0, %get3A_1] : memref<2x10112x16xf32, #tpu.memory_space<vmem>>, vector<1x10112x16xf32>
    %get3A_3 = vector.shape_cast %get3A_2 : vector<1x10112x16xf32> to vector<10112x16xf32>
    %slice3A = vector.extract_strided_slice %get3A_3 {offsets = [0, 0], sizes = [10112, 1], strides = [1, 1]} : vector<10112x16xf32> to vector<10112x1xf32>
    %get3A_4 = arith.constant 1 : index
    %get3A_5 = arith.constant 0 : index
    %get3A_6 = arith.constant 0 : index
    %get3A_7 = vector.load %arg0[%get3A_4, %get3A_5, %get3A_6] : memref<2x10112x16xf32, #tpu.memory_space<vmem>>, vector<1x10112x16xf32>
    %get3A_8 = vector.shape_cast %get3A_7 : vector<1x10112x16xf32> to vector<10112x16xf32>
    %slice3A_9 = vector.extract_strided_slice %get3A_8 {offsets = [0, 0], sizes = [10112, 1], strides = [1, 1]} : vector<10112x16xf32> to vector<10112x1xf32>
    %add3A = arith.addf %slice3A, %slice3A_9 : vector<10112x1xf32>
    %get3A_10 = arith.constant 0 : index
    %get3A_11 = arith.constant 0 : index
    %get3A_12 = arith.constant 0 : index
    %get3A_13 = vector.load %arg1[%get3A_10, %get3A_11, %get3A_12] : memref<2x10112x16xf32, #tpu.memory_space<vmem>>, vector<1x10112x16xf32>
    %get3A_14 = vector.shape_cast %get3A_13 : vector<1x10112x16xf32> to vector<10112x16xf32>
    %slice3A_15 = vector.extract_strided_slice %get3A_14 {offsets = [0, 0], sizes = [10112, 1], strides = [1, 1]} : vector<10112x16xf32> to vector<10112x1xf32>
    %get3A_16 = arith.constant 1 : index
    %get3A_17 = arith.constant 0 : index
    %get3A_18 = arith.constant 0 : index
    %get3A_19 = vector.load %arg1[%get3A_16, %get3A_17, %get3A_18] : memref<2x10112x16xf32, #tpu.memory_space<vmem>>, vector<1x10112x16xf32>
    %get3A_20 = vector.shape_cast %get3A_19 : vector<1x10112x16xf32> to vector<10112x16xf32>
    %slice3A_21 = vector.extract_strided_slice %get3A_20 {offsets = [0, 0], sizes = [10112, 1], strides = [1, 1]} : vector<10112x16xf32> to vector<10112x1xf32>
    %add3A_22 = arith.addf %slice3A_15, %slice3A_21 : vector<10112x1xf32>
    %max3A = arith.constant 1.000000e+00 : f32
    %max3A_23 = vector.broadcast %max3A : f32 to vector<10112x1xf32>
    %max3A_24 = arith.maximumf %add3A, %max3A_23 : vector<10112x1xf32>
    %rsqrt3A = math.rsqrt %max3A_24 : vector<10112x1xf32>
    %max3A_25 = arith.constant 1.000000e+00 : f32
    %max3A_26 = vector.broadcast %max3A_25 : f32 to vector<10112x1xf32>
    %max3A_27 = arith.maximumf %add3A_22, %max3A_26 : vector<10112x1xf32>
    %rsqrt3A_28 = math.rsqrt %max3A_27 : vector<10112x1xf32>
    %get3A_29 = arith.constant 0 : index
    %get3A_30 = arith.constant 0 : index
    %get3A_31 = vector.load %arg2[%get3A_29, %get3A_30] : memref<10112x128xf32, #tpu.memory_space<vmem>>, vector<10112x128xf32>
    %get3A_32 = arith.constant 0 : index
    %get3A_33 = arith.constant 0 : index
    %get3A_34 = vector.load %arg3[%get3A_32, %get3A_33] : memref<128x32xf32, #tpu.memory_space<vmem>>, vector<128x32xf32>
    %dot_general3A = arith.constant dense<0.000000e+00> : vector<10112x32xf32>
    %dot_general3A_35 = tpu.matmul %get3A_31, %get3A_34, %dot_general3A {dimension_numbers = #tpu.dot_dimension_numbers<[1], [0], [0], [1], [0, 0, 1, 1], [], []>, transpose_lhs_hint = false} : vector<10112x128xf32>, vector<128x32xf32>, vector<10112x32xf32> -> vector<10112x32xf32>
    %mul3A = vector.broadcast %rsqrt3A : vector<10112x1xf32> to vector<10112x32xf32>
    %mul3A_36 = arith.mulf %dot_general3A_35, %mul3A : vector<10112x32xf32>
    %convert_element_type3A = arith.truncf %mul3A_36 : vector<10112x32xf32> to vector<10112x32xbf16>
    %swap3A = arith.constant 0 : index
    %swap3A_37 = arith.constant 0 : index
    %swap3A_38 = vector.load %arg6[%swap3A, %swap3A_37] : memref<10112x32xbf16, #tpu.memory_space<vmem>>, vector<10112x32xbf16>
    tpu.vector_store %arg6[%swap3A, %swap3A_37], %convert_element_type3A {strides = array<i32>} : memref<10112x32xbf16, #tpu.memory_space<vmem>>, vector<10112x32xbf16>,
    %get3A_39 = arith.constant 0 : index
    %get3A_40 = arith.constant 0 : index
    %get3A_41 = vector.load %arg4[%get3A_39, %get3A_40] : memref<128x32xf32, #tpu.memory_space<vmem>>, vector<128x32xf32>
    %dot_general3A_42 = arith.constant dense<0.000000e+00> : vector<10112x32xf32>
    %dot_general3A_43 = tpu.matmul %get3A_31, %get3A_41, %dot_general3A_42 {dimension_numbers = #tpu.dot_dimension_numbers<[1], [0], [0], [1], [0, 0, 1, 1], [], []>, transpose_lhs_hint = false} : vector<10112x128xf32>, vector<128x32xf32>, vector<10112x32xf32> -> vector<10112x32xf32>
    %max3A_44 = arith.constant 0.000000e+00 : f32
    %max3A_45 = vector.broadcast %max3A_44 : f32 to vector<10112x32xf32>
    %max3A_46 = arith.maximumf %dot_general3A_43, %max3A_45 : vector<10112x32xf32>
    %swap3A_47 = arith.constant 0 : index
    %swap3A_48 = arith.constant 0 : index
    %swap3A_49 = vector.load %arg7[%swap3A_47, %swap3A_48] : memref<10112x32xf32, #tpu.memory_space<vmem>>, vector<10112x32xf32>
    tpu.vector_store %arg7[%swap3A_47, %swap3A_48], %max3A_46 {strides = array<i32>} : memref<10112x32xf32, #tpu.memory_space<vmem>>, vector<10112x32xf32>,
    %get3A_50 = arith.constant 0 : index
    %get3A_51 = arith.constant 0 : index
    %get3A_52 = vector.load %arg5[%get3A_50, %get3A_51] : memref<32x128xf32, #tpu.memory_space<vmem>>, vector<32x128xf32>
    %dot_general3A_53 = arith.constant dense<0.000000e+00> : vector<10112x128xf32>
    %dot_general3A_54 = tpu.matmul %max3A_46, %get3A_52, %dot_general3A_53 {dimension_numbers = #tpu.dot_dimension_numbers<[1], [0], [0], [1], [0, 0, 1, 1], [], []>, transpose_lhs_hint = false} : vector<10112x32xf32>, vector<32x128xf32>, vector<10112x128xf32> -> vector<10112x128xf32>
    %max3A_55 = arith.constant 0.000000e+00 : f32
    %max3A_56 = vector.broadcast %max3A_55 : f32 to vector<10112x128xf32>
    %max3A_57 = arith.maximumf %dot_general3A_54, %max3A_56 : vector<10112x128xf32>
    %swap3A_58 = arith.constant 0 : index
    %swap3A_59 = arith.constant 0 : index
    %swap3A_60 = vector.load %arg8[%swap3A_58, %swap3A_59] : memref<10112x128xf32, #tpu.memory_space<vmem>>, vector<10112x128xf32>
    tpu.vector_store %arg8[%swap3A_58, %swap3A_59], %max3A_57 {strides = array<i32>} : memref<10112x128xf32, #tpu.memory_space<vmem>>, vector<10112x128xf32>,
    %swap3A_61 = arith.constant 0 : index
    %swap3A_62 = arith.constant 0 : index
    %swap3A_63 = vector.load %arg9[%swap3A_61, %swap3A_62] : memref<10112x1xf32, #tpu.memory_space<vmem>>, vector<10112x1xf32>
    tpu.vector_store %arg9[%swap3A_61, %swap3A_62], %rsqrt3A {strides = array<i32>} : memref<10112x1xf32, #tpu.memory_space<vmem>>, vector<10112x1xf32>,
    %swap3A_64 = arith.constant 0 : index
    %swap3A_65 = arith.constant 0 : index
    %swap3A_66 = vector.load %arg10[%swap3A_64, %swap3A_65] : memref<10112x1xf32, #tpu.memory_space<vmem>>, vector<10112x1xf32>
    tpu.vector_store %arg10[%swap3A_64, %swap3A_65], %rsqrt3A_28 {strides = array<i32>} : memref<10112x1xf32, #tpu.memory_space<vmem>>, vector<10112x1xf32>,
    return
  }
}

module attributes {stable_mosaic.version = 14 : i64} {
  func.func @body(%arg0: memref<2x10112x32xf32, #tpu.memory_space<vmem>>, %arg1: memref<10112x32xf32, #tpu.memory_space<vmem>>, %arg2: memref<10112x1xf32, #tpu.memory_space<vmem>>, %arg3: memref<10112x1xf32, #tpu.memory_space<vmem>>, %arg4: memref<32x32xf32, #tpu.memory_space<vmem>>, %arg5: memref<1x1xf32, #tpu.memory_space<vmem>>, %arg6: memref<1x1xf32, #tpu.memory_space<vmem>>, %arg7: memref<10112x32xbf16, #tpu.memory_space<vmem>>) attributes {dimension_semantics = [], scalar_prefetch = 0 : i64, scratch_operands = 0 : i64, tpu.core_type = #tpu.core_type<tc>} {
    %get3A = arith.constant 0 : index
    %get3A_0 = arith.constant 0 : index
    %get3A_1 = arith.constant 0 : index
    %get3A_2 = vector.load %arg0[%get3A, %get3A_0, %get3A_1] : memref<2x10112x32xf32, #tpu.memory_space<vmem>>, vector<1x10112x32xf32>
    %get3A_3 = vector.shape_cast %get3A_2 : vector<1x10112x32xf32> to vector<10112x32xf32>
    %get3A_4 = arith.constant 1 : index
    %get3A_5 = arith.constant 0 : index
    %get3A_6 = arith.constant 0 : index
    %get3A_7 = vector.load %arg0[%get3A_4, %get3A_5, %get3A_6] : memref<2x10112x32xf32, #tpu.memory_space<vmem>>, vector<1x10112x32xf32>
    %get3A_8 = vector.shape_cast %get3A_7 : vector<1x10112x32xf32> to vector<10112x32xf32>
    %add3A = arith.addf %get3A_3, %get3A_8 : vector<10112x32xf32>
    %get3A_9 = arith.constant 0 : index
    %get3A_10 = arith.constant 0 : index
    %get3A_11 = vector.load %arg2[%get3A_9, %get3A_10] : memref<10112x1xf32, #tpu.memory_space<vmem>>, vector<10112x1xf32>
    %mul3A = vector.broadcast %get3A_11 : vector<10112x1xf32> to vector<10112x32xf32>
    %mul3A_12 = arith.mulf %add3A, %mul3A : vector<10112x32xf32>
    %max3A = arith.constant 0.000000e+00 : f32
    %max3A_13 = vector.broadcast %max3A : f32 to vector<10112x32xf32>
    %max3A_14 = arith.maximumf %mul3A_12, %max3A_13 : vector<10112x32xf32>
    %get3A_15 = arith.constant 0 : index
    %get3A_16 = arith.constant 0 : index
    %get3A_17 = vector.load %arg5[%get3A_15, %get3A_16] : memref<1x1xf32, #tpu.memory_space<vmem>>, vector<1x1xf32>
    %get3A_18 = vector.extract %get3A_17[0, 0] : f32 from vector<1x1xf32>
    %mul3A_19 = vector.broadcast %get3A_18 : f32 to vector<10112x32xf32>
    %mul3A_20 = arith.mulf %mul3A_19, %max3A_14 : vector<10112x32xf32>
    %get3A_21 = arith.constant 0 : index
    %get3A_22 = arith.constant 0 : index
    %get3A_23 = vector.load %arg6[%get3A_21, %get3A_22] : memref<1x1xf32, #tpu.memory_space<vmem>>, vector<1x1xf32>
    %get3A_24 = vector.extract %get3A_23[0, 0] : f32 from vector<1x1xf32>
    %get3A_25 = arith.constant 0 : index
    %get3A_26 = arith.constant 0 : index
    %get3A_27 = vector.load %arg1[%get3A_25, %get3A_26] : memref<10112x32xf32, #tpu.memory_space<vmem>>, vector<10112x32xf32>
    %mul3A_28 = vector.broadcast %get3A_24 : f32 to vector<10112x32xf32>
    %mul3A_29 = arith.mulf %mul3A_28, %get3A_27 : vector<10112x32xf32>
    %add3A_30 = arith.addf %mul3A_20, %mul3A_29 : vector<10112x32xf32>
    %get3A_31 = arith.constant 0 : index
    %get3A_32 = arith.constant 0 : index
    %get3A_33 = vector.load %arg4[%get3A_31, %get3A_32] : memref<32x32xf32, #tpu.memory_space<vmem>>, vector<32x32xf32>
    %dot_general3A = arith.constant dense<0.000000e+00> : vector<10112x32xf32>
    %dot_general3A_34 = tpu.matmul %add3A_30, %get3A_33, %dot_general3A {dimension_numbers = #tpu.dot_dimension_numbers<[1], [0], [0], [1], [0, 0, 1, 1], [], []>, transpose_lhs_hint = false} : vector<10112x32xf32>, vector<32x32xf32>, vector<10112x32xf32> -> vector<10112x32xf32>
    %get3A_35 = arith.constant 0 : index
    %get3A_36 = arith.constant 0 : index
    %get3A_37 = vector.load %arg3[%get3A_35, %get3A_36] : memref<10112x1xf32, #tpu.memory_space<vmem>>, vector<10112x1xf32>
    %mul3A_38 = vector.broadcast %get3A_37 : vector<10112x1xf32> to vector<10112x32xf32>
    %mul3A_39 = arith.mulf %dot_general3A_34, %mul3A_38 : vector<10112x32xf32>
    %convert_element_type3A = arith.truncf %mul3A_39 : vector<10112x32xf32> to vector<10112x32xbf16>
    %swap3A = arith.constant 0 : index
    %swap3A_40 = arith.constant 0 : index
    %swap3A_41 = vector.load %arg7[%swap3A, %swap3A_40] : memref<10112x32xbf16, #tpu.memory_space<vmem>>, vector<10112x32xbf16>
    tpu.vector_store %arg7[%swap3A, %swap3A_40], %convert_element_type3A {strides = array<i32>} : memref<10112x32xbf16, #tpu.memory_space<vmem>>, vector<10112x32xbf16>,
    return
  }
}

module attributes {stable_mosaic.version = 14 : i64} {
  func.func @body(%arg0: memref<2x10112x32xf32, #tpu.memory_space<vmem>>, %arg1: memref<10112x1xf32, #tpu.memory_space<vmem>>, %arg2: memref<10112x16xf32, #tpu.memory_space<vmem>>, %arg3: memref<10112x16xbf16, #tpu.memory_space<vmem>>, %arg4: memref<10112x16xf32, #tpu.memory_space<vmem>>, %arg5: memref<10112x16xf32, #tpu.memory_space<vmem>>) attributes {dimension_semantics = [], scalar_prefetch = 0 : i64, scratch_operands = 0 : i64, tpu.core_type = #tpu.core_type<tc>} {
    %get3A = arith.constant 0 : index
    %get3A_0 = arith.constant 0 : index
    %get3A_1 = arith.constant 0 : index
    %get3A_2 = vector.load %arg0[%get3A, %get3A_0, %get3A_1] : memref<2x10112x32xf32, #tpu.memory_space<vmem>>, vector<1x10112x32xf32>
    %get3A_3 = vector.shape_cast %get3A_2 : vector<1x10112x32xf32> to vector<10112x32xf32>
    %get3A_4 = arith.constant 1 : index
    %get3A_5 = arith.constant 0 : index
    %get3A_6 = arith.constant 0 : index
    %get3A_7 = vector.load %arg0[%get3A_4, %get3A_5, %get3A_6] : memref<2x10112x32xf32, #tpu.memory_space<vmem>>, vector<1x10112x32xf32>
    %get3A_8 = vector.shape_cast %get3A_7 : vector<1x10112x32xf32> to vector<10112x32xf32>
    %add3A = arith.addf %get3A_3, %get3A_8 : vector<10112x32xf32>
    %get3A_9 = arith.constant 0 : index
    %get3A_10 = arith.constant 0 : index
    %get3A_11 = vector.load %arg1[%get3A_9, %get3A_10] : memref<10112x1xf32, #tpu.memory_space<vmem>>, vector<10112x1xf32>
    %mul3A = vector.broadcast %get3A_11 : vector<10112x1xf32> to vector<10112x32xf32>
    %mul3A_12 = arith.mulf %add3A, %mul3A : vector<10112x32xf32>
    %slice3A = vector.extract_strided_slice %mul3A_12 {offsets = [0, 0], sizes = [10112, 16], strides = [1, 1]} : vector<10112x32xf32> to vector<10112x16xf32>
    %slice3A_13 = vector.extract_strided_slice %mul3A_12 {offsets = [0, 16], sizes = [10112, 16], strides = [1, 1]} : vector<10112x32xf32> to vector<10112x16xf32>
    %get3A_14 = arith.constant 0 : index
    %get3A_15 = arith.constant 0 : index
    %get3A_16 = vector.load %arg2[%get3A_14, %get3A_15] : memref<10112x16xf32, #tpu.memory_space<vmem>>, vector<10112x16xf32>
    %exp3A = math.exp %slice3A_13 : vector<10112x16xf32>
    %mul3A_17 = arith.mulf %get3A_16, %exp3A : vector<10112x16xf32>
    %add3A_18 = arith.addf %slice3A, %mul3A_17 : vector<10112x16xf32>
    %convert_element_type3A = arith.truncf %add3A_18 : vector<10112x16xf32> to vector<10112x16xbf16>
    %swap3A = arith.constant 0 : index
    %swap3A_19 = arith.constant 0 : index
    %swap3A_20 = vector.load %arg3[%swap3A, %swap3A_19] : memref<10112x16xbf16, #tpu.memory_space<vmem>>, vector<10112x16xbf16>
    tpu.vector_store %arg3[%swap3A, %swap3A_19], %convert_element_type3A {strides = array<i32>} : memref<10112x16xbf16, #tpu.memory_space<vmem>>, vector<10112x16xbf16>,
    %swap3A_21 = arith.constant 0 : index
    %swap3A_22 = arith.constant 0 : index
    %swap3A_23 = vector.load %arg4[%swap3A_21, %swap3A_22] : memref<10112x16xf32, #tpu.memory_space<vmem>>, vector<10112x16xf32>
    tpu.vector_store %arg4[%swap3A_21, %swap3A_22], %slice3A {strides = array<i32>} : memref<10112x16xf32, #tpu.memory_space<vmem>>, vector<10112x16xf32>,
    %swap3A_24 = arith.constant 0 : index
    %swap3A_25 = arith.constant 0 : index
    %swap3A_26 = vector.load %arg5[%swap3A_24, %swap3A_25] : memref<10112x16xf32, #tpu.memory_space<vmem>>, vector<10112x16xf32>
    tpu.vector_store %arg5[%swap3A_24, %swap3A_25], %slice3A_13 {strides = array<i32>} : memref<10112x16xf32, #tpu.memory_space<vmem>>, vector<10112x16xf32>,
    return
  }
}

module attributes {stable_mosaic.version = 14 : i64} {
  func.func @body(%arg0: i32, %arg1: i32, %arg2: memref<1024x16xbf16, #tpu.memory_space<vmem>>, %arg3: memref<1024x16xbf16, #tpu.memory_space<vmem>>, %arg4: memref<1024x1024xf32, #tpu.memory_space<vmem>>) attributes {dimension_semantics = [#tpu.dimension_semantics<arbitrary>, #tpu.dimension_semantics<arbitrary>], iteration_bounds = array<i64: 10, 10>, scalar_prefetch = 0 : i64, scratch_operands = 0 : i64, tpu.core_type = #tpu.core_type<tc>, window_params = [{transform_indices = @transform_0, window_bounds = array<i64: 1024, 16>}, {transform_indices = @transform_1, window_bounds = array<i64: 1024, 16>}, {transform_indices = @transform_2, window_bounds = array<i64: 1024, 1024>}]} {
    %get3A = arith.constant 0 : index
    %get3A_0 = arith.constant 0 : index
    %get3A_1 = vector.load %arg2[%get3A, %get3A_0] : memref<1024x16xbf16, #tpu.memory_space<vmem>>, vector<1024x16xbf16>
    %get3A_2 = arith.constant 0 : index
    %get3A_3 = arith.constant 0 : index
    %get3A_4 = vector.load %arg3[%get3A_2, %get3A_3] : memref<1024x16xbf16, #tpu.memory_space<vmem>>, vector<1024x16xbf16>
    %dot_general3A = arith.constant dense<0.000000e+00> : vector<1024x1024xf32>
    %dot_general3A_5 = tpu.matmul %get3A_1, %get3A_4, %dot_general3A {dimension_numbers = #tpu.dot_dimension_numbers<[1], [1], [0], [0], [0, 0, 1, 0], [], []>, transpose_lhs_hint = false} : vector<1024x16xbf16>, vector<1024x16xbf16>, vector<1024x1024xf32> -> vector<1024x1024xf32>
    %swap3A = arith.constant 0 : index
    %swap3A_6 = arith.constant 0 : index
    %swap3A_7 = vector.load %arg4[%swap3A, %swap3A_6] : memref<1024x1024xf32, #tpu.memory_space<vmem>>, vector<1024x1024xf32>
    tpu.vector_store %arg4[%swap3A, %swap3A_6], %dot_general3A_5 {strides = array<i32>} : memref<1024x1024xf32, #tpu.memory_space<vmem>>, vector<1024x1024xf32>,
    return
  }
  func.func @transform_0(%arg0: i32, %arg1: i32) -> (i32, i32) {
    %c0_i32 = arith.constant 0 : i32
    %c0_i32_0 = arith.constant 0 : i32
    return %arg0, %c0_i32 : i32, i32
  }
  func.func @transform_1(%arg0: i32, %arg1: i32) -> (i32, i32) {
    %c0_i32 = arith.constant 0 : i32
    %c0_i32_0 = arith.constant 0 : i32
    return %arg1, %c0_i32 : i32, i32
  }
  func.func @transform_2(%arg0: i32, %arg1: i32) -> (i32, i32) {
    %c0_i32 = arith.constant 0 : i32
    return %arg0, %arg1 : i32, i32
  }
}

</mosaic_0001>

<sc_bundles>
// kernel: kernel.11.cloned.1.call-start
scs
__scs_entry_jumppad:
0x0: {  	(pc) =	sbr.rel $0x88, $3  }
0x1: {  	(tag) =	ssettag $0x0;
	lr =	simm.s32 $0x1  }
0x2: {  	[smem:$0x3F94] =	sst lr;
	_ =	strace $0xD0000000  }
0x3: {  	_ = 	snop  }
0x4: {  	_ = 	snop  }
0x5: {  	_ = 	snop  }
0x6: {  	_ = 	snop  }
0x7: {  	_ = 	snop  }
__scs_overlays_trampoline_lowered:
0x8: {  	[smem:$0x3FA3] =	sst s0  }
0x9: {  	[smem:$0x3FA4] =	sst s1  }
0xa: {  	[smem:$0x3FA5] =	sst s2  }
0xb: {  	[smem:$0x3FA6] =	sst s3  }
0xc: {  	[smem:$0x3FA7] =	sst s4  }
0xd: {  	[smem:$0x3FA8] =	sst s5  }
0xe: {  	[smem:$0x3FA9] =	sst s6  }
0xf: {  	[smem:$0x3FAA] =	sst s7  }
0x10: {  	[smem:$0x3FAB] =	sst s8  }
0x11: {  	[smem:$0x3FAC] =	sst s9;
	s0 =	simm.s32 @!p0 $0x0  }
0x12: {  	s1 =	sld [smem:$0x3F92];
	s0 =	simm.s32 @p0 $0x1  }
0x13: {  	[smem:$0x3FAD] =	sst s0;
	s0 =	simm.s32 @!p1 $0x0  }
0x14: {  	s2 =	sld [smem:$0x3F91];
	s0 =	simm.s32 @p1 $0x1  }
0x15: {  	[smem:$0x3FAE] =	sst s0;
	s0 =	simm.s32 @!p2 $0x0  }
0x16: {  	s3 =	sld [smem:$0x3FDB];
	s0 =	simm.s32 @p2 $0x1  }
0x17: {  	s4 =	simm.s32 $0x1BF5;
	[smem:$0x3FB0] =	sst s0  }
0x18: {  	s0 =	sld [smem:$0x3F93];
	_ =	swait.ge [sflag:s4], $0x0  }
0x19: {  	s7 =	sld [smem:$0x3F94]  }
0x1a: {  	s8 =	sadd.s32 $0xFFFFE003, lr  }
0x1b: {  	s9 =	sadd.s32 $0xFFFFFEF7, lr;
	s5 =	simm.s32 $0xFFFFFFFF;
	p2 =	slt.u32 s8, $0xFFFFF086  }
0x1c: {  	p1 =	slt.u32 s9, $0xF7A;
	s5 =	simm.s32 @!p2 $0x0  }
0x1d: {  	s5 =	simm.s32 @p1 $0x1;
	p0 =	seq.s32 s7, s2  }
0x1e: {  	s7 =	smul.u32 @!p0 $0xF7A, s2;
	p2 =	seq.s32 @!p0 s5, $0x0  }
0x1f: {  	s9 =	smul.u32 $0xF7A, s1;
	s8 =	simm.s32 @!p0 $0x1BF5;
	p2 =	por !p2, p0  }
0x20: {  	[sflag:s8] =	ssyncset.s32 @!p0 $0xFFFFF086;
	s6 =	sadd.s32 @!p0 s3, s7;
	s7 =	simm.s32 @!p0 $0x108  }
0x21: {  	s3 =	sadd.s32 s3, s9;
	s6 =	sadd.s32 @!p0 $0x88, s6;
	s7 =	simm.s32 @p2 $0x1082  }
0x22: {  	[simem:s7], [sflag:s8] =	dma.local @!p0 [hbm:s6], $0xF7A  }
0x23: {  	s9 =	sor.u32 $0xD0000000, s2;
	s6 =	simm.s32 $0x108;
	_ =	swait.ge @!p0 [sflag:s8], $0x0  }
0x24: {  	s3 =	sadd.s32 $0x88, s3;
	s6 =	simm.s32 @!p1 $0x1082;
	[sflag:s4] =	ssyncset.s32 $0xFFFFF086  }
0x25: {  	[simem:s6], [sflag:s4] =	dma.local [hbm:s3], $0xF7A  }
0x26: {  	[smem:$0x3F94] =	sst s1;
	(tag) =	ssettag s2;
	_ =	strace s9  }
0x27: {  	s1 =	sld [smem:$0x3FA4]  }
0x28: {  	s2 =	sld [smem:$0x3FA5]  }
0x29: {  	s4 =	sld [smem:$0x3FA7]  }
0x2a: {  	p0 =	seq.s32 s5, $0x0;
	s5 =	sld [smem:$0x3FA8]  }
0x2b: {  	s6 =	sld [smem:$0x3FA9]  }
0x2c: {  	s7 =	sld [smem:$0x3FAA]  }
0x2d: {  	s3 =	simm.s32 $0x108;
	s8 =	sld [smem:$0x3FAB]  }
0x2e: {  	s3 =	simm.s32 @!p0 $0x1082;
	s9 =	sld [smem:$0x3FAC]  }
0x2f: {  	lr =	sadd.s32 s0, s3;
	s0 =	sld [smem:$0x3FA3]  }
0x30: {  	s3 =	sld [smem:$0x3FA6]  }
0x31: {  	[smem:$0x3FAF] =	sst s10  }
0x32: {  	s10 =	sld [smem:$0x3FAD];
	_ =	sdelay $0x3  }
0x33: {  	p0 =	seq.s32 s10, $0x1;
	s10 =	sld [smem:$0x3FAF];
	_ =	sdelay $0x3  }
0x34: {  	[smem:$0x3FAF] =	sst s10  }
0x35: {  	s10 =	sld [smem:$0x3FAE];
	_ =	sdelay $0x3  }
0x36: {  	p1 =	seq.s32 s10, $0x1;
	s10 =	sld [smem:$0x3FAF];
	_ =	sdelay $0x3  }
0x37: {  	[smem:$0x3FAF] =	sst s10  }
0x38: {  	s10 =	sld [smem:$0x3FB0]  }
0x39: {  	_ = 	snop;
	(pc) =	sbr.ind lr, $3  }
0x3a: {  	_ = 	snop  }
0x3b: {  	_ = 	snop  }
0x3c: {  	p2 =	seq.s32 s10, $0x1;
	s10 =	sld [smem:$0x3FAF]  }
0x3d: {  	_ =	shalt  }
0x3e: {  	_ =	shalt  }
0x3f: {  	_ =	shalt  }
0x40: {  	_ =	shalt  }
0x41: {  	_ =	shalt  }
0x42: {  	_ =	shalt  }
0x43: {  	_ =	shalt  }
0x44: {  	_ =	shalt  }
0x45: {  	_ =	shalt  }
0x46: {  	_ =	shalt  }
0x47: {  	_ =	shalt  }
0x48: {  	_ =	shalt  }
0x49: {  	_ =	shalt  }
0x4a: {  	_ =	shalt  }
0x4b: {  	_ =	shalt  }
0x4c: {  	_ =	shalt  }
0x4d: {  	_ =	shalt  }
0x4e: {  	_ =	shalt  }
0x4f: {  	_ =	shalt  }
0x50: {  	_ =	shalt  }
0x51: {  	_ =	shalt  }
0x52: {  	_ =	shalt  }
0x53: {  	_ =	shalt  }
0x54: {  	_ =	shalt  }
0x55: {  	_ =	shalt  }
0x56: {  	_ =	shalt  }
0x57: {  	_ =	shalt  }
0x58: {  	_ =	shalt  }
0x59: {  	_ =	shalt  }
0x5a: {  	_ =	shalt  }
0x5b: {  	_ =	shalt  }
0x5c: {  	_ =	shalt  }
0x5d: {  	_ =	shalt  }
0x5e: {  	_ =	shalt  }
0x5f: {  	_ =	shalt  }
0x60: {  	_ =	shalt  }
0x61: {  	_ =	shalt  }
0x62: {  	_ =	shalt  }
0x63: {  	_ =	shalt  }
0x64: {  	_ =	shalt  }
0x65: {  	_ =	shalt  }
0x66: {  	_ =	shalt  }
0x67: {  	_ =	shalt  }
0x68: {  	_ =	shalt  }
0x69: {  	_ =	shalt  }
0x6a: {  	_ =	shalt  }
0x6b: {  	_ =	shalt  }
0x6c: {  	_ =	shalt  }
0x6d: {  	_ =	shalt  }
0x6e: {  	_ =	shalt  }
0x6f: {  	_ =	shalt  }
0x70: {  	_ =	shalt  }
0x71: {  	_ =	shalt  }
0x72: {  	_ =	shalt  }
0x73: {  	_ =	shalt  }
0x74: {  	_ =	shalt  }
0x75: {  	_ =	shalt  }
0x76: {  	_ =	shalt  }
0x77: {  	_ =	shalt  }
0x78: {  	_ =	shalt  }
0x79: {  	_ =	shalt  }
0x7a: {  	_ =	shalt  }
0x7b: {  	_ =	shalt  }
0x7c: {  	_ =	shalt  }
0x7d: {  	_ =	shalt  }
0x7e: {  	_ =	shalt  }
0x7f: {  	_ =	shalt  }
0x80: {  	_ =	shalt  }
0x81: {  	_ =	shalt  }
0x82: {  	_ =	shalt  }
0x83: {  	_ =	shalt  }
0x84: {  	_ =	shalt  }
0x85: {  	_ =	shalt  }
0x86: {  	_ =	shalt  }
0x87: {  	_ =	shalt  }
.Lfunc_end0:
.L_simem_size_0:
called_computation_lowered:
.L_overlay_start_0:
0x88: {  	s2 =	sld [smem:$0x3FD9]  }
0x89: {  	s3 =	sld [smem:$0x3FFE];
	_ =	sdelay $0x1  }
0x8a: {  	s1 =	srdreg.scid  }
0x8b: {  	s0 =	sand.u32 $0x1, s1  }
0x8c: {  	s14 =	sshll.u32 s0, $0xA;
	s2 =	sadd.s32 s3, s2  }
0x8d: {  	s2 =	sadd.s32 s2, s14  }
0x8e: {  	[smem:$0x3FBB] =	sst s2  }
0x8f: {  	_ = 	snop  }
0x90: {  	s2 =	sld [smem:$0x3FD0];
	_ =	sdelay $0x2  }
0x91: {  	s15 =	simm.s32 $0xA;
	s4 =	simm.s32 $0x10  }
0x92: {  	[smem:s4], [sflag:s15] =	dma.local [hbm:s2], $0x1  }
0x93: {  	_ =	swait.eq [sflag:s15], $0x1  }
0x94: {  	s16 =	sld [smem:$0x10];
	[sflag:s15] =	ssyncset.done $0x0  }
0x95: {  	s17 =	sld [smem:$0x12];
	[sflag:s15] =	ssyncadd.s32 $0xFFFFFFFF  }
0x96: {  	s18 =	sld [smem:$0x13];
	(tm) =	ssettm $0x1  }
0x97: {  	s5 =	sld [smem:$0x3FFB];
	_ =	sdelay $0x3  }
0x98: {  	_ =	strace s5  }
0x99: {  	s5 =	sld [smem:$0x3FFC];
	_ =	sdelay $0x3  }
0x9a: {  	_ =	strace s5  }
0x9b: {  	s5 =	sld [smem:$0x3FFD];
	_ =	sdelay $0x3  }
0x9c: {  	_ =	strace s5  }
0x9d: {  	_ =	strace $0x8FFFFFFF  }
0x9e: {  	s19 =	sld [smem:$0x3FDB];
	_ =	sdelay $0x1  }
0x9f: {  	s6 =	simm.s32 $_scs_section_size  }
0xa0: {  	s7 =	simm.s32 $_size__tile_overlayer_lowered;
	s8 =	simm.s32 $_tile_overlayer_lowered  }
0xa1: {  	s22 =	simm.s32 $0x1BFF;
	s21 =	sshll.u32 s8, $0x1;
	s5 =	sadd.s32 s6, s19  }
0xa2: {  	s9 =	simm.s32 $0x0;
	s20 =	sshll.u32 s7, $0x1;
	s7 =	sadd.s32 s21, s5  }
0xa3: {  	[timem:s9], [sflag:s22] =	dma.local [hbm:s7], s20  }
0xa4: {  	_ =	swait.ge [sflag:s22], s20  }
0xa5: {  	s6 =	ssub.s32 $0x0, s20;
	[sflag:s22] =	ssyncset.done $0x0  }
0xa6: {  	[sflag:s22] =	ssyncadd.s32 s6;
	_ =	sdelay $0x1  }
0xa7: {  	s23 =	simm.s32 $0x1B8B  }
0xa8: {  	_ =	swait.ge [sflag:s23], $0x1  }
0xa9: {  	[sflag:s23] =	ssyncset.done $0x0  }
0xaa: {  	s25 =	simm.s32 $0x1B8E;
	s24 =	sld [smem:$0x3FFE];
	[sflag:s23] =	ssyncadd.s32 $0xFFFFFFFF  }
0xab: {  	s26 =	simm.s32 $execute0_lowered;
	[smem:$0x3FD2] =	sst s25  }
0xac: {  	s7 =	sshll.u32 s26, $0x1;
	_ =	strace $0x80000046;
	[dreg:$0x1] =	wrdreg $0xFFFFFFFF  }
0xad: {  	s28 =	simm.s32 $_size_execute0_lowered;
	s5 =	sadd.s32 s5, s7;
	[dreg:$0x0] =	wrdreg $0x0  }
0xae: {  	s7 =	sshll.u32 s28, $0x1;
	[dreg:$0x2] =	wrdreg s5  }
0xaf: {  	[dreg:$0x3] =	wrdreg s7  }
0xb0: {  	[dreg:$0x4] =	wrdreg $0xC0  }
0xb1: {  	_ =	task [dreg:s9], $0x5FFFF  }
0xb2: {  	[dreg:$0x1] =	wrdreg $0xFFFFFFFF  }
0xb3: {  	[dreg:$0x0] =	wrdreg $0x60  }
0xb4: {  	[dreg:$0x2] =	wrdreg s24  }
0xb5: {  	[dreg:$0x3] =	wrdreg s17  }
0xb6: {  	[dreg:$0x4] =	wrdreg s18  }
0xb7: {  	[dreg:$0x5] =	wrdreg s16  }
0xb8: {  	[dreg:$0x6] =	wrdreg $0x0  }
0xb9: {  	[dreg:$0x7] =	wrdreg $0x27800  }
0xba: {  	[dreg:$0x8] =	wrdreg $0x9  }
0xbb: {  	_ =	task.clear_ibuf [dreg:s9], $0x9FFFF;
	_ =	strace $0x90000046  }
0xbc: {  	s29 =	simm.s32 $0x9;
	_ =	strace $0x80000048  }
0xbd: {  	_ =	swait.ge [sflag:s29], $0x1  }
0xbe: {  	[sflag:s29] =	ssyncadd.s32 $0xFFFFFFFF  }
0xbf: {  	_ =	strace $0x90000048  }
0xc0: {  	_ =	sfence  }
0xc1: {  	s30 =	sld [smem:$0x0];
	_ =	sdelay $0x2  }
0xc2: {  	s31 =	sshll.u32 s1, $0xD;
	s1 =	sshrl.u32 s1, $0x2  }
0xc3: {  	s3 =	sand.u32 $0x4000, s31;
	s1 =	sadd.s32 s1, s30  }
0xc4: {  	s0 =	sor.u32 s3, s0;
	s1 =	sshll.u32 s1, $0x11  }
0xc5: {  	s0 =	sor.u32 s1, s0  }
0xc6: {  	s0 =	sadd.s32 $0x8F2B, s0  }
0xc7: {  	[sflag:s0] =	ssyncadd.remote.s32 $0x1  }
0xc8: {  	_ =	sfence.sel $0xFFFF  }
0xc9: {  	[dreg:$0x0] =	wrdreg $0xFFFFFFFF;
	(pc) =	sbr.abs _section_cstart, $3  }
0xca: {  	[dreg:$0x1] =	wrdreg $0xFFFFFFFF  }
0xcb: {  	_ =	task.clear_ibuf [dreg:s9], $0x2FFFF;
	_ =	strace $0x9FFFFFFF  }
0xcc: {  	(tm) =	ssettm $0x7FFFFFFF  }
0xcd: {  	_ =	shalt  }
tec
execute0_lowered:
.L_overlay_start_1:
0x0: {  	(tag) =	ssettag $0x1  }
0x1: {  	s5 =	rddreg [dreg:$0x0]  }
0x2: {  	s6 =	rddreg [dreg:$0x1]  }
0x3: {  	s10 =	rddreg [dreg:$0x2]  }
0x4: {  	s11 =	rddreg [dreg:$0x3]  }
0x5: {  	s0 =	srdreg.scid;
	s2 =	rddreg [dreg:$0x4]  }
0x6: {  	s3 =	rddreg [dreg:$0x5];
	s1 =	stileid.u32  }
0x7: {  	s4 =	simm.s32 $0x0;
	s17 =	simm.s32 $0x7700;
	s18 =	simm.s32 $0x9F00  }
0x8: {  	s19 =	simm.s32 $0x80;
	s7 =	sand.u32 $0x1, s0;
	s0 =	rddreg [dreg:$0x6]  }
0x9: {  	s20 =	simm.s32 $0x0;
	[smem:$0x7FF] =	sst s4;
	s13 =	smul.u32 $0x2780, s1  }
0xa: {  	s29 =	sshll.u32 s1, $0x6;
	s8 =	sshll.u32 s7, $0x4;
	_ =	strace $0x80000047  }
0xb: {  	s9 =	ssub.s32 $0x2, s7;
	s26 =	smul.u32 $0x27800, s7;
	s7 =	sor.u32 $0x1C01, s29  }
0xc: {  	s8 =	sor.u32 s1, s8;
	s25 =	sshrl.u32 s9, $0x1;
	s15 =	sadd.s32 s13, s2  }
0xd: {  	s28 =	sshrl.u32 s13, $0x3;
	s16 =	sadd.s32 s13, s3;
	s8 =	smul.u32 $0x500, s8  }
0xe: {  	s14 =	ssub.s32 s9, s25;
	s6 =	sadd.s32 s6, s28;
	s30 =	sadd.s32 s13, s26  }
0xf: {  	s13 =	sshrl.u32 s15, $0x3;
	s15 =	sshrl.u32 s16, $0x3;
	s16 =	simm.s32 $0x4F00  }
0x10: {  	s31 =	sshrl.u32 s30, $0x3;
	s12 =	sadd.s32 s8, s5;
	s5 =	sadd.s32 $0x18A00, s5  }
0x11: {  	s10 =	sadd.s32 s10, s31;
	s11 =	sadd.s32 s11, s31;
	s8 =	sadd.s32 $0xEA00, s12  }
0x12: {  	s9 =	sadd.s32 $0x4A00, s12;
	s12 =	smax.u32 s14, $0x1;
	s14 =	simm.s32 $0x1  }
.LBB2_1:
0x13: {  	[spmem:s13], [sflag:s7] =	dma.local [hbm:s6], $0x4F0  }
0x14: {  	_ =	swait.ge [sflag:s14], $0x4F0  }
0x15: {  	[sflag:s14] =	ssyncset.done $0x0  }
0x16: {  	[sflag:s14] =	ssyncadd.s32 $0xFFFFFB10  }
0x17: {  	[spmem:s15], [sflag:s7] =	dma.local [hbm:s6], $0x4F0  }
0x18: {  	_ =	swait.ge [sflag:s14], $0x4F0  }
0x19: {  	[sflag:s14] =	ssyncset.done $0x0  }
0x1a: {  	[sflag:s14] =	ssyncadd.s32 $0xFFFFFB10  }
0x1b: {  	[tilespmem:s16], [sflag:$0x1] =	stream.linear.gather [hbm4b:s8+s4], $0x2800, $0x38;
	[tilespmem:$0xA700] =	vst v63  }
0x1c: {  	_ =	swait.ge [sflag:s14], $0x2800  }
0x1d: {  	[sflag:s14] =	ssyncset.done $0x0  }
0x1e: {  	[sflag:s14] =	ssyncadd.s32 $0xFFFFD800  }
0x1f: {  	[tilespmem:s17], [sflag:$0x1] =	stream.linear.gather [hbm4b:s9+s4], $0x2800, $0x38;
	[tilespmem:$0xA700] =	vst v63  }
0x20: {  	_ =	swait.ge [sflag:s14], $0x2800  }
0x21: {  	[sflag:s14] =	ssyncset.done $0x0  }
0x22: {  	[sflag:s14] =	ssyncadd.s32 $0xFFFFD800  }
0x23: {  	[tilespmem:s18], [sflag:$0x1] =	stream.linear.gather [hbm4b:s5+s4], $0x800, $0x38;
	[tilespmem:$0xA700] =	vst v63  }
0x24: {  	_ =	swait.ge [sflag:s14], $0x800  }
0x25: {  	[sflag:s14] =	ssyncset.done $0x0  }
0x26: {  	[sflag:s14] =	ssyncadd.s32 $0xFFFFF800  }
0x27: {  	s21 =	simm.s32 $0x4F00;
	[bflag:$0x0] =	sbarrier.arrive $0xFFFF  }
0x28: {  	[spmem:s2] =	stream.indirect.scatter.add.f32 [tilespmem:s18], [sflag:$0x1], $0x10, s21, s19, $0xb8;
	[tilespmem:$0xA700] =	vst v63  }
0x29: {  	_ =	swait.ge [sflag:s14], $0x800  }
0x2a: {  	[sflag:s14] =	ssyncset.done $0x0  }
0x2b: {  	s31 =	simm.s32 $0x7700;
	[sflag:s14] =	ssyncadd.s32 $0xFFFFF800  }
0x2c: {  	[spmem:s3] =	stream.indirect.scatter.add.f32 [tilespmem:s18], [sflag:$0x1], $0x10, s31, s19, $0xb8;
	[tilespmem:$0xA700] =	vst v63  }
0x2d: {  	_ =	swait.ge [sflag:s14], $0x800  }
0x2e: {  	s22 =	simm.s32 $0x400;
	s21 =	simm.s32 $0x80;
	[sflag:s14] =	ssyncset.done $0x0  }
.LBB2_2:
0x2f: {  	s23 =	sadd.s32 $0x4F00, s21  }
0x30: {  	[sflag:s14] =	ssyncadd.s32 $0xFFFFF800;
	s24 =	smov.u32 s22;
	s25 =	sadd.s32 $0x200, s22  }
0x31: {  	[spmem:s2] =	stream.indirect.scatter.add.f32 [tilespmem:s18], [sflag:$0x1], $0x10, s23, s19, $0xb8;
	[tilespmem:$0xA700] =	vst v63  }
0x32: {  	p0 =	sne.s32 s22, $0x9E00;
	_ =	swait.ge [sflag:s14], $0x800  }
.Ltmp0:
0x33: {  	[sflag:s14] =	ssyncset.done $0x0;
	(pc) =	sbr.rel @p0 .LBB2_2-.Ltmp0, $4  }
0x34: {  	s21 =	sadd.s32 $0x7700, s21;
	[sflag:s14] =	ssyncadd.s32 $0xFFFFF800  }
0x35: {  	[spmem:s3] =	stream.indirect.scatter.add.f32 [tilespmem:s18], [sflag:$0x1], $0x10, s21, s19, $0xb8;
	[tilespmem:$0xA700] =	vst v63  }
0x36: {  	_ =	swait.ge [sflag:s14], $0x800  }
0x37: {  	s22 =	smov.u32 s25;
	s21 =	sshra.s32 s24, $0x2;
	[sflag:s14] =	ssyncset.done $0x0  }
0x38: {  	s22 =	sadd.s32 $0x4F00, s21;
	[sflag:s14] =	ssyncadd.s32 $0xFFFFF800  }
0x39: {  	[spmem:s2] =	stream.indirect.scatter.add.f32 [tilespmem:s18], [sflag:$0x1], $0x10, s22, s19, $0xb8;
	[tilespmem:$0xA700] =	vst v63  }
0x3a: {  	_ =	swait.ge [sflag:s14], $0x800  }
0x3b: {  	[sflag:s14] =	ssyncset.done $0x0  }
0x3c: {  	s31 =	sadd.s32 $0x7700, s21;
	[sflag:s14] =	ssyncadd.s32 $0xFFFFF800  }
0x3d: {  	[spmem:s3] =	stream.indirect.scatter.add.f32 [tilespmem:s18], [sflag:$0x1], $0x10, s31, s19, $0xb8;
	[tilespmem:$0xA700] =	vst v63  }
0x3e: {  	_ =	swait.ge [sflag:s14], $0x800  }
0x3f: {  	[sflag:s14] =	ssyncset.done $0x0  }
0x40: {  	[sflag:s14] =	ssyncadd.s32 $0xFFFFF800  }
0x41: {  	[bflag:$0x0] =	sbarrier.arrive $0xFFFF  }
0x42: {  	[hbm:s10], [sflag:s7] =	dma.local [spmem:s13], $0x4F0  }
0x43: {  	s20 =	sadd.s32 $0x1, s20;
	_ =	swait.ge [sflag:s14], $0x4F0  }
0x44: {  	p0 =	sne.s32 s20, s12;
	[sflag:s14] =	ssyncset.done $0x0  }
.Ltmp1:
0x45: {  	[sflag:s14] =	ssyncadd.s32 $0xFFFFFB10;
	(pc) =	sbr.rel @p0 .LBB2_1-.Ltmp1, $4  }
0x46: {  	[hbm:s11], [sflag:s7] =	dma.local [spmem:s15], $0x4F0  }
0x47: {  	_ =	swait.ge [sflag:s14], $0x4F0  }
0x48: {  	[sflag:s14] =	ssyncset.done $0x0  }
0x49: {  	[sflag:s14] =	ssyncadd.s32 $0xFFFFFB10  }
0x4a: {  	_ =	sfence.sel $0x180000  }
0x4b: {  	[bflag:$0x0] =	sbarrier.arrive $0xFFFF  }
0x4c: {  	p0 =	sne.s32 s1, $0x0;
	_ =	strace $0x90000047  }
0x4d: {  	s0 =	sadd.s32 @!p0 $0x100000, s0;
	[bflag:$0x2] =	sbarrier.arrive $0xFFFF  }
0x4e: {  	[sflag:s0] =	ssyncadd.tile.s32 @!p0 $0x1;
	_ =	shalt  }
.Lfunc_end2:
_tile_overlayer_lowered:
.L_overlay_start_2:
0x4f: {  	(tag) =	ssettag $0x2  }
0x50: {  	s0 =	rddreg [dreg:$0x0];
	s2 =	stileid.u32  }
0x51: {  	s1 =	rddreg [dreg:$0x1];
	p0 =	sne.s32 s2, $0x0  }
0x52: {  	s3 =	rddreg [dreg:$0x2];
	[bflag:$0x3] =	sbarrier.arrive $0xFFFF;
	s2 =	simm.s32 @!p0 $0x1C01  }
0x53: {  	[timem:s3], [sflag:s2] =	dma.local @!p0 [hbm:s0], s1  }
0x54: {  	s0 =	simm.s32 @!p0 $0x1  }
0x55: {  	_ =	swait.ge @!p0 [sflag:s0], s1  }
0x56: {  	s1 =	ssub.s32 @!p0 $0x0, s1;
	[sflag:s0] =	ssyncset.done @!p0 $0x0  }
0x57: {  	[sflag:s0] =	ssyncadd.s32 @!p0 s1  }
0x58: {  	[bflag:$0x3] =	sbarrier.arrive $0xFFFF  }
0x59: {  	_ =	shalt  }

// kernel: kernel.14.cloned.1.call-start
scs
__scs_entry_jumppad:
0x0: {  	(pc) =	sbr.rel $0x88, $3  }
0x1: {  	(tag) =	ssettag $0x0;
	lr =	simm.s32 $0x1  }
0x2: {  	[smem:$0x3F94] =	sst lr;
	_ =	strace $0xD0000000  }
0x3: {  	_ = 	snop  }
0x4: {  	_ = 	snop  }
0x5: {  	_ = 	snop  }
0x6: {  	_ = 	snop  }
0x7: {  	_ = 	snop  }
__scs_overlays_trampoline_lowered:
0x8: {  	[smem:$0x3FA3] =	sst s0  }
0x9: {  	[smem:$0x3FA4] =	sst s1  }
0xa: {  	[smem:$0x3FA5] =	sst s2  }
0xb: {  	[smem:$0x3FA6] =	sst s3  }
0xc: {  	[smem:$0x3FA7] =	sst s4  }
0xd: {  	[smem:$0x3FA8] =	sst s5  }
0xe: {  	[smem:$0x3FA9] =	sst s6  }
0xf: {  	[smem:$0x3FAA] =	sst s7  }
0x10: {  	[smem:$0x3FAB] =	sst s8  }
0x11: {  	[smem:$0x3FAC] =	sst s9;
	s0 =	simm.s32 @!p0 $0x0  }
0x12: {  	s1 =	sld [smem:$0x3F92];
	s0 =	simm.s32 @p0 $0x1  }
0x13: {  	[smem:$0x3FAD] =	sst s0;
	s0 =	simm.s32 @!p1 $0x0  }
0x14: {  	s2 =	sld [smem:$0x3F91];
	s0 =	simm.s32 @p1 $0x1  }
0x15: {  	[smem:$0x3FAE] =	sst s0;
	s0 =	simm.s32 @!p2 $0x0  }
0x16: {  	s3 =	sld [smem:$0x3FDB];
	s0 =	simm.s32 @p2 $0x1  }
0x17: {  	s4 =	simm.s32 $0x1BF5;
	[smem:$0x3FB0] =	sst s0  }
0x18: {  	s0 =	sld [smem:$0x3F93];
	_ =	swait.ge [sflag:s4], $0x0  }
0x19: {  	s7 =	sld [smem:$0x3F94]  }
0x1a: {  	s8 =	sadd.s32 $0xFFFFE003, lr  }
0x1b: {  	s9 =	sadd.s32 $0xFFFFFEF7, lr;
	s5 =	simm.s32 $0xFFFFFFFF;
	p2 =	slt.u32 s8, $0xFFFFF086  }
0x1c: {  	p1 =	slt.u32 s9, $0xF7A;
	s5 =	simm.s32 @!p2 $0x0  }
0x1d: {  	s5 =	simm.s32 @p1 $0x1;
	p0 =	seq.s32 s7, s2  }
0x1e: {  	s7 =	smul.u32 @!p0 $0xF7A, s2;
	p2 =	seq.s32 @!p0 s5, $0x0  }
0x1f: {  	s9 =	smul.u32 $0xF7A, s1;
	s8 =	simm.s32 @!p0 $0x1BF5;
	p2 =	por !p2, p0  }
0x20: {  	[sflag:s8] =	ssyncset.s32 @!p0 $0xFFFFF086;
	s6 =	sadd.s32 @!p0 s3, s7;
	s7 =	simm.s32 @!p0 $0x108  }
0x21: {  	s3 =	sadd.s32 s3, s9;
	s6 =	sadd.s32 @!p0 $0x88, s6;
	s7 =	simm.s32 @p2 $0x1082  }
0x22: {  	[simem:s7], [sflag:s8] =	dma.local @!p0 [hbm:s6], $0xF7A  }
0x23: {  	s9 =	sor.u32 $0xD0000000, s2;
	s6 =	simm.s32 $0x108;
	_ =	swait.ge @!p0 [sflag:s8], $0x0  }
0x24: {  	s3 =	sadd.s32 $0x88, s3;
	s6 =	simm.s32 @!p1 $0x1082;
	[sflag:s4] =	ssyncset.s32 $0xFFFFF086  }
0x25: {  	[simem:s6], [sflag:s4] =	dma.local [hbm:s3], $0xF7A  }
0x26: {  	[smem:$0x3F94] =	sst s1;
	(tag) =	ssettag s2;
	_ =	strace s9  }
0x27: {  	s1 =	sld [smem:$0x3FA4]  }
0x28: {  	s2 =	sld [smem:$0x3FA5]  }
0x29: {  	s4 =	sld [smem:$0x3FA7]  }
0x2a: {  	p0 =	seq.s32 s5, $0x0;
	s5 =	sld [smem:$0x3FA8]  }
0x2b: {  	s6 =	sld [smem:$0x3FA9]  }
0x2c: {  	s7 =	sld [smem:$0x3FAA]  }
0x2d: {  	s3 =	simm.s32 $0x108;
	s8 =	sld [smem:$0x3FAB]  }
0x2e: {  	s3 =	simm.s32 @!p0 $0x1082;
	s9 =	sld [smem:$0x3FAC]  }
0x2f: {  	lr =	sadd.s32 s0, s3;
	s0 =	sld [smem:$0x3FA3]  }
0x30: {  	s3 =	sld [smem:$0x3FA6]  }
0x31: {  	[smem:$0x3FAF] =	sst s10  }
0x32: {  	s10 =	sld [smem:$0x3FAD];
	_ =	sdelay $0x3  }
0x33: {  	p0 =	seq.s32 s10, $0x1;
	s10 =	sld [smem:$0x3FAF];
	_ =	sdelay $0x3  }
0x34: {  	[smem:$0x3FAF] =	sst s10  }
0x35: {  	s10 =	sld [smem:$0x3FAE];
	_ =	sdelay $0x3  }
0x36: {  	p1 =	seq.s32 s10, $0x1;
	s10 =	sld [smem:$0x3FAF];
	_ =	sdelay $0x3  }
0x37: {  	[smem:$0x3FAF] =	sst s10  }
0x38: {  	s10 =	sld [smem:$0x3FB0]  }
0x39: {  	_ = 	snop;
	(pc) =	sbr.ind lr, $3  }
0x3a: {  	_ = 	snop  }
0x3b: {  	_ = 	snop  }
0x3c: {  	p2 =	seq.s32 s10, $0x1;
	s10 =	sld [smem:$0x3FAF]  }
0x3d: {  	_ =	shalt  }
0x3e: {  	_ =	shalt  }
0x3f: {  	_ =	shalt  }
0x40: {  	_ =	shalt  }
0x41: {  	_ =	shalt  }
0x42: {  	_ =	shalt  }
0x43: {  	_ =	shalt  }
0x44: {  	_ =	shalt  }
0x45: {  	_ =	shalt  }
0x46: {  	_ =	shalt  }
0x47: {  	_ =	shalt  }
0x48: {  	_ =	shalt  }
0x49: {  	_ =	shalt  }
0x4a: {  	_ =	shalt  }
0x4b: {  	_ =	shalt  }
0x4c: {  	_ =	shalt  }
0x4d: {  	_ =	shalt  }
0x4e: {  	_ =	shalt  }
0x4f: {  	_ =	shalt  }
0x50: {  	_ =	shalt  }
0x51: {  	_ =	shalt  }
0x52: {  	_ =	shalt  }
0x53: {  	_ =	shalt  }
0x54: {  	_ =	shalt  }
0x55: {  	_ =	shalt  }
0x56: {  	_ =	shalt  }
0x57: {  	_ =	shalt  }
0x58: {  	_ =	shalt  }
0x59: {  	_ =	shalt  }
0x5a: {  	_ =	shalt  }
0x5b: {  	_ =	shalt  }
0x5c: {  	_ =	shalt  }
0x5d: {  	_ =	shalt  }
0x5e: {  	_ =	shalt  }
0x5f: {  	_ =	shalt  }
0x60: {  	_ =	shalt  }
0x61: {  	_ =	shalt  }
0x62: {  	_ =	shalt  }
0x63: {  	_ =	shalt  }
0x64: {  	_ =	shalt  }
0x65: {  	_ =	shalt  }
0x66: {  	_ =	shalt  }
0x67: {  	_ =	shalt  }
0x68: {  	_ =	shalt  }
0x69: {  	_ =	shalt  }
0x6a: {  	_ =	shalt  }
0x6b: {  	_ =	shalt  }
0x6c: {  	_ =	shalt  }
0x6d: {  	_ =	shalt  }
0x6e: {  	_ =	shalt  }
0x6f: {  	_ =	shalt  }
0x70: {  	_ =	shalt  }
0x71: {  	_ =	shalt  }
0x72: {  	_ =	shalt  }
0x73: {  	_ =	shalt  }
0x74: {  	_ =	shalt  }
0x75: {  	_ =	shalt  }
0x76: {  	_ =	shalt  }
0x77: {  	_ =	shalt  }
0x78: {  	_ =	shalt  }
0x79: {  	_ =	shalt  }
0x7a: {  	_ =	shalt  }
0x7b: {  	_ =	shalt  }
0x7c: {  	_ =	shalt  }
0x7d: {  	_ =	shalt  }
0x7e: {  	_ =	shalt  }
0x7f: {  	_ =	shalt  }
0x80: {  	_ =	shalt  }
0x81: {  	_ =	shalt  }
0x82: {  	_ =	shalt  }
0x83: {  	_ =	shalt  }
0x84: {  	_ =	shalt  }
0x85: {  	_ =	shalt  }
0x86: {  	_ =	shalt  }
0x87: {  	_ =	shalt  }
.Lfunc_end0:
.L_simem_size_0:
called_computation.1_lowered:
.L_overlay_start_0:
0x88: {  	s2 =	sld [smem:$0x3FD9]  }
0x89: {  	s3 =	sld [smem:$0x3FFE];
	_ =	sdelay $0x1  }
0x8a: {  	s1 =	srdreg.scid  }
0x8b: {  	s0 =	sand.u32 $0x1, s1  }
0x8c: {  	s14 =	sshll.u32 s0, $0xA;
	s2 =	sadd.s32 s3, s2  }
0x8d: {  	s2 =	sadd.s32 s2, s14  }
0x8e: {  	[smem:$0x3FBB] =	sst s2  }
0x8f: {  	_ = 	snop  }
0x90: {  	s2 =	sld [smem:$0x3FD0];
	_ =	sdelay $0x2  }
0x91: {  	s15 =	simm.s32 $0xA;
	s4 =	simm.s32 $0x10  }
0x92: {  	[smem:s4], [sflag:s15] =	dma.local [hbm:s2], $0x1  }
0x93: {  	_ =	swait.eq [sflag:s15], $0x1  }
0x94: {  	[sflag:s15] =	ssyncset.done $0x0  }
0x95: {  	s16 =	sld [smem:$0x12];
	[sflag:s15] =	ssyncadd.s32 $0xFFFFFFFF  }
0x96: {  	s17 =	sld [smem:$0x13];
	(tm) =	ssettm $0x1  }
0x97: {  	s18 =	sld [smem:$0x3FFB];
	_ =	sdelay $0x3  }
0x98: {  	_ =	strace s18  }
0x99: {  	s4 =	sld [smem:$0x3FFC];
	_ =	sdelay $0x3  }
0x9a: {  	_ =	strace s4  }
0x9b: {  	s4 =	sld [smem:$0x3FFD];
	_ =	sdelay $0x3  }
0x9c: {  	_ =	strace s4  }
0x9d: {  	_ =	strace $0x8FFFFFFF  }
0x9e: {  	s19 =	sld [smem:$0x3FDB];
	_ =	sdelay $0x1  }
0x9f: {  	s5 =	simm.s32 $_scs_section_size  }
0xa0: {  	s6 =	simm.s32 $_size__tile_overlayer_lowered;
	s7 =	simm.s32 $_tile_overlayer_lowered  }
0xa1: {  	s22 =	simm.s32 $0x1BFF;
	s21 =	sshll.u32 s7, $0x1;
	s4 =	sadd.s32 s5, s19  }
0xa2: {  	s8 =	simm.s32 $0x0;
	s20 =	sshll.u32 s6, $0x1;
	s6 =	sadd.s32 s21, s4  }
0xa3: {  	[timem:s8], [sflag:s22] =	dma.local [hbm:s6], s20  }
0xa4: {  	_ =	swait.ge [sflag:s22], s20  }
0xa5: {  	s5 =	ssub.s32 $0x0, s20;
	[sflag:s22] =	ssyncset.done $0x0  }
0xa6: {  	[sflag:s22] =	ssyncadd.s32 s5;
	_ =	sdelay $0x1  }
0xa7: {  	s23 =	simm.s32 $0x1B8B  }
0xa8: {  	_ =	swait.ge [sflag:s23], $0x1  }
0xa9: {  	[sflag:s23] =	ssyncset.done $0x0  }
0xaa: {  	s25 =	simm.s32 $0x1B8E;
	s24 =	sld [smem:$0x3FFE];
	[sflag:s23] =	ssyncadd.s32 $0xFFFFFFFF  }
0xab: {  	s26 =	simm.s32 $execute0_lowered;
	[smem:$0x3FD2] =	sst s25  }
0xac: {  	s6 =	sshll.u32 s26, $0x1;
	_ =	strace $0x80000049;
	[dreg:$0x1] =	wrdreg $0xFFFFFFFF  }
0xad: {  	s28 =	simm.s32 $_size_execute0_lowered;
	s4 =	sadd.s32 s4, s6;
	[dreg:$0x0] =	wrdreg $0x0  }
0xae: {  	s6 =	sshll.u32 s28, $0x1;
	[dreg:$0x2] =	wrdreg s4  }
0xaf: {  	[dreg:$0x3] =	wrdreg s6  }
0xb0: {  	[dreg:$0x4] =	wrdreg $0xC0  }
0xb1: {  	_ =	task [dreg:s8], $0x5FFFF  }
0xb2: {  	[dreg:$0x1] =	wrdreg $0xFFFFFFFF  }
0xb3: {  	[dreg:$0x0] =	wrdreg $0x60  }
0xb4: {  	[dreg:$0x2] =	wrdreg s16  }
0xb5: {  	[dreg:$0x3] =	wrdreg s24  }
0xb6: {  	[dreg:$0x4] =	wrdreg s17  }
0xb7: {  	[dreg:$0x5] =	wrdreg $0x0  }
0xb8: {  	[dreg:$0x6] =	wrdreg $0x9  }
0xb9: {  	_ =	task.clear_ibuf [dreg:s8], $0x7FFFF;
	_ =	strace $0x90000049  }
0xba: {  	s29 =	simm.s32 $0x9;
	_ =	strace $0x8000004B  }
0xbb: {  	_ =	swait.ge [sflag:s29], $0x1  }
0xbc: {  	[sflag:s29] =	ssyncadd.s32 $0xFFFFFFFF  }
0xbd: {  	_ =	strace $0x9000004B  }
0xbe: {  	_ =	sfence  }
0xbf: {  	s30 =	sld [smem:$0x0];
	_ =	sdelay $0x2  }
0xc0: {  	s31 =	sshll.u32 s1, $0xD;
	s1 =	sshrl.u32 s1, $0x2  }
0xc1: {  	s3 =	sand.u32 $0x4000, s31;
	s1 =	sadd.s32 s1, s30  }
0xc2: {  	s0 =	sor.u32 s3, s0;
	s1 =	sshll.u32 s1, $0x11  }
0xc3: {  	s0 =	sor.u32 s1, s0  }
0xc4: {  	s0 =	sadd.s32 $0x8F2B, s0  }
0xc5: {  	[sflag:s0] =	ssyncadd.remote.s32 $0x1  }
0xc6: {  	_ =	sfence.sel $0xFFFF  }
0xc7: {  	[dreg:$0x0] =	wrdreg $0xFFFFFFFF;
	(pc) =	sbr.abs _section_cstart, $3  }
0xc8: {  	[dreg:$0x1] =	wrdreg $0xFFFFFFFF  }
0xc9: {  	_ =	task.clear_ibuf [dreg:s8], $0x2FFFF;
	_ =	strace $0x9FFFFFFF  }
0xca: {  	(tm) =	ssettm $0x7FFFFFFF  }
0xcb: {  	_ =	shalt  }
tec
execute0_lowered:
.L_overlay_start_1:
0x0: {  	(tag) =	ssettag $0x1  }
0x1: {  	s0 =	rddreg [dreg:$0x0]  }
0x2: {  	s5 =	rddreg [dreg:$0x1]  }
0x3: {  	s1 =	srdreg.scid;
	s9 =	rddreg [dreg:$0x2]  }
0x4: {  	s3 =	rddreg [dreg:$0x3];
	s4 =	simm.s32 $0x0;
	s14 =	simm.s32 $0x7700  }
0x5: {  	s15 =	simm.s32 $0x80;
	s16 =	simm.s32 $0x9F00;
	s17 =	simm.s32 $0x4F80  }
0x6: {  	s18 =	simm.s32 $0xA700;
	s19 =	simm.s32 $0x1;
	s20 =	simm.s32 $0xAF00  }
0x7: {  	s21 =	simm.s32 $0x2;
	s22 =	simm.s32 $0xBF00;
	s23 =	simm.s32 $0x0  }
0x8: {  	s6 =	sand.u32 $0x1, s1;
	s1 =	stileid.u32;
	[smem:$0x7FF] =	sst s4  }
0x9: {  	s2 =	sshll.u32 s6, $0x4;
	s8 =	smul.u32 $0x4F00, s1;
	s11 =	ssub.s32 $0x2, s6  }
0xa: {  	s12 =	smul.u32 $0x4F000, s6;
	s30 =	sshll.u32 s1, $0x6;
	s7 =	sor.u32 s1, s2  }
0xb: {  	s2 =	rddreg [dreg:$0x4];
	_ =	strace $0x8000004A;
	s29 =	sshrl.u32 s11, $0x1  }
0xc: {  	s6 =	sor.u32 $0x1C03, s30;
	s7 =	smul.u32 $0x500, s7;
	s28 =	sshrl.u32 s8, $0x3  }
.Ltmp0:
0xd: {  	s11 =	ssub.s32 s11, s29;
	s12 =	sadd.s32 s8, s12;
	(pc) =	sbr.rel .LBB2_1-.Ltmp0, $4  }
0xe: {  	s13 =	sadd.s32 s8, s3;
	s31 =	sshrl.u32 s12, $0x3;
	s12 =	simm.s32 $0x3  }
0xf: {  	s10 =	sadd.s32 s7, s5;
	s5 =	sadd.s32 s28, s5;
	s9 =	sadd.s32 s9, s31  }
0x10: {  	s5 =	sadd.s32 $0x18E00, s5;
	s7 =	sadd.s32 $0xEA00, s10;
	s8 =	sadd.s32 $0x4A00, s10  }
0x11: {  	s10 =	smax.u32 s11, $0x1;
	s11 =	sshrl.u32 s13, $0x3;
	s13 =	simm.s32 $0x4F00  }
.LBB2_8:
0x12: {  	s23 =	sadd.s32 $0x1, s23  }
0x13: {  	p0 =	sne.s32 s23, s10  }
.Ltmp1:
0x14: {  	[bflag:$0x0] =	sbarrier.arrive $0xFFFF;
	(pc) =	sbr.rel @!p0 .LBB2_9-.Ltmp1, $4  }
0x15: {  	[hbm:s9], [sflag:s6] =	dma.local [spmem:s11], $0x9E0  }
0x16: {  	_ =	swait.ge [sflag:s12], $0x9E0  }
0x17: {  	[sflag:s12] =	ssyncset.done $0x0  }
0x18: {  	[sflag:s12] =	ssyncadd.s32 $0xFFFFF620  }
.LBB2_1:
0x19: {  	[spmem:s11], [sflag:s6] =	dma.local [hbm:s5], $0x9E0  }
0x1a: {  	_ =	swait.ge [sflag:s12], $0x9E0  }
0x1b: {  	[sflag:s12] =	ssyncset.done $0x0  }
0x1c: {  	[sflag:s12] =	ssyncadd.s32 $0xFFFFF620  }
0x1d: {  	[tilespmem:s13], [sflag:$0x3] =	stream.linear.gather [hbm4b:s7+s4], $0x2800, $0x38;
	[tilespmem:$0xCF00] =	vst v63  }
0x1e: {  	_ =	swait.ge [sflag:s12], $0x2800  }
0x1f: {  	[sflag:s12] =	ssyncset.done $0x0  }
0x20: {  	[sflag:s12] =	ssyncadd.s32 $0xFFFFD800  }
0x21: {  	[tilespmem:s14], [sflag:$0x3] =	stream.linear.gather [hbm4b:s8+s4], $0x2800, $0x38;
	[tilespmem:$0xCF00] =	vst v63  }
0x22: {  	_ =	swait.ge [sflag:s12], $0x2800  }
0x23: {  	[sflag:s12] =	ssyncset.done $0x0  }
0x24: {  	[sflag:s12] =	ssyncadd.s32 $0xFFFFD800  }
0x25: {  	[bflag:$0x0] =	sbarrier.arrive $0xFFFF  }
0x26: {  	[tilespmem:s16], [sflag:$0x1] =	stream.indirect.gather [hbm4b:s0+s15], $0x10, s13, s15, $0xb8;
	[tilespmem:$0xCF00] =	vst v63  }
0x27: {  	s24 =	simm.s32 $0x0  }
0x28: {  	[tilespmem:s18], [sflag:$0x2] =	stream.indirect.gather [hbm4b:s0+s15], $0x10, s17, s15, $0xb8;
	[tilespmem:$0xCF00] =	vst v63  }
.LBB2_2:
0x29: {  	_ =	swait.ge [sflag:s19], $0x800  }
0x2a: {  	[sflag:s19] =	ssyncset.done $0x0  }
0x2b: {  	s25 =	simm.s32 $0x9F40;
	[sflag:s19] =	ssyncadd.s32 $0xFFFFF800  }
0x2c: {  	v0 =	vld [tilespmem:s25+$0xFFFFFFC0];
	_ =	sdelay $0x4  }
0x2d: {  	s26 =	simm.s32 $0xAF80;
	v1 =	vshll.u32 v0, $0x10  }
0x2e: {  	v0 =	vand.u32 $0xFFFF0000, v0;
	[tilespmem:s26+$0xFFFFFF80] =	vst v1  }
0x2f: {  	[tilespmem:s26+$0xFFFFFF90] =	vst v0  }
0x30: {  	v0 =	vld [tilespmem:s25+$0xFFFFFFD0];
	_ =	sdelay $0x4  }
0x31: {  	v1 =	vshll.u32 v0, $0x10  }
0x32: {  	v0 =	vand.u32 $0xFFFF0000, v0;
	[tilespmem:s26+$0xFFFFFFA0] =	vst v1  }
0x33: {  	[tilespmem:s26+$0xFFFFFFB0] =	vst v0  }
0x34: {  	v0 =	vld [tilespmem:s25+$0xFFFFFFE0];
	_ =	sdelay $0x4  }
0x35: {  	v1 =	vshll.u32 v0, $0x10  }
0x36: {  	v0 =	vand.u32 $0xFFFF0000, v0;
	[tilespmem:s26+$0xFFFFFFC0] =	vst v1  }
0x37: {  	[tilespmem:s26+$0xFFFFFFD0] =	vst v0  }
0x38: {  	v0 =	vld [tilespmem:s25+$0xFFFFFFF0];
	_ =	sdelay $0x4  }
0x39: {  	v1 =	vshll.u32 v0, $0x10  }
0x3a: {  	v0 =	vand.u32 $0xFFFF0000, v0;
	[tilespmem:s26+$0xFFFFFFE0] =	vst v1  }
0x3b: {  	[tilespmem:s26+$0xFFFFFFF0] =	vst v0  }
0x3c: {  	v0 =	vld [tilespmem:s25+$0x0];
	_ =	sdelay $0x4  }
0x3d: {  	v1 =	vshll.u32 v0, $0x10  }
0x3e: {  	v0 =	vand.u32 $0xFFFF0000, v0;
	[tilespmem:s26+$0x0] =	vst v1  }
0x3f: {  	[tilespmem:s26+$0x10] =	vst v0  }
0x40: {  	v0 =	vld [tilespmem:s25+$0x10];
	_ =	sdelay $0x4  }
0x41: {  	v1 =	vshll.u32 v0, $0x10  }
0x42: {  	v0 =	vand.u32 $0xFFFF0000, v0;
	[tilespmem:s26+$0x20] =	vst v1  }
0x43: {  	[tilespmem:s26+$0x30] =	vst v0  }
0x44: {  	v0 =	vld [tilespmem:s25+$0x20];
	_ =	sdelay $0x4  }
0x45: {  	v1 =	vshll.u32 v0, $0x10  }
0x46: {  	s28 =	simm.s32 $0x0;
	s30 =	simm.s32 $0xAF80;
	s29 =	simm.s32 $0x9F40;
	v0 =	vand.u32 $0xFFFF0000, v0;
	[tilespmem:s26+$0x40] =	vst v1  }
.LBB2_3:
0x47: {  	s28 =	sadd.s32 $0x8, s28;
	[tilespmem:s26+$0x50] =	vst v0;
	s30 =	sadd.s32 $0x100, s30;
	s25 =	sadd.s32 $0x80, s25  }
0x48: {  	p0 =	slt.u32 s28, $0x78;
	v0 =	vld [tilespmem:s29+$0x30];
	s29 =	smov.u32 s25;
	_ =	sdelay $0x4  }
0x49: {  	v1 =	vshll.u32 v0, $0x10;
	v0 =	vand.u32 $0xFFFF0000, v0  }
0x4a: {  	[tilespmem:s26+$0x60] =	vst v1  }
0x4b: {  	[tilespmem:s26+$0x70] =	vst v0;
	s26 =	smov.u32 s30  }
0x4c: {  	v0 =	vld [tilespmem:s25+$0xFFFFFFC0];
	_ =	sdelay $0x4  }
0x4d: {  	v1 =	vshll.u32 v0, $0x10;
	v0 =	vand.u32 $0xFFFF0000, v0  }
0x4e: {  	[tilespmem:s30+$0xFFFFFF80] =	vst v1  }
0x4f: {  	[tilespmem:s30+$0xFFFFFF90] =	vst v0  }
0x50: {  	v0 =	vld [tilespmem:s25+$0xFFFFFFD0];
	_ =	sdelay $0x4  }
0x51: {  	v1 =	vshll.u32 v0, $0x10;
	v0 =	vand.u32 $0xFFFF0000, v0  }
0x52: {  	[tilespmem:s30+$0xFFFFFFA0] =	vst v1  }
0x53: {  	[tilespmem:s30+$0xFFFFFFB0] =	vst v0  }
0x54: {  	v0 =	vld [tilespmem:s25+$0xFFFFFFE0];
	_ =	sdelay $0x4  }
0x55: {  	v1 =	vshll.u32 v0, $0x10;
	v0 =	vand.u32 $0xFFFF0000, v0  }
0x56: {  	[tilespmem:s30+$0xFFFFFFC0] =	vst v1  }
0x57: {  	[tilespmem:s30+$0xFFFFFFD0] =	vst v0  }
0x58: {  	v0 =	vld [tilespmem:s25+$0xFFFFFFF0];
	_ =	sdelay $0x4  }
0x59: {  	v1 =	vshll.u32 v0, $0x10;
	v0 =	vand.u32 $0xFFFF0000, v0  }
0x5a: {  	[tilespmem:s30+$0xFFFFFFE0] =	vst v1  }
0x5b: {  	[tilespmem:s30+$0xFFFFFFF0] =	vst v0  }
0x5c: {  	v0 =	vld [tilespmem:s25+$0x0];
	_ =	sdelay $0x4  }
0x5d: {  	v1 =	vshll.u32 v0, $0x10;
	v0 =	vand.u32 $0xFFFF0000, v0  }
0x5e: {  	[tilespmem:s30+$0x0] =	vst v1  }
0x5f: {  	[tilespmem:s30+$0x10] =	vst v0  }
0x60: {  	v0 =	vld [tilespmem:s25+$0x10];
	_ =	sdelay $0x4  }
0x61: {  	v1 =	vshll.u32 v0, $0x10;
	v0 =	vand.u32 $0xFFFF0000, v0  }
0x62: {  	[tilespmem:s30+$0x20] =	vst v1  }
0x63: {  	[tilespmem:s30+$0x30] =	vst v0  }
0x64: {  	v0 =	vld [tilespmem:s25+$0x20];
	_ =	sdelay $0x1  }
.Ltmp2:
0x65: {  	(pc) =	sbr.rel @p0 .LBB2_3-.Ltmp2, $3  }
0x66: {  	_ =	sdelay $0x1  }
0x67: {  	v1 =	vshll.u32 v0, $0x10;
	v0 =	vand.u32 $0xFFFF0000, v0  }
0x68: {  	[tilespmem:s30+$0x40] =	vst v1  }
0x69: {  	[tilespmem:s26+$0x50] =	vst v0  }
0x6a: {  	v0 =	vld [tilespmem:s29+$0x30];
	_ =	sdelay $0x4  }
0x6b: {  	s28 =	sshll.u32 s24, $0xA;
	v1 =	vshll.u32 v0, $0x10  }
0x6c: {  	s25 =	sshrl.u32 s28, $0x2;
	v0 =	vand.u32 $0xFFFF0000, v0;
	[tilespmem:s26+$0x60] =	vst v1  }
0x6d: {  	[tilespmem:s26+$0x70] =	vst v0;
	s26 =	sadd.s32 $0x7700, s25  }
0x6e: {  	[spmem:s3] =	stream.indirect.scatter.add.f32 [tilespmem:s20], [sflag:$0x3], $0x20, s26, s15, $0xb8;
	[tilespmem:$0xCF00] =	vst v63  }
0x6f: {  	p0 =	seq.s32 s24, $0x27;
	_ =	swait.ge [sflag:s12], $0x1000  }
0x70: {  	s29 =	simm.s32 @!p0 $0x9F00;
	s26 =	sshrl.u32 @!p0 s28, $0x2;
	[sflag:s12] =	ssyncset.done $0x0  }
0x71: {  	s28 =	simm.s32 @!p0 $0x80;
	s26 =	sadd.s32 @!p0 $0x5000, s26;
	[sflag:s12] =	ssyncadd.s32 $0xFFFFF000  }
0x72: {  	[tilespmem:s29], [sflag:$0x1] =	stream.indirect.gather @!p0 [hbm4b:s0+s28], $0x10, s26, s28, $0xb8;
	[tilespmem:$0xCF00] =	vst v63  }
0x73: {  	_ =	swait.ge [sflag:s21], $0x800  }
0x74: {  	[sflag:s21] =	ssyncset.done $0x0  }
0x75: {  	s28 =	simm.s32 $0xA740;
	[sflag:s21] =	ssyncadd.s32 $0xFFFFF800  }
0x76: {  	v0 =	vld [tilespmem:s28+$0xFFFFFFC0];
	_ =	sdelay $0x4  }
0x77: {  	s26 =	simm.s32 $0xBF80;
	v1 =	vshll.u32 v0, $0x10  }
0x78: {  	v0 =	vand.u32 $0xFFFF0000, v0;
	[tilespmem:s26+$0xFFFFFF80] =	vst v1  }
0x79: {  	[tilespmem:s26+$0xFFFFFF90] =	vst v0  }
0x7a: {  	v0 =	vld [tilespmem:s28+$0xFFFFFFD0];
	_ =	sdelay $0x4  }
0x7b: {  	v1 =	vshll.u32 v0, $0x10  }
0x7c: {  	v0 =	vand.u32 $0xFFFF0000, v0;
	[tilespmem:s26+$0xFFFFFFA0] =	vst v1  }
0x7d: {  	[tilespmem:s26+$0xFFFFFFB0] =	vst v0  }
0x7e: {  	v0 =	vld [tilespmem:s28+$0xFFFFFFE0];
	_ =	sdelay $0x4  }
0x7f: {  	v1 =	vshll.u32 v0, $0x10  }
0x80: {  	v0 =	vand.u32 $0xFFFF0000, v0;
	[tilespmem:s26+$0xFFFFFFC0] =	vst v1  }
0x81: {  	[tilespmem:s26+$0xFFFFFFD0] =	vst v0  }
0x82: {  	v0 =	vld [tilespmem:s28+$0xFFFFFFF0];
	_ =	sdelay $0x4  }
0x83: {  	v1 =	vshll.u32 v0, $0x10  }
0x84: {  	v0 =	vand.u32 $0xFFFF0000, v0;
	[tilespmem:s26+$0xFFFFFFE0] =	vst v1  }
0x85: {  	[tilespmem:s26+$0xFFFFFFF0] =	vst v0  }
0x86: {  	v0 =	vld [tilespmem:s28+$0x0];
	_ =	sdelay $0x4  }
0x87: {  	v1 =	vshll.u32 v0, $0x10  }
0x88: {  	v0 =	vand.u32 $0xFFFF0000, v0;
	[tilespmem:s26+$0x0] =	vst v1  }
0x89: {  	[tilespmem:s26+$0x10] =	vst v0  }
0x8a: {  	v0 =	vld [tilespmem:s28+$0x10];
	_ =	sdelay $0x4  }
0x8b: {  	v1 =	vshll.u32 v0, $0x10  }
0x8c: {  	v0 =	vand.u32 $0xFFFF0000, v0;
	[tilespmem:s26+$0x20] =	vst v1  }
0x8d: {  	[tilespmem:s26+$0x30] =	vst v0  }
0x8e: {  	v0 =	vld [tilespmem:s28+$0x20];
	_ =	sdelay $0x4  }
0x8f: {  	v1 =	vshll.u32 v0, $0x10  }
0x90: {  	s31 =	simm.s32 $0xBF80;
	s30 =	simm.s32 $0xA740;
	s29 =	simm.s32 $0x0;
	v0 =	vand.u32 $0xFFFF0000, v0;
	[tilespmem:s26+$0x40] =	vst v1  }
.LBB2_5:
0x91: {  	s29 =	sadd.s32 $0x8, s29;
	[tilespmem:s26+$0x50] =	vst v0;
	s31 =	sadd.s32 $0x100, s31;
	s28 =	sadd.s32 $0x80, s28  }
0x92: {  	p1 =	slt.u32 s29, $0x78;
	v0 =	vld [tilespmem:s30+$0x30];
	s30 =	smov.u32 s28;
	_ =	sdelay $0x4  }
0x93: {  	v1 =	vshll.u32 v0, $0x10;
	v0 =	vand.u32 $0xFFFF0000, v0  }
0x94: {  	[tilespmem:s26+$0x60] =	vst v1  }
0x95: {  	[tilespmem:s26+$0x70] =	vst v0;
	s26 =	smov.u32 s31  }
0x96: {  	v0 =	vld [tilespmem:s28+$0xFFFFFFC0];
	_ =	sdelay $0x4  }
0x97: {  	v1 =	vshll.u32 v0, $0x10;
	v0 =	vand.u32 $0xFFFF0000, v0  }
0x98: {  	[tilespmem:s31+$0xFFFFFF80] =	vst v1  }
0x99: {  	[tilespmem:s31+$0xFFFFFF90] =	vst v0  }
0x9a: {  	v0 =	vld [tilespmem:s28+$0xFFFFFFD0];
	_ =	sdelay $0x4  }
0x9b: {  	v1 =	vshll.u32 v0, $0x10;
	v0 =	vand.u32 $0xFFFF0000, v0  }
0x9c: {  	[tilespmem:s31+$0xFFFFFFA0] =	vst v1  }
0x9d: {  	[tilespmem:s31+$0xFFFFFFB0] =	vst v0  }
0x9e: {  	v0 =	vld [tilespmem:s28+$0xFFFFFFE0];
	_ =	sdelay $0x4  }
0x9f: {  	v1 =	vshll.u32 v0, $0x10;
	v0 =	vand.u32 $0xFFFF0000, v0  }
0xa0: {  	[tilespmem:s31+$0xFFFFFFC0] =	vst v1  }
0xa1: {  	[tilespmem:s31+$0xFFFFFFD0] =	vst v0  }
0xa2: {  	v0 =	vld [tilespmem:s28+$0xFFFFFFF0];
	_ =	sdelay $0x4  }
0xa3: {  	v1 =	vshll.u32 v0, $0x10;
	v0 =	vand.u32 $0xFFFF0000, v0  }
0xa4: {  	[tilespmem:s31+$0xFFFFFFE0] =	vst v1  }
0xa5: {  	[tilespmem:s31+$0xFFFFFFF0] =	vst v0  }
0xa6: {  	v0 =	vld [tilespmem:s28+$0x0];
	_ =	sdelay $0x4  }
0xa7: {  	v1 =	vshll.u32 v0, $0x10;
	v0 =	vand.u32 $0xFFFF0000, v0  }
0xa8: {  	[tilespmem:s31+$0x0] =	vst v1  }
0xa9: {  	[tilespmem:s31+$0x10] =	vst v0  }
0xaa: {  	v0 =	vld [tilespmem:s28+$0x10];
	_ =	sdelay $0x4  }
0xab: {  	v1 =	vshll.u32 v0, $0x10;
	v0 =	vand.u32 $0xFFFF0000, v0  }
0xac: {  	[tilespmem:s31+$0x20] =	vst v1  }
0xad: {  	[tilespmem:s31+$0x30] =	vst v0  }
0xae: {  	v0 =	vld [tilespmem:s28+$0x20];
	_ =	sdelay $0x1  }
.Ltmp3:
0xaf: {  	(pc) =	sbr.rel @p1 .LBB2_5-.Ltmp3, $3  }
0xb0: {  	_ =	sdelay $0x1  }
0xb1: {  	v1 =	vshll.u32 v0, $0x10;
	v0 =	vand.u32 $0xFFFF0000, v0  }
0xb2: {  	[tilespmem:s31+$0x40] =	vst v1  }
0xb3: {  	[tilespmem:s26+$0x50] =	vst v0  }
0xb4: {  	v0 =	vld [tilespmem:s30+$0x30];
	_ =	sdelay $0x4  }
0xb5: {  	v1 =	vshll.u32 v0, $0x10  }
0xb6: {  	v0 =	vand.u32 $0xFFFF0000, v0;
	[tilespmem:s26+$0x60] =	vst v1  }
.Ltmp4:
0xb7: {  	s31 =	sadd.s32 $0x7780, s25;
	[tilespmem:s26+$0x70] =	vst v0;
	(pc) =	sbr.rel @p0 .LBB2_8-.Ltmp4, $4  }
0xb8: {  	[spmem:s3] =	stream.indirect.scatter.add.f32 [tilespmem:s22], [sflag:$0x3], $0x20, s31, s15, $0xb8;
	[tilespmem:$0xCF00] =	vst v63  }
0xb9: {  	_ =	swait.ge [sflag:s12], $0x1000  }
0xba: {  	[sflag:s12] =	ssyncset.done $0x0  }
0xbb: {  	[sflag:s12] =	ssyncadd.s32 $0xFFFFF000  }
.Ltmp5:
0xbc: {  	(pc) =	sbr.rel .LBB2_2-.Ltmp5, $3  }
0xbd: {  	_ =	sdelay $0x1  }
0xbe: {  	s25 =	sadd.s32 $0x5080, s25;
	s24 =	sadd.s32 $0x1, s24  }
0xbf: {  	[tilespmem:s18], [sflag:$0x2] =	stream.indirect.gather [hbm4b:s0+s15], $0x10, s25, s15, $0xb8;
	[tilespmem:$0xCF00] =	vst v63  }
.LBB2_9:
0xc0: {  	_ =	sfence.sel $0x180000  }
0xc1: {  	[bflag:$0x0] =	sbarrier.arrive $0xFFFF  }
0xc2: {  	p0 =	sne.s32 s1, $0x0;
	_ =	strace $0x9000004A  }
0xc3: {  	s0 =	sadd.s32 @!p0 $0x100000, s2;
	[bflag:$0x2] =	sbarrier.arrive $0xFFFF  }
0xc4: {  	[sflag:s0] =	ssyncadd.tile.s32 @!p0 $0x1;
	_ =	shalt  }
.Lfunc_end2:
_tile_overlayer_lowered:
.L_overlay_start_2:
0xc5: {  	(tag) =	ssettag $0x2  }
0xc6: {  	s0 =	rddreg [dreg:$0x0];
	s2 =	stileid.u32  }
0xc7: {  	s1 =	rddreg [dreg:$0x1];
	p0 =	sne.s32 s2, $0x0  }
0xc8: {  	s3 =	rddreg [dreg:$0x2];
	[bflag:$0x3] =	sbarrier.arrive $0xFFFF;
	s2 =	simm.s32 @!p0 $0x1C03  }
0xc9: {  	[timem:s3], [sflag:s2] =	dma.local @!p0 [hbm:s0], s1  }
0xca: {  	s0 =	simm.s32 @!p0 $0x3  }
0xcb: {  	_ =	swait.ge @!p0 [sflag:s0], s1  }
0xcc: {  	s1 =	ssub.s32 @!p0 $0x0, s1;
	[sflag:s0] =	ssyncset.done @!p0 $0x0  }
0xcd: {  	[sflag:s0] =	ssyncadd.s32 @!p0 s1  }
0xce: {  	[bflag:$0x3] =	sbarrier.arrive $0xFFFF  }
0xcf: {  	_ =	shalt  }

// kernel: kernel.17.cloned.1.call-start
scs
__scs_entry_jumppad:
0x0: {  	(pc) =	sbr.rel $0x88, $3  }
0x1: {  	(tag) =	ssettag $0x0;
	lr =	simm.s32 $0x1  }
0x2: {  	[smem:$0x3F94] =	sst lr;
	_ =	strace $0xD0000000  }
0x3: {  	_ = 	snop  }
0x4: {  	_ = 	snop  }
0x5: {  	_ = 	snop  }
0x6: {  	_ = 	snop  }
0x7: {  	_ = 	snop  }
__scs_overlays_trampoline_lowered:
0x8: {  	[smem:$0x3FA3] =	sst s0  }
0x9: {  	[smem:$0x3FA4] =	sst s1  }
0xa: {  	[smem:$0x3FA5] =	sst s2  }
0xb: {  	[smem:$0x3FA6] =	sst s3  }
0xc: {  	[smem:$0x3FA7] =	sst s4  }
0xd: {  	[smem:$0x3FA8] =	sst s5  }
0xe: {  	[smem:$0x3FA9] =	sst s6  }
0xf: {  	[smem:$0x3FAA] =	sst s7  }
0x10: {  	[smem:$0x3FAB] =	sst s8  }
0x11: {  	[smem:$0x3FAC] =	sst s9;
	s0 =	simm.s32 @!p0 $0x0  }
0x12: {  	s1 =	sld [smem:$0x3F92];
	s0 =	simm.s32 @p0 $0x1  }
0x13: {  	[smem:$0x3FAD] =	sst s0;
	s0 =	simm.s32 @!p1 $0x0  }
0x14: {  	s2 =	sld [smem:$0x3F91];
	s0 =	simm.s32 @p1 $0x1  }
0x15: {  	[smem:$0x3FAE] =	sst s0;
	s0 =	simm.s32 @!p2 $0x0  }
0x16: {  	s3 =	sld [smem:$0x3FDB];
	s0 =	simm.s32 @p2 $0x1  }
0x17: {  	s4 =	simm.s32 $0x1BF5;
	[smem:$0x3FB0] =	sst s0  }
0x18: {  	s0 =	sld [smem:$0x3F93];
	_ =	swait.ge [sflag:s4], $0x0  }
0x19: {  	s7 =	sld [smem:$0x3F94]  }
0x1a: {  	s8 =	sadd.s32 $0xFFFFE003, lr  }
0x1b: {  	s9 =	sadd.s32 $0xFFFFFEF7, lr;
	s5 =	simm.s32 $0xFFFFFFFF;
	p2 =	slt.u32 s8, $0xFFFFF086  }
0x1c: {  	p1 =	slt.u32 s9, $0xF7A;
	s5 =	simm.s32 @!p2 $0x0  }
0x1d: {  	s5 =	simm.s32 @p1 $0x1;
	p0 =	seq.s32 s7, s2  }
0x1e: {  	s7 =	smul.u32 @!p0 $0xF7A, s2;
	p2 =	seq.s32 @!p0 s5, $0x0  }
0x1f: {  	s9 =	smul.u32 $0xF7A, s1;
	s8 =	simm.s32 @!p0 $0x1BF5;
	p2 =	por !p2, p0  }
0x20: {  	[sflag:s8] =	ssyncset.s32 @!p0 $0xFFFFF086;
	s6 =	sadd.s32 @!p0 s3, s7;
	s7 =	simm.s32 @!p0 $0x108  }
0x21: {  	s3 =	sadd.s32 s3, s9;
	s6 =	sadd.s32 @!p0 $0x88, s6;
	s7 =	simm.s32 @p2 $0x1082  }
0x22: {  	[simem:s7], [sflag:s8] =	dma.local @!p0 [hbm:s6], $0xF7A  }
0x23: {  	s9 =	sor.u32 $0xD0000000, s2;
	s6 =	simm.s32 $0x108;
	_ =	swait.ge @!p0 [sflag:s8], $0x0  }
0x24: {  	s3 =	sadd.s32 $0x88, s3;
	s6 =	simm.s32 @!p1 $0x1082;
	[sflag:s4] =	ssyncset.s32 $0xFFFFF086  }
0x25: {  	[simem:s6], [sflag:s4] =	dma.local [hbm:s3], $0xF7A  }
0x26: {  	[smem:$0x3F94] =	sst s1;
	(tag) =	ssettag s2;
	_ =	strace s9  }
0x27: {  	s1 =	sld [smem:$0x3FA4]  }
0x28: {  	s2 =	sld [smem:$0x3FA5]  }
0x29: {  	s4 =	sld [smem:$0x3FA7]  }
0x2a: {  	p0 =	seq.s32 s5, $0x0;
	s5 =	sld [smem:$0x3FA8]  }
0x2b: {  	s6 =	sld [smem:$0x3FA9]  }
0x2c: {  	s7 =	sld [smem:$0x3FAA]  }
0x2d: {  	s3 =	simm.s32 $0x108;
	s8 =	sld [smem:$0x3FAB]  }
0x2e: {  	s3 =	simm.s32 @!p0 $0x1082;
	s9 =	sld [smem:$0x3FAC]  }
0x2f: {  	lr =	sadd.s32 s0, s3;
	s0 =	sld [smem:$0x3FA3]  }
0x30: {  	s3 =	sld [smem:$0x3FA6]  }
0x31: {  	[smem:$0x3FAF] =	sst s10  }
0x32: {  	s10 =	sld [smem:$0x3FAD];
	_ =	sdelay $0x3  }
0x33: {  	p0 =	seq.s32 s10, $0x1;
	s10 =	sld [smem:$0x3FAF];
	_ =	sdelay $0x3  }
0x34: {  	[smem:$0x3FAF] =	sst s10  }
0x35: {  	s10 =	sld [smem:$0x3FAE];
	_ =	sdelay $0x3  }
0x36: {  	p1 =	seq.s32 s10, $0x1;
	s10 =	sld [smem:$0x3FAF];
	_ =	sdelay $0x3  }
0x37: {  	[smem:$0x3FAF] =	sst s10  }
0x38: {  	s10 =	sld [smem:$0x3FB0]  }
0x39: {  	_ = 	snop;
	(pc) =	sbr.ind lr, $3  }
0x3a: {  	_ = 	snop  }
0x3b: {  	_ = 	snop  }
0x3c: {  	p2 =	seq.s32 s10, $0x1;
	s10 =	sld [smem:$0x3FAF]  }
0x3d: {  	_ =	shalt  }
0x3e: {  	_ =	shalt  }
0x3f: {  	_ =	shalt  }
0x40: {  	_ =	shalt  }
0x41: {  	_ =	shalt  }
0x42: {  	_ =	shalt  }
0x43: {  	_ =	shalt  }
0x44: {  	_ =	shalt  }
0x45: {  	_ =	shalt  }
0x46: {  	_ =	shalt  }
0x47: {  	_ =	shalt  }
0x48: {  	_ =	shalt  }
0x49: {  	_ =	shalt  }
0x4a: {  	_ =	shalt  }
0x4b: {  	_ =	shalt  }
0x4c: {  	_ =	shalt  }
0x4d: {  	_ =	shalt  }
0x4e: {  	_ =	shalt  }
0x4f: {  	_ =	shalt  }
0x50: {  	_ =	shalt  }
0x51: {  	_ =	shalt  }
0x52: {  	_ =	shalt  }
0x53: {  	_ =	shalt  }
0x54: {  	_ =	shalt  }
0x55: {  	_ =	shalt  }
0x56: {  	_ =	shalt  }
0x57: {  	_ =	shalt  }
0x58: {  	_ =	shalt  }
0x59: {  	_ =	shalt  }
0x5a: {  	_ =	shalt  }
0x5b: {  	_ =	shalt  }
0x5c: {  	_ =	shalt  }
0x5d: {  	_ =	shalt  }
0x5e: {  	_ =	shalt  }
0x5f: {  	_ =	shalt  }
0x60: {  	_ =	shalt  }
0x61: {  	_ =	shalt  }
0x62: {  	_ =	shalt  }
0x63: {  	_ =	shalt  }
0x64: {  	_ =	shalt  }
0x65: {  	_ =	shalt  }
0x66: {  	_ =	shalt  }
0x67: {  	_ =	shalt  }
0x68: {  	_ =	shalt  }
0x69: {  	_ =	shalt  }
0x6a: {  	_ =	shalt  }
0x6b: {  	_ =	shalt  }
0x6c: {  	_ =	shalt  }
0x6d: {  	_ =	shalt  }
0x6e: {  	_ =	shalt  }
0x6f: {  	_ =	shalt  }
0x70: {  	_ =	shalt  }
0x71: {  	_ =	shalt  }
0x72: {  	_ =	shalt  }
0x73: {  	_ =	shalt  }
0x74: {  	_ =	shalt  }
0x75: {  	_ =	shalt  }
0x76: {  	_ =	shalt  }
0x77: {  	_ =	shalt  }
0x78: {  	_ =	shalt  }
0x79: {  	_ =	shalt  }
0x7a: {  	_ =	shalt  }
0x7b: {  	_ =	shalt  }
0x7c: {  	_ =	shalt  }
0x7d: {  	_ =	shalt  }
0x7e: {  	_ =	shalt  }
0x7f: {  	_ =	shalt  }
0x80: {  	_ =	shalt  }
0x81: {  	_ =	shalt  }
0x82: {  	_ =	shalt  }
0x83: {  	_ =	shalt  }
0x84: {  	_ =	shalt  }
0x85: {  	_ =	shalt  }
0x86: {  	_ =	shalt  }
0x87: {  	_ =	shalt  }
.Lfunc_end0:
.L_simem_size_0:
called_computation.2_lowered:
.L_overlay_start_0:
0x88: {  	s2 =	sld [smem:$0x3FD9]  }
0x89: {  	s3 =	sld [smem:$0x3FFE];
	_ =	sdelay $0x1  }
0x8a: {  	s1 =	srdreg.scid  }
0x8b: {  	s0 =	sand.u32 $0x1, s1  }
0x8c: {  	s14 =	sshll.u32 s0, $0xA;
	s2 =	sadd.s32 s3, s2  }
0x8d: {  	s2 =	sadd.s32 s2, s14  }
0x8e: {  	[smem:$0x3FBB] =	sst s2  }
0x8f: {  	_ = 	snop  }
0x90: {  	s2 =	sld [smem:$0x3FD0];
	_ =	sdelay $0x2  }
0x91: {  	s15 =	simm.s32 $0xA;
	s4 =	simm.s32 $0x10  }
0x92: {  	[smem:s4], [sflag:s15] =	dma.local [hbm:s2], $0x1  }
0x93: {  	_ =	swait.eq [sflag:s15], $0x1  }
0x94: {  	[sflag:s15] =	ssyncset.done $0x0  }
0x95: {  	s16 =	sld [smem:$0x12];
	[sflag:s15] =	ssyncadd.s32 $0xFFFFFFFF  }
0x96: {  	s17 =	sld [smem:$0x13];
	(tm) =	ssettm $0x1  }
0x97: {  	s18 =	sld [smem:$0x3FFB];
	_ =	sdelay $0x3  }
0x98: {  	_ =	strace s18  }
0x99: {  	s4 =	sld [smem:$0x3FFC];
	_ =	sdelay $0x3  }
0x9a: {  	_ =	strace s4  }
0x9b: {  	s4 =	sld [smem:$0x3FFD];
	_ =	sdelay $0x3  }
0x9c: {  	_ =	strace s4  }
0x9d: {  	_ =	strace $0x8FFFFFFF  }
0x9e: {  	s19 =	sld [smem:$0x3FDB];
	_ =	sdelay $0x1  }
0x9f: {  	s5 =	simm.s32 $_scs_section_size  }
0xa0: {  	s6 =	simm.s32 $_size__tile_overlayer_lowered;
	s7 =	simm.s32 $_tile_overlayer_lowered  }
0xa1: {  	s22 =	simm.s32 $0x1BFF;
	s21 =	sshll.u32 s7, $0x1;
	s4 =	sadd.s32 s5, s19  }
0xa2: {  	s8 =	simm.s32 $0x0;
	s20 =	sshll.u32 s6, $0x1;
	s6 =	sadd.s32 s21, s4  }
0xa3: {  	[timem:s8], [sflag:s22] =	dma.local [hbm:s6], s20  }
0xa4: {  	_ =	swait.ge [sflag:s22], s20  }
0xa5: {  	s5 =	ssub.s32 $0x0, s20;
	[sflag:s22] =	ssyncset.done $0x0  }
0xa6: {  	[sflag:s22] =	ssyncadd.s32 s5;
	_ =	sdelay $0x1  }
0xa7: {  	s23 =	simm.s32 $0x1B8B  }
0xa8: {  	_ =	swait.ge [sflag:s23], $0x1  }
0xa9: {  	[sflag:s23] =	ssyncset.done $0x0  }
0xaa: {  	s25 =	simm.s32 $0x1B8E;
	s24 =	sld [smem:$0x3FFE];
	[sflag:s23] =	ssyncadd.s32 $0xFFFFFFFF  }
0xab: {  	s26 =	simm.s32 $execute0_lowered;
	[smem:$0x3FD2] =	sst s25  }
0xac: {  	s6 =	sshll.u32 s26, $0x1;
	_ =	strace $0x8000004C;
	[dreg:$0x1] =	wrdreg $0xFFFFFFFF  }
0xad: {  	s28 =	simm.s32 $_size_execute0_lowered;
	s4 =	sadd.s32 s4, s6;
	[dreg:$0x0] =	wrdreg $0x0  }
0xae: {  	s6 =	sshll.u32 s28, $0x1;
	[dreg:$0x2] =	wrdreg s4  }
0xaf: {  	[dreg:$0x3] =	wrdreg s6  }
0xb0: {  	[dreg:$0x4] =	wrdreg $0xC0  }
0xb1: {  	_ =	task [dreg:s8], $0x5FFFF  }
0xb2: {  	[dreg:$0x1] =	wrdreg $0xFFFFFFFF  }
0xb3: {  	[dreg:$0x0] =	wrdreg $0x60  }
0xb4: {  	[dreg:$0x2] =	wrdreg s16  }
0xb5: {  	[dreg:$0x3] =	wrdreg s24  }
0xb6: {  	[dreg:$0x4] =	wrdreg s17  }
0xb7: {  	[dreg:$0x5] =	wrdreg $0x0  }
0xb8: {  	[dreg:$0x6] =	wrdreg $0x9  }
0xb9: {  	_ =	task.clear_ibuf [dreg:s8], $0x7FFFF;
	_ =	strace $0x9000004C  }
0xba: {  	s29 =	simm.s32 $0x9;
	_ =	strace $0x8000004E  }
0xbb: {  	_ =	swait.ge [sflag:s29], $0x1  }
0xbc: {  	[sflag:s29] =	ssyncadd.s32 $0xFFFFFFFF  }
0xbd: {  	_ =	strace $0x9000004E  }
0xbe: {  	_ =	sfence  }
0xbf: {  	s30 =	sld [smem:$0x0];
	_ =	sdelay $0x2  }
0xc0: {  	s31 =	sshll.u32 s1, $0xD;
	s1 =	sshrl.u32 s1, $0x2  }
0xc1: {  	s3 =	sand.u32 $0x4000, s31;
	s1 =	sadd.s32 s1, s30  }
0xc2: {  	s0 =	sor.u32 s3, s0;
	s1 =	sshll.u32 s1, $0x11  }
0xc3: {  	s0 =	sor.u32 s1, s0  }
0xc4: {  	s0 =	sadd.s32 $0x8F2B, s0  }
0xc5: {  	[sflag:s0] =	ssyncadd.remote.s32 $0x1  }
0xc6: {  	_ =	sfence.sel $0xFFFF  }
0xc7: {  	[dreg:$0x0] =	wrdreg $0xFFFFFFFF;
	(pc) =	sbr.abs _section_cstart, $3  }
0xc8: {  	[dreg:$0x1] =	wrdreg $0xFFFFFFFF  }
0xc9: {  	_ =	task.clear_ibuf [dreg:s8], $0x2FFFF;
	_ =	strace $0x9FFFFFFF  }
0xca: {  	(tm) =	ssettm $0x7FFFFFFF  }
0xcb: {  	_ =	shalt  }
tec
execute0_lowered:
.L_overlay_start_1:
0x0: {  	(tag) =	ssettag $0x1  }
0x1: {  	s0 =	rddreg [dreg:$0x0]  }
0x2: {  	s5 =	rddreg [dreg:$0x1]  }
0x3: {  	s1 =	srdreg.scid;
	s9 =	rddreg [dreg:$0x2]  }
0x4: {  	s3 =	rddreg [dreg:$0x3];
	s4 =	simm.s32 $0x0;
	s14 =	simm.s32 $0x7700  }
0x5: {  	s15 =	simm.s32 $0x80;
	s16 =	simm.s32 $0x9F00;
	s17 =	simm.s32 $0x4F80  }
0x6: {  	s18 =	simm.s32 $0xA700;
	s19 =	simm.s32 $0x1;
	s20 =	simm.s32 $0xAF00  }
0x7: {  	s21 =	simm.s32 $0x2;
	s22 =	simm.s32 $0xBF00;
	s23 =	simm.s32 $0x0  }
0x8: {  	s6 =	sand.u32 $0x1, s1;
	s1 =	stileid.u32;
	[smem:$0x7FF] =	sst s4  }
0x9: {  	s2 =	sshll.u32 s6, $0x4;
	s8 =	smul.u32 $0x4F00, s1;
	s11 =	ssub.s32 $0x2, s6  }
0xa: {  	s12 =	smul.u32 $0x4F000, s6;
	s30 =	sshll.u32 s1, $0x6;
	s7 =	sor.u32 s1, s2  }
0xb: {  	s2 =	rddreg [dreg:$0x4];
	_ =	strace $0x8000004D;
	s29 =	sshrl.u32 s11, $0x1  }
0xc: {  	s6 =	sor.u32 $0x1C03, s30;
	s7 =	smul.u32 $0x500, s7;
	s28 =	sshrl.u32 s8, $0x3  }
.Ltmp0:
0xd: {  	s11 =	ssub.s32 s11, s29;
	s12 =	sadd.s32 s8, s12;
	(pc) =	sbr.rel .LBB2_1-.Ltmp0, $4  }
0xe: {  	s13 =	sadd.s32 s8, s3;
	s31 =	sshrl.u32 s12, $0x3;
	s12 =	simm.s32 $0x3  }
0xf: {  	s10 =	sadd.s32 s7, s5;
	s5 =	sadd.s32 s28, s5;
	s9 =	sadd.s32 s9, s31  }
0x10: {  	s5 =	sadd.s32 $0x18E00, s5;
	s7 =	sadd.s32 $0xEA00, s10;
	s8 =	sadd.s32 $0x4A00, s10  }
0x11: {  	s10 =	smax.u32 s11, $0x1;
	s11 =	sshrl.u32 s13, $0x3;
	s13 =	simm.s32 $0x4F00  }
.LBB2_8:
0x12: {  	s23 =	sadd.s32 $0x1, s23  }
0x13: {  	p0 =	sne.s32 s23, s10  }
.Ltmp1:
0x14: {  	[bflag:$0x0] =	sbarrier.arrive $0xFFFF;
	(pc) =	sbr.rel @!p0 .LBB2_9-.Ltmp1, $4  }
0x15: {  	[hbm:s9], [sflag:s6] =	dma.local [spmem:s11], $0x9E0  }
0x16: {  	_ =	swait.ge [sflag:s12], $0x9E0  }
0x17: {  	[sflag:s12] =	ssyncset.done $0x0  }
0x18: {  	[sflag:s12] =	ssyncadd.s32 $0xFFFFF620  }
.LBB2_1:
0x19: {  	[spmem:s11], [sflag:s6] =	dma.local [hbm:s5], $0x9E0  }
0x1a: {  	_ =	swait.ge [sflag:s12], $0x9E0  }
0x1b: {  	[sflag:s12] =	ssyncset.done $0x0  }
0x1c: {  	[sflag:s12] =	ssyncadd.s32 $0xFFFFF620  }
0x1d: {  	[tilespmem:s13], [sflag:$0x3] =	stream.linear.gather [hbm4b:s7+s4], $0x2800, $0x38;
	[tilespmem:$0xCF00] =	vst v63  }
0x1e: {  	_ =	swait.ge [sflag:s12], $0x2800  }
0x1f: {  	[sflag:s12] =	ssyncset.done $0x0  }
0x20: {  	[sflag:s12] =	ssyncadd.s32 $0xFFFFD800  }
0x21: {  	[tilespmem:s14], [sflag:$0x3] =	stream.linear.gather [hbm4b:s8+s4], $0x2800, $0x38;
	[tilespmem:$0xCF00] =	vst v63  }
0x22: {  	_ =	swait.ge [sflag:s12], $0x2800  }
0x23: {  	[sflag:s12] =	ssyncset.done $0x0  }
0x24: {  	[sflag:s12] =	ssyncadd.s32 $0xFFFFD800  }
0x25: {  	[bflag:$0x0] =	sbarrier.arrive $0xFFFF  }
0x26: {  	[tilespmem:s16], [sflag:$0x1] =	stream.indirect.gather [hbm4b:s0+s15], $0x10, s13, s15, $0xb8;
	[tilespmem:$0xCF00] =	vst v63  }
0x27: {  	s24 =	simm.s32 $0x0  }
0x28: {  	[tilespmem:s18], [sflag:$0x2] =	stream.indirect.gather [hbm4b:s0+s15], $0x10, s17, s15, $0xb8;
	[tilespmem:$0xCF00] =	vst v63  }
.LBB2_2:
0x29: {  	_ =	swait.ge [sflag:s19], $0x800  }
0x2a: {  	[sflag:s19] =	ssyncset.done $0x0  }
0x2b: {  	s25 =	simm.s32 $0x9F40;
	[sflag:s19] =	ssyncadd.s32 $0xFFFFF800  }
0x2c: {  	v0 =	vld [tilespmem:s25+$0xFFFFFFC0];
	_ =	sdelay $0x4  }
0x2d: {  	s26 =	simm.s32 $0xAF80;
	v1 =	vshll.u32 v0, $0x10  }
0x2e: {  	v0 =	vand.u32 $0xFFFF0000, v0;
	[tilespmem:s26+$0xFFFFFF80] =	vst v1  }
0x2f: {  	[tilespmem:s26+$0xFFFFFF90] =	vst v0  }
0x30: {  	v0 =	vld [tilespmem:s25+$0xFFFFFFD0];
	_ =	sdelay $0x4  }
0x31: {  	v1 =	vshll.u32 v0, $0x10  }
0x32: {  	v0 =	vand.u32 $0xFFFF0000, v0;
	[tilespmem:s26+$0xFFFFFFA0] =	vst v1  }
0x33: {  	[tilespmem:s26+$0xFFFFFFB0] =	vst v0  }
0x34: {  	v0 =	vld [tilespmem:s25+$0xFFFFFFE0];
	_ =	sdelay $0x4  }
0x35: {  	v1 =	vshll.u32 v0, $0x10  }
0x36: {  	v0 =	vand.u32 $0xFFFF0000, v0;
	[tilespmem:s26+$0xFFFFFFC0] =	vst v1  }
0x37: {  	[tilespmem:s26+$0xFFFFFFD0] =	vst v0  }
0x38: {  	v0 =	vld [tilespmem:s25+$0xFFFFFFF0];
	_ =	sdelay $0x4  }
0x39: {  	v1 =	vshll.u32 v0, $0x10  }
0x3a: {  	v0 =	vand.u32 $0xFFFF0000, v0;
	[tilespmem:s26+$0xFFFFFFE0] =	vst v1  }
0x3b: {  	[tilespmem:s26+$0xFFFFFFF0] =	vst v0  }
0x3c: {  	v0 =	vld [tilespmem:s25+$0x0];
	_ =	sdelay $0x4  }
0x3d: {  	v1 =	vshll.u32 v0, $0x10  }
0x3e: {  	v0 =	vand.u32 $0xFFFF0000, v0;
	[tilespmem:s26+$0x0] =	vst v1  }
0x3f: {  	[tilespmem:s26+$0x10] =	vst v0  }
0x40: {  	v0 =	vld [tilespmem:s25+$0x10];
	_ =	sdelay $0x4  }
0x41: {  	v1 =	vshll.u32 v0, $0x10  }
0x42: {  	v0 =	vand.u32 $0xFFFF0000, v0;
	[tilespmem:s26+$0x20] =	vst v1  }
0x43: {  	[tilespmem:s26+$0x30] =	vst v0  }
0x44: {  	v0 =	vld [tilespmem:s25+$0x20];
	_ =	sdelay $0x4  }
0x45: {  	v1 =	vshll.u32 v0, $0x10  }
0x46: {  	s28 =	simm.s32 $0x0;
	s30 =	simm.s32 $0xAF80;
	s29 =	simm.s32 $0x9F40;
	v0 =	vand.u32 $0xFFFF0000, v0;
	[tilespmem:s26+$0x40] =	vst v1  }
.LBB2_3:
0x47: {  	s28 =	sadd.s32 $0x8, s28;
	[tilespmem:s26+$0x50] =	vst v0;
	s30 =	sadd.s32 $0x100, s30;
	s25 =	sadd.s32 $0x80, s25  }
0x48: {  	p0 =	slt.u32 s28, $0x78;
	v0 =	vld [tilespmem:s29+$0x30];
	s29 =	smov.u32 s25;
	_ =	sdelay $0x4  }
0x49: {  	v1 =	vshll.u32 v0, $0x10;
	v0 =	vand.u32 $0xFFFF0000, v0  }
0x4a: {  	[tilespmem:s26+$0x60] =	vst v1  }
0x4b: {  	[tilespmem:s26+$0x70] =	vst v0;
	s26 =	smov.u32 s30  }
0x4c: {  	v0 =	vld [tilespmem:s25+$0xFFFFFFC0];
	_ =	sdelay $0x4  }
0x4d: {  	v1 =	vshll.u32 v0, $0x10;
	v0 =	vand.u32 $0xFFFF0000, v0  }
0x4e: {  	[tilespmem:s30+$0xFFFFFF80] =	vst v1  }
0x4f: {  	[tilespmem:s30+$0xFFFFFF90] =	vst v0  }
0x50: {  	v0 =	vld [tilespmem:s25+$0xFFFFFFD0];
	_ =	sdelay $0x4  }
0x51: {  	v1 =	vshll.u32 v0, $0x10;
	v0 =	vand.u32 $0xFFFF0000, v0  }
0x52: {  	[tilespmem:s30+$0xFFFFFFA0] =	vst v1  }
0x53: {  	[tilespmem:s30+$0xFFFFFFB0] =	vst v0  }
0x54: {  	v0 =	vld [tilespmem:s25+$0xFFFFFFE0];
	_ =	sdelay $0x4  }
0x55: {  	v1 =	vshll.u32 v0, $0x10;
	v0 =	vand.u32 $0xFFFF0000, v0  }
0x56: {  	[tilespmem:s30+$0xFFFFFFC0] =	vst v1  }
0x57: {  	[tilespmem:s30+$0xFFFFFFD0] =	vst v0  }
0x58: {  	v0 =	vld [tilespmem:s25+$0xFFFFFFF0];
	_ =	sdelay $0x4  }
0x59: {  	v1 =	vshll.u32 v0, $0x10;
	v0 =	vand.u32 $0xFFFF0000, v0  }
0x5a: {  	[tilespmem:s30+$0xFFFFFFE0] =	vst v1  }
0x5b: {  	[tilespmem:s30+$0xFFFFFFF0] =	vst v0  }
0x5c: {  	v0 =	vld [tilespmem:s25+$0x0];
	_ =	sdelay $0x4  }
0x5d: {  	v1 =	vshll.u32 v0, $0x10;
	v0 =	vand.u32 $0xFFFF0000, v0  }
0x5e: {  	[tilespmem:s30+$0x0] =	vst v1  }
0x5f: {  	[tilespmem:s30+$0x10] =	vst v0  }
0x60: {  	v0 =	vld [tilespmem:s25+$0x10];
	_ =	sdelay $0x4  }
0x61: {  	v1 =	vshll.u32 v0, $0x10;
	v0 =	vand.u32 $0xFFFF0000, v0  }
0x62: {  	[tilespmem:s30+$0x20] =	vst v1  }
0x63: {  	[tilespmem:s30+$0x30] =	vst v0  }
0x64: {  	v0 =	vld [tilespmem:s25+$0x20];
	_ =	sdelay $0x1  }
.Ltmp2:
0x65: {  	(pc) =	sbr.rel @p0 .LBB2_3-.Ltmp2, $3  }
0x66: {  	_ =	sdelay $0x1  }
0x67: {  	v1 =	vshll.u32 v0, $0x10;
	v0 =	vand.u32 $0xFFFF0000, v0  }
0x68: {  	[tilespmem:s30+$0x40] =	vst v1  }
0x69: {  	[tilespmem:s26+$0x50] =	vst v0  }
0x6a: {  	v0 =	vld [tilespmem:s29+$0x30];
	_ =	sdelay $0x4  }
0x6b: {  	s28 =	sshll.u32 s24, $0xA;
	v1 =	vshll.u32 v0, $0x10  }
0x6c: {  	s25 =	sshrl.u32 s28, $0x2;
	v0 =	vand.u32 $0xFFFF0000, v0;
	[tilespmem:s26+$0x60] =	vst v1  }
0x6d: {  	[tilespmem:s26+$0x70] =	vst v0;
	s26 =	sadd.s32 $0x7700, s25  }
0x6e: {  	[spmem:s3] =	stream.indirect.scatter.add.f32 [tilespmem:s20], [sflag:$0x3], $0x20, s26, s15, $0xb8;
	[tilespmem:$0xCF00] =	vst v63  }
0x6f: {  	p0 =	seq.s32 s24, $0x27;
	_ =	swait.ge [sflag:s12], $0x1000  }
0x70: {  	s29 =	simm.s32 @!p0 $0x9F00;
	s26 =	sshrl.u32 @!p0 s28, $0x2;
	[sflag:s12] =	ssyncset.done $0x0  }
0x71: {  	s28 =	simm.s32 @!p0 $0x80;
	s26 =	sadd.s32 @!p0 $0x5000, s26;
	[sflag:s12] =	ssyncadd.s32 $0xFFFFF000  }
0x72: {  	[tilespmem:s29], [sflag:$0x1] =	stream.indirect.gather @!p0 [hbm4b:s0+s28], $0x10, s26, s28, $0xb8;
	[tilespmem:$0xCF00] =	vst v63  }
0x73: {  	_ =	swait.ge [sflag:s21], $0x800  }
0x74: {  	[sflag:s21] =	ssyncset.done $0x0  }
0x75: {  	s28 =	simm.s32 $0xA740;
	[sflag:s21] =	ssyncadd.s32 $0xFFFFF800  }
0x76: {  	v0 =	vld [tilespmem:s28+$0xFFFFFFC0];
	_ =	sdelay $0x4  }
0x77: {  	s26 =	simm.s32 $0xBF80;
	v1 =	vshll.u32 v0, $0x10  }
0x78: {  	v0 =	vand.u32 $0xFFFF0000, v0;
	[tilespmem:s26+$0xFFFFFF80] =	vst v1  }
0x79: {  	[tilespmem:s26+$0xFFFFFF90] =	vst v0  }
0x7a: {  	v0 =	vld [tilespmem:s28+$0xFFFFFFD0];
	_ =	sdelay $0x4  }
0x7b: {  	v1 =	vshll.u32 v0, $0x10  }
0x7c: {  	v0 =	vand.u32 $0xFFFF0000, v0;
	[tilespmem:s26+$0xFFFFFFA0] =	vst v1  }
0x7d: {  	[tilespmem:s26+$0xFFFFFFB0] =	vst v0  }
0x7e: {  	v0 =	vld [tilespmem:s28+$0xFFFFFFE0];
	_ =	sdelay $0x4  }
0x7f: {  	v1 =	vshll.u32 v0, $0x10  }
0x80: {  	v0 =	vand.u32 $0xFFFF0000, v0;
	[tilespmem:s26+$0xFFFFFFC0] =	vst v1  }
0x81: {  	[tilespmem:s26+$0xFFFFFFD0] =	vst v0  }
0x82: {  	v0 =	vld [tilespmem:s28+$0xFFFFFFF0];
	_ =	sdelay $0x4  }
0x83: {  	v1 =	vshll.u32 v0, $0x10  }
0x84: {  	v0 =	vand.u32 $0xFFFF0000, v0;
	[tilespmem:s26+$0xFFFFFFE0] =	vst v1  }
0x85: {  	[tilespmem:s26+$0xFFFFFFF0] =	vst v0  }
0x86: {  	v0 =	vld [tilespmem:s28+$0x0];
	_ =	sdelay $0x4  }
0x87: {  	v1 =	vshll.u32 v0, $0x10  }
0x88: {  	v0 =	vand.u32 $0xFFFF0000, v0;
	[tilespmem:s26+$0x0] =	vst v1  }
0x89: {  	[tilespmem:s26+$0x10] =	vst v0  }
0x8a: {  	v0 =	vld [tilespmem:s28+$0x10];
	_ =	sdelay $0x4  }
0x8b: {  	v1 =	vshll.u32 v0, $0x10  }
0x8c: {  	v0 =	vand.u32 $0xFFFF0000, v0;
	[tilespmem:s26+$0x20] =	vst v1  }
0x8d: {  	[tilespmem:s26+$0x30] =	vst v0  }
0x8e: {  	v0 =	vld [tilespmem:s28+$0x20];
	_ =	sdelay $0x4  }
0x8f: {  	v1 =	vshll.u32 v0, $0x10  }
0x90: {  	s31 =	simm.s32 $0xBF80;
	s30 =	simm.s32 $0xA740;
	s29 =	simm.s32 $0x0;
	v0 =	vand.u32 $0xFFFF0000, v0;
	[tilespmem:s26+$0x40] =	vst v1  }
.LBB2_5:
0x91: {  	s29 =	sadd.s32 $0x8, s29;
	[tilespmem:s26+$0x50] =	vst v0;
	s31 =	sadd.s32 $0x100, s31;
	s28 =	sadd.s32 $0x80, s28  }
0x92: {  	p1 =	slt.u32 s29, $0x78;
	v0 =	vld [tilespmem:s30+$0x30];
	s30 =	smov.u32 s28;
	_ =	sdelay $0x4  }
0x93: {  	v1 =	vshll.u32 v0, $0x10;
	v0 =	vand.u32 $0xFFFF0000, v0  }
0x94: {  	[tilespmem:s26+$0x60] =	vst v1  }
0x95: {  	[tilespmem:s26+$0x70] =	vst v0;
	s26 =	smov.u32 s31  }
0x96: {  	v0 =	vld [tilespmem:s28+$0xFFFFFFC0];
	_ =	sdelay $0x4  }
0x97: {  	v1 =	vshll.u32 v0, $0x10;
	v0 =	vand.u32 $0xFFFF0000, v0  }
0x98: {  	[tilespmem:s31+$0xFFFFFF80] =	vst v1  }
0x99: {  	[tilespmem:s31+$0xFFFFFF90] =	vst v0  }
0x9a: {  	v0 =	vld [tilespmem:s28+$0xFFFFFFD0];
	_ =	sdelay $0x4  }
0x9b: {  	v1 =	vshll.u32 v0, $0x10;
	v0 =	vand.u32 $0xFFFF0000, v0  }
0x9c: {  	[tilespmem:s31+$0xFFFFFFA0] =	vst v1  }
0x9d: {  	[tilespmem:s31+$0xFFFFFFB0] =	vst v0  }
0x9e: {  	v0 =	vld [tilespmem:s28+$0xFFFFFFE0];
	_ =	sdelay $0x4  }
0x9f: {  	v1 =	vshll.u32 v0, $0x10;
	v0 =	vand.u32 $0xFFFF0000, v0  }
0xa0: {  	[tilespmem:s31+$0xFFFFFFC0] =	vst v1  }
0xa1: {  	[tilespmem:s31+$0xFFFFFFD0] =	vst v0  }
0xa2: {  	v0 =	vld [tilespmem:s28+$0xFFFFFFF0];
	_ =	sdelay $0x4  }
0xa3: {  	v1 =	vshll.u32 v0, $0x10;
	v0 =	vand.u32 $0xFFFF0000, v0  }
0xa4: {  	[tilespmem:s31+$0xFFFFFFE0] =	vst v1  }
0xa5: {  	[tilespmem:s31+$0xFFFFFFF0] =	vst v0  }
0xa6: {  	v0 =	vld [tilespmem:s28+$0x0];
	_ =	sdelay $0x4  }
0xa7: {  	v1 =	vshll.u32 v0, $0x10;
	v0 =	vand.u32 $0xFFFF0000, v0  }
0xa8: {  	[tilespmem:s31+$0x0] =	vst v1  }
0xa9: {  	[tilespmem:s31+$0x10] =	vst v0  }
0xaa: {  	v0 =	vld [tilespmem:s28+$0x10];
	_ =	sdelay $0x4  }
0xab: {  	v1 =	vshll.u32 v0, $0x10;
	v0 =	vand.u32 $0xFFFF0000, v0  }
0xac: {  	[tilespmem:s31+$0x20] =	vst v1  }
0xad: {  	[tilespmem:s31+$0x30] =	vst v0  }
0xae: {  	v0 =	vld [tilespmem:s28+$0x20];
	_ =	sdelay $0x1  }
.Ltmp3:
0xaf: {  	(pc) =	sbr.rel @p1 .LBB2_5-.Ltmp3, $3  }
0xb0: {  	_ =	sdelay $0x1  }
0xb1: {  	v1 =	vshll.u32 v0, $0x10;
	v0 =	vand.u32 $0xFFFF0000, v0  }
0xb2: {  	[tilespmem:s31+$0x40] =	vst v1  }
0xb3: {  	[tilespmem:s26+$0x50] =	vst v0  }
0xb4: {  	v0 =	vld [tilespmem:s30+$0x30];
	_ =	sdelay $0x4  }
0xb5: {  	v1 =	vshll.u32 v0, $0x10  }
0xb6: {  	v0 =	vand.u32 $0xFFFF0000, v0;
	[tilespmem:s26+$0x60] =	vst v1  }
.Ltmp4:
0xb7: {  	s31 =	sadd.s32 $0x7780, s25;
	[tilespmem:s26+$0x70] =	vst v0;
	(pc) =	sbr.rel @p0 .LBB2_8-.Ltmp4, $4  }
0xb8: {  	[spmem:s3] =	stream.indirect.scatter.add.f32 [tilespmem:s22], [sflag:$0x3], $0x20, s31, s15, $0xb8;
	[tilespmem:$0xCF00] =	vst v63  }
0xb9: {  	_ =	swait.ge [sflag:s12], $0x1000  }
0xba: {  	[sflag:s12] =	ssyncset.done $0x0  }
0xbb: {  	[sflag:s12] =	ssyncadd.s32 $0xFFFFF000  }
.Ltmp5:
0xbc: {  	(pc) =	sbr.rel .LBB2_2-.Ltmp5, $3  }
0xbd: {  	_ =	sdelay $0x1  }
0xbe: {  	s25 =	sadd.s32 $0x5080, s25;
	s24 =	sadd.s32 $0x1, s24  }
0xbf: {  	[tilespmem:s18], [sflag:$0x2] =	stream.indirect.gather [hbm4b:s0+s15], $0x10, s25, s15, $0xb8;
	[tilespmem:$0xCF00] =	vst v63  }
.LBB2_9:
0xc0: {  	_ =	sfence.sel $0x180000  }
0xc1: {  	[bflag:$0x0] =	sbarrier.arrive $0xFFFF  }
0xc2: {  	p0 =	sne.s32 s1, $0x0;
	_ =	strace $0x9000004D  }
0xc3: {  	s0 =	sadd.s32 @!p0 $0x100000, s2;
	[bflag:$0x2] =	sbarrier.arrive $0xFFFF  }
0xc4: {  	[sflag:s0] =	ssyncadd.tile.s32 @!p0 $0x1;
	_ =	shalt  }
.Lfunc_end2:
_tile_overlayer_lowered:
.L_overlay_start_2:
0xc5: {  	(tag) =	ssettag $0x2  }
0xc6: {  	s0 =	rddreg [dreg:$0x0];
	s2 =	stileid.u32  }
0xc7: {  	s1 =	rddreg [dreg:$0x1];
	p0 =	sne.s32 s2, $0x0  }
0xc8: {  	s3 =	rddreg [dreg:$0x2];
	[bflag:$0x3] =	sbarrier.arrive $0xFFFF;
	s2 =	simm.s32 @!p0 $0x1C03  }
0xc9: {  	[timem:s3], [sflag:s2] =	dma.local @!p0 [hbm:s0], s1  }
0xca: {  	s0 =	simm.s32 @!p0 $0x3  }
0xcb: {  	_ =	swait.ge @!p0 [sflag:s0], s1  }
0xcc: {  	s1 =	ssub.s32 @!p0 $0x0, s1;
	[sflag:s0] =	ssyncset.done @!p0 $0x0  }
0xcd: {  	[sflag:s0] =	ssyncadd.s32 @!p0 s1  }
0xce: {  	[bflag:$0x3] =	sbarrier.arrive $0xFFFF  }
0xcf: {  	_ =	shalt  }

// kernel: kernel.20.cloned.1.call-start
scs
__scs_entry_jumppad:
0x0: {  	(pc) =	sbr.rel $0x88, $3  }
0x1: {  	(tag) =	ssettag $0x0;
	lr =	simm.s32 $0x1  }
0x2: {  	[smem:$0x3F94] =	sst lr;
	_ =	strace $0xD0000000  }
0x3: {  	_ = 	snop  }
0x4: {  	_ = 	snop  }
0x5: {  	_ = 	snop  }
0x6: {  	_ = 	snop  }
0x7: {  	_ = 	snop  }
__scs_overlays_trampoline_lowered:
0x8: {  	[smem:$0x3FA3] =	sst s0  }
0x9: {  	[smem:$0x3FA4] =	sst s1  }
0xa: {  	[smem:$0x3FA5] =	sst s2  }
0xb: {  	[smem:$0x3FA6] =	sst s3  }
0xc: {  	[smem:$0x3FA7] =	sst s4  }
0xd: {  	[smem:$0x3FA8] =	sst s5  }
0xe: {  	[smem:$0x3FA9] =	sst s6  }
0xf: {  	[smem:$0x3FAA] =	sst s7  }
0x10: {  	[smem:$0x3FAB] =	sst s8  }
0x11: {  	[smem:$0x3FAC] =	sst s9;
	s0 =	simm.s32 @!p0 $0x0  }
0x12: {  	s1 =	sld [smem:$0x3F92];
	s0 =	simm.s32 @p0 $0x1  }
0x13: {  	[smem:$0x3FAD] =	sst s0;
	s0 =	simm.s32 @!p1 $0x0  }
0x14: {  	s2 =	sld [smem:$0x3F91];
	s0 =	simm.s32 @p1 $0x1  }
0x15: {  	[smem:$0x3FAE] =	sst s0;
	s0 =	simm.s32 @!p2 $0x0  }
0x16: {  	s3 =	sld [smem:$0x3FDB];
	s0 =	simm.s32 @p2 $0x1  }
0x17: {  	s4 =	simm.s32 $0x1BF5;
	[smem:$0x3FB0] =	sst s0  }
0x18: {  	s0 =	sld [smem:$0x3F93];
	_ =	swait.ge [sflag:s4], $0x0  }
0x19: {  	s7 =	sld [smem:$0x3F94]  }
0x1a: {  	s8 =	sadd.s32 $0xFFFFE003, lr  }
0x1b: {  	s9 =	sadd.s32 $0xFFFFFEF7, lr;
	s5 =	simm.s32 $0xFFFFFFFF;
	p2 =	slt.u32 s8, $0xFFFFF086  }
0x1c: {  	p1 =	slt.u32 s9, $0xF7A;
	s5 =	simm.s32 @!p2 $0x0  }
0x1d: {  	s5 =	simm.s32 @p1 $0x1;
	p0 =	seq.s32 s7, s2  }
0x1e: {  	s7 =	smul.u32 @!p0 $0xF7A, s2;
	p2 =	seq.s32 @!p0 s5, $0x0  }
0x1f: {  	s9 =	smul.u32 $0xF7A, s1;
	s8 =	simm.s32 @!p0 $0x1BF5;
	p2 =	por !p2, p0  }
0x20: {  	[sflag:s8] =	ssyncset.s32 @!p0 $0xFFFFF086;
	s6 =	sadd.s32 @!p0 s3, s7;
	s7 =	simm.s32 @!p0 $0x108  }
0x21: {  	s3 =	sadd.s32 s3, s9;
	s6 =	sadd.s32 @!p0 $0x88, s6;
	s7 =	simm.s32 @p2 $0x1082  }
0x22: {  	[simem:s7], [sflag:s8] =	dma.local @!p0 [hbm:s6], $0xF7A  }
0x23: {  	s9 =	sor.u32 $0xD0000000, s2;
	s6 =	simm.s32 $0x108;
	_ =	swait.ge @!p0 [sflag:s8], $0x0  }
0x24: {  	s3 =	sadd.s32 $0x88, s3;
	s6 =	simm.s32 @!p1 $0x1082;
	[sflag:s4] =	ssyncset.s32 $0xFFFFF086  }
0x25: {  	[simem:s6], [sflag:s4] =	dma.local [hbm:s3], $0xF7A  }
0x26: {  	[smem:$0x3F94] =	sst s1;
	(tag) =	ssettag s2;
	_ =	strace s9  }
0x27: {  	s1 =	sld [smem:$0x3FA4]  }
0x28: {  	s2 =	sld [smem:$0x3FA5]  }
0x29: {  	s4 =	sld [smem:$0x3FA7]  }
0x2a: {  	p0 =	seq.s32 s5, $0x0;
	s5 =	sld [smem:$0x3FA8]  }
0x2b: {  	s6 =	sld [smem:$0x3FA9]  }
0x2c: {  	s7 =	sld [smem:$0x3FAA]  }
0x2d: {  	s3 =	simm.s32 $0x108;
	s8 =	sld [smem:$0x3FAB]  }
0x2e: {  	s3 =	simm.s32 @!p0 $0x1082;
	s9 =	sld [smem:$0x3FAC]  }
0x2f: {  	lr =	sadd.s32 s0, s3;
	s0 =	sld [smem:$0x3FA3]  }
0x30: {  	s3 =	sld [smem:$0x3FA6]  }
0x31: {  	[smem:$0x3FAF] =	sst s10  }
0x32: {  	s10 =	sld [smem:$0x3FAD];
	_ =	sdelay $0x3  }
0x33: {  	p0 =	seq.s32 s10, $0x1;
	s10 =	sld [smem:$0x3FAF];
	_ =	sdelay $0x3  }
0x34: {  	[smem:$0x3FAF] =	sst s10  }
0x35: {  	s10 =	sld [smem:$0x3FAE];
	_ =	sdelay $0x3  }
0x36: {  	p1 =	seq.s32 s10, $0x1;
	s10 =	sld [smem:$0x3FAF];
	_ =	sdelay $0x3  }
0x37: {  	[smem:$0x3FAF] =	sst s10  }
0x38: {  	s10 =	sld [smem:$0x3FB0]  }
0x39: {  	_ = 	snop;
	(pc) =	sbr.ind lr, $3  }
0x3a: {  	_ = 	snop  }
0x3b: {  	_ = 	snop  }
0x3c: {  	p2 =	seq.s32 s10, $0x1;
	s10 =	sld [smem:$0x3FAF]  }
0x3d: {  	_ =	shalt  }
0x3e: {  	_ =	shalt  }
0x3f: {  	_ =	shalt  }
0x40: {  	_ =	shalt  }
0x41: {  	_ =	shalt  }
0x42: {  	_ =	shalt  }
0x43: {  	_ =	shalt  }
0x44: {  	_ =	shalt  }
0x45: {  	_ =	shalt  }
0x46: {  	_ =	shalt  }
0x47: {  	_ =	shalt  }
0x48: {  	_ =	shalt  }
0x49: {  	_ =	shalt  }
0x4a: {  	_ =	shalt  }
0x4b: {  	_ =	shalt  }
0x4c: {  	_ =	shalt  }
0x4d: {  	_ =	shalt  }
0x4e: {  	_ =	shalt  }
0x4f: {  	_ =	shalt  }
0x50: {  	_ =	shalt  }
0x51: {  	_ =	shalt  }
0x52: {  	_ =	shalt  }
0x53: {  	_ =	shalt  }
0x54: {  	_ =	shalt  }
0x55: {  	_ =	shalt  }
0x56: {  	_ =	shalt  }
0x57: {  	_ =	shalt  }
0x58: {  	_ =	shalt  }
0x59: {  	_ =	shalt  }
0x5a: {  	_ =	shalt  }
0x5b: {  	_ =	shalt  }
0x5c: {  	_ =	shalt  }
0x5d: {  	_ =	shalt  }
0x5e: {  	_ =	shalt  }
0x5f: {  	_ =	shalt  }
0x60: {  	_ =	shalt  }
0x61: {  	_ =	shalt  }
0x62: {  	_ =	shalt  }
0x63: {  	_ =	shalt  }
0x64: {  	_ =	shalt  }
0x65: {  	_ =	shalt  }
0x66: {  	_ =	shalt  }
0x67: {  	_ =	shalt  }
0x68: {  	_ =	shalt  }
0x69: {  	_ =	shalt  }
0x6a: {  	_ =	shalt  }
0x6b: {  	_ =	shalt  }
0x6c: {  	_ =	shalt  }
0x6d: {  	_ =	shalt  }
0x6e: {  	_ =	shalt  }
0x6f: {  	_ =	shalt  }
0x70: {  	_ =	shalt  }
0x71: {  	_ =	shalt  }
0x72: {  	_ =	shalt  }
0x73: {  	_ =	shalt  }
0x74: {  	_ =	shalt  }
0x75: {  	_ =	shalt  }
0x76: {  	_ =	shalt  }
0x77: {  	_ =	shalt  }
0x78: {  	_ =	shalt  }
0x79: {  	_ =	shalt  }
0x7a: {  	_ =	shalt  }
0x7b: {  	_ =	shalt  }
0x7c: {  	_ =	shalt  }
0x7d: {  	_ =	shalt  }
0x7e: {  	_ =	shalt  }
0x7f: {  	_ =	shalt  }
0x80: {  	_ =	shalt  }
0x81: {  	_ =	shalt  }
0x82: {  	_ =	shalt  }
0x83: {  	_ =	shalt  }
0x84: {  	_ =	shalt  }
0x85: {  	_ =	shalt  }
0x86: {  	_ =	shalt  }
0x87: {  	_ =	shalt  }
.Lfunc_end0:
.L_simem_size_0:
called_computation.3_lowered:
.L_overlay_start_0:
0x88: {  	s2 =	sld [smem:$0x3FD9]  }
0x89: {  	s3 =	sld [smem:$0x3FFE];
	_ =	sdelay $0x1  }
0x8a: {  	s1 =	srdreg.scid  }
0x8b: {  	s0 =	sand.u32 $0x1, s1  }
0x8c: {  	s14 =	sshll.u32 s0, $0xA;
	s2 =	sadd.s32 s3, s2  }
0x8d: {  	s2 =	sadd.s32 s2, s14  }
0x8e: {  	[smem:$0x3FBB] =	sst s2  }
0x8f: {  	_ = 	snop  }
0x90: {  	s2 =	sld [smem:$0x3FD0];
	_ =	sdelay $0x2  }
0x91: {  	s15 =	simm.s32 $0xA;
	s4 =	simm.s32 $0x10  }
0x92: {  	[smem:s4], [sflag:s15] =	dma.local [hbm:s2], $0x1  }
0x93: {  	_ =	swait.eq [sflag:s15], $0x1  }
0x94: {  	[sflag:s15] =	ssyncset.done $0x0  }
0x95: {  	[sflag:s15] =	ssyncadd.s32 $0xFFFFFFFF  }
0x96: {  	s16 =	sld [smem:$0x12];
	(tm) =	ssettm $0x1  }
0x97: {  	s17 =	sld [smem:$0x3FFB];
	_ =	sdelay $0x3  }
0x98: {  	_ =	strace s17  }
0x99: {  	s3 =	sld [smem:$0x3FFC];
	_ =	sdelay $0x3  }
0x9a: {  	_ =	strace s3  }
0x9b: {  	s3 =	sld [smem:$0x3FFD];
	_ =	sdelay $0x3  }
0x9c: {  	_ =	strace s3  }
0x9d: {  	_ =	strace $0x8FFFFFFF  }
0x9e: {  	s18 =	sld [smem:$0x3FDB];
	_ =	sdelay $0x1  }
0x9f: {  	s19 =	simm.s32 $_scs_section_size  }
0xa0: {  	s5 =	simm.s32 $_size__tile_overlayer_lowered;
	s6 =	simm.s32 $_tile_overlayer_lowered  }
0xa1: {  	s22 =	simm.s32 $0x1BFF;
	s21 =	sshll.u32 s6, $0x1;
	s3 =	sadd.s32 s19, s18  }
0xa2: {  	s7 =	simm.s32 $0x0;
	s20 =	sshll.u32 s5, $0x1;
	s5 =	sadd.s32 s21, s3  }
0xa3: {  	[timem:s7], [sflag:s22] =	dma.local [hbm:s5], s20  }
0xa4: {  	_ =	swait.ge [sflag:s22], s20  }
0xa5: {  	s4 =	ssub.s32 $0x0, s20;
	[sflag:s22] =	ssyncset.done $0x0  }
0xa6: {  	[sflag:s22] =	ssyncadd.s32 s4;
	_ =	sdelay $0x1  }
0xa7: {  	s23 =	simm.s32 $0x1B8B  }
0xa8: {  	_ =	swait.ge [sflag:s23], $0x1  }
0xa9: {  	[sflag:s23] =	ssyncset.done $0x0  }
0xaa: {  	s25 =	simm.s32 $0x1B8E;
	s24 =	sld [smem:$0x3FFE];
	[sflag:s23] =	ssyncadd.s32 $0xFFFFFFFF  }
0xab: {  	s26 =	simm.s32 $execute0_lowered;
	[smem:$0x3FD2] =	sst s25  }
0xac: {  	s5 =	sshll.u32 s26, $0x1;
	_ =	strace $0x8000004F;
	[dreg:$0x1] =	wrdreg $0xFFFFFFFF  }
0xad: {  	s28 =	simm.s32 $_size_execute0_lowered;
	s3 =	sadd.s32 s3, s5;
	[dreg:$0x0] =	wrdreg $0x0  }
0xae: {  	s5 =	sshll.u32 s28, $0x1;
	[dreg:$0x2] =	wrdreg s3  }
0xaf: {  	[dreg:$0x3] =	wrdreg s5  }
0xb0: {  	[dreg:$0x4] =	wrdreg $0xC0  }
0xb1: {  	_ =	task [dreg:s7], $0x5FFFF  }
0xb2: {  	[dreg:$0x1] =	wrdreg $0xFFFFFFFF  }
0xb3: {  	[dreg:$0x0] =	wrdreg $0x60  }
0xb4: {  	[dreg:$0x2] =	wrdreg s16  }
0xb5: {  	[dreg:$0x3] =	wrdreg s24  }
0xb6: {  	[dreg:$0x4] =	wrdreg $0x0  }
0xb7: {  	[dreg:$0x5] =	wrdreg $0x9  }
0xb8: {  	_ =	task.clear_ibuf [dreg:s7], $0x6FFFF;
	_ =	strace $0x9000004F  }
0xb9: {  	s29 =	simm.s32 $0x9;
	_ =	strace $0x80000051  }
0xba: {  	_ =	swait.ge [sflag:s29], $0x1  }
0xbb: {  	[sflag:s29] =	ssyncadd.s32 $0xFFFFFFFF  }
0xbc: {  	_ =	strace $0x90000051  }
0xbd: {  	_ =	sfence  }
0xbe: {  	s30 =	sld [smem:$0x0];
	_ =	sdelay $0x2  }
0xbf: {  	s31 =	sshll.u32 s1, $0xD;
	s1 =	sshrl.u32 s1, $0x2  }
0xc0: {  	s3 =	sand.u32 $0x4000, s31;
	s1 =	sadd.s32 s1, s30  }
0xc1: {  	s0 =	sor.u32 s3, s0;
	s1 =	sshll.u32 s1, $0x11  }
0xc2: {  	s0 =	sor.u32 s1, s0  }
0xc3: {  	s0 =	sadd.s32 $0x8F2B, s0  }
0xc4: {  	[sflag:s0] =	ssyncadd.remote.s32 $0x1  }
0xc5: {  	_ =	sfence.sel $0xFFFF  }
0xc6: {  	[dreg:$0x0] =	wrdreg $0xFFFFFFFF;
	(pc) =	sbr.abs _section_cstart, $3  }
0xc7: {  	[dreg:$0x1] =	wrdreg $0xFFFFFFFF  }
0xc8: {  	_ =	task.clear_ibuf [dreg:s7], $0x2FFFF;
	_ =	strace $0x9FFFFFFF  }
0xc9: {  	(tm) =	ssettm $0x7FFFFFFF  }
tec
execute0_lowered:
.L_overlay_start_1:
0x0: {  	(tag) =	ssettag $0x1  }
0x1: {  	s1 =	rddreg [dreg:$0x0]  }
0x2: {  	s6 =	rddreg [dreg:$0x1]  }
0x3: {  	s0 =	srdreg.scid;
	s3 =	rddreg [dreg:$0x2]  }
0x4: {  	s4 =	simm.s32 $0x0;
	s14 =	simm.s32 $0x7700;
	s15 =	simm.s32 $0x80  }
0x5: {  	s16 =	simm.s32 $0x9F00;
	s17 =	simm.s32 $0x4F80;
	s18 =	simm.s32 $0xA700  }
0x6: {  	s19 =	simm.s32 $0x1;
	s20 =	simm.s32 $0xAF00;
	s21 =	simm.s32 $0x2  }
0x7: {  	s22 =	simm.s32 $0xBF00;
	s5 =	sand.u32 $0x1, s0;
	s0 =	stileid.u32  }
0x8: {  	s23 =	simm.s32 $0x0;
	[smem:$0x7FF] =	sst s4;
	s8 =	smul.u32 $0x4F00, s0  }
0x9: {  	s2 =	sshll.u32 s5, $0x4;
	s9 =	smul.u32 $0x4F000, s5;
	s5 =	ssub.s32 $0x2, s5  }
0xa: {  	s31 =	sshll.u32 s0, $0x6;
	s2 =	sor.u32 s0, s2;
	s11 =	sshrl.u32 s5, $0x1  }
0xb: {  	s7 =	smul.u32 $0x500, s2;
	s2 =	rddreg [dreg:$0x3];
	_ =	strace $0x80000050  }
0xc: {  	s29 =	sadd.s32 s8, s9;
	s30 =	sshrl.u32 s8, $0x3;
	s11 =	ssub.s32 s5, s11  }
.Ltmp0:
0xd: {  	s13 =	sadd.s32 s8, s3;
	s9 =	sadd.s32 s30, s6;
	(pc) =	sbr.rel .LBB2_1-.Ltmp0, $4  }
0xe: {  	s10 =	sadd.s32 s7, s6;
	s7 =	sshrl.u32 s29, $0x3;
	s5 =	sadd.s32 $0x18E00, s9  }
0xf: {  	s12 =	sadd.s32 s7, s6;
	s6 =	sor.u32 $0x1C03, s31;
	s7 =	sadd.s32 $0xEA00, s10  }
0x10: {  	s8 =	sadd.s32 $0x4A00, s10;
	s10 =	smax.u32 s11, $0x1;
	s11 =	sshrl.u32 s13, $0x3  }
0x11: {  	s13 =	simm.s32 $0x4F00;
	s9 =	sadd.s32 $0x22C00, s12;
	s12 =	simm.s32 $0x3  }
.LBB2_8:
0x12: {  	s23 =	sadd.s32 $0x1, s23  }
0x13: {  	p0 =	sne.s32 s23, s10  }
.Ltmp1:
0x14: {  	[bflag:$0x0] =	sbarrier.arrive $0xFFFF;
	(pc) =	sbr.rel @!p0 .LBB2_9-.Ltmp1, $4  }
0x15: {  	[hbm:s9], [sflag:s6] =	dma.local [spmem:s11], $0x9E0  }
0x16: {  	_ =	swait.ge [sflag:s12], $0x9E0  }
0x17: {  	[sflag:s12] =	ssyncset.done $0x0  }
0x18: {  	[sflag:s12] =	ssyncadd.s32 $0xFFFFF620  }
.LBB2_1:
0x19: {  	[spmem:s11], [sflag:s6] =	dma.local [hbm:s5], $0x9E0  }
0x1a: {  	_ =	swait.ge [sflag:s12], $0x9E0  }
0x1b: {  	[sflag:s12] =	ssyncset.done $0x0  }
0x1c: {  	[sflag:s12] =	ssyncadd.s32 $0xFFFFF620  }
0x1d: {  	[tilespmem:s13], [sflag:$0x3] =	stream.linear.gather [hbm4b:s7+s4], $0x2800, $0x38;
	[tilespmem:$0xCF00] =	vst v63  }
0x1e: {  	_ =	swait.ge [sflag:s12], $0x2800  }
0x1f: {  	[sflag:s12] =	ssyncset.done $0x0  }
0x20: {  	[sflag:s12] =	ssyncadd.s32 $0xFFFFD800  }
0x21: {  	[tilespmem:s14], [sflag:$0x3] =	stream.linear.gather [hbm4b:s8+s4], $0x2800, $0x38;
	[tilespmem:$0xCF00] =	vst v63  }
0x22: {  	_ =	swait.ge [sflag:s12], $0x2800  }
0x23: {  	[sflag:s12] =	ssyncset.done $0x0  }
0x24: {  	[sflag:s12] =	ssyncadd.s32 $0xFFFFD800  }
0x25: {  	[bflag:$0x0] =	sbarrier.arrive $0xFFFF  }
0x26: {  	[tilespmem:s16], [sflag:$0x1] =	stream.indirect.gather [hbm4b:s1+s15], $0x10, s13, s15, $0xb8;
	[tilespmem:$0xCF00] =	vst v63  }
0x27: {  	s24 =	simm.s32 $0x0  }
0x28: {  	[tilespmem:s18], [sflag:$0x2] =	stream.indirect.gather [hbm4b:s1+s15], $0x10, s17, s15, $0xb8;
	[tilespmem:$0xCF00] =	vst v63  }
.LBB2_2:
0x29: {  	_ =	swait.ge [sflag:s19], $0x800  }
0x2a: {  	[sflag:s19] =	ssyncset.done $0x0  }
0x2b: {  	s25 =	simm.s32 $0x9F40;
	[sflag:s19] =	ssyncadd.s32 $0xFFFFF800  }
0x2c: {  	v0 =	vld [tilespmem:s25+$0xFFFFFFC0];
	_ =	sdelay $0x4  }
0x2d: {  	s26 =	simm.s32 $0xAF80;
	v1 =	vshll.u32 v0, $0x10  }
0x2e: {  	v0 =	vand.u32 $0xFFFF0000, v0;
	[tilespmem:s26+$0xFFFFFF80] =	vst v1  }
0x2f: {  	[tilespmem:s26+$0xFFFFFF90] =	vst v0  }
0x30: {  	v0 =	vld [tilespmem:s25+$0xFFFFFFD0];
	_ =	sdelay $0x4  }
0x31: {  	v1 =	vshll.u32 v0, $0x10  }
0x32: {  	v0 =	vand.u32 $0xFFFF0000, v0;
	[tilespmem:s26+$0xFFFFFFA0] =	vst v1  }
0x33: {  	[tilespmem:s26+$0xFFFFFFB0] =	vst v0  }
0x34: {  	v0 =	vld [tilespmem:s25+$0xFFFFFFE0];
	_ =	sdelay $0x4  }
0x35: {  	v1 =	vshll.u32 v0, $0x10  }
0x36: {  	v0 =	vand.u32 $0xFFFF0000, v0;
	[tilespmem:s26+$0xFFFFFFC0] =	vst v1  }
0x37: {  	[tilespmem:s26+$0xFFFFFFD0] =	vst v0  }
0x38: {  	v0 =	vld [tilespmem:s25+$0xFFFFFFF0];
	_ =	sdelay $0x4  }
0x39: {  	v1 =	vshll.u32 v0, $0x10  }
0x3a: {  	v0 =	vand.u32 $0xFFFF0000, v0;
	[tilespmem:s26+$0xFFFFFFE0] =	vst v1  }
0x3b: {  	[tilespmem:s26+$0xFFFFFFF0] =	vst v0  }
0x3c: {  	v0 =	vld [tilespmem:s25+$0x0];
	_ =	sdelay $0x4  }
0x3d: {  	v1 =	vshll.u32 v0, $0x10  }
0x3e: {  	v0 =	vand.u32 $0xFFFF0000, v0;
	[tilespmem:s26+$0x0] =	vst v1  }
0x3f: {  	[tilespmem:s26+$0x10] =	vst v0  }
0x40: {  	v0 =	vld [tilespmem:s25+$0x10];
	_ =	sdelay $0x4  }
0x41: {  	v1 =	vshll.u32 v0, $0x10  }
0x42: {  	v0 =	vand.u32 $0xFFFF0000, v0;
	[tilespmem:s26+$0x20] =	vst v1  }
0x43: {  	[tilespmem:s26+$0x30] =	vst v0  }
0x44: {  	v0 =	vld [tilespmem:s25+$0x20];
	_ =	sdelay $0x4  }
0x45: {  	v1 =	vshll.u32 v0, $0x10  }
0x46: {  	s28 =	simm.s32 $0x0;
	s30 =	simm.s32 $0xAF80;
	s29 =	simm.s32 $0x9F40;
	v0 =	vand.u32 $0xFFFF0000, v0;
	[tilespmem:s26+$0x40] =	vst v1  }
.LBB2_3:
0x47: {  	s28 =	sadd.s32 $0x8, s28;
	[tilespmem:s26+$0x50] =	vst v0;
	s30 =	sadd.s32 $0x100, s30;
	s25 =	sadd.s32 $0x80, s25  }
0x48: {  	p0 =	slt.u32 s28, $0x78;
	v0 =	vld [tilespmem:s29+$0x30];
	s29 =	smov.u32 s25;
	_ =	sdelay $0x4  }
0x49: {  	v1 =	vshll.u32 v0, $0x10;
	v0 =	vand.u32 $0xFFFF0000, v0  }
0x4a: {  	[tilespmem:s26+$0x60] =	vst v1  }
0x4b: {  	[tilespmem:s26+$0x70] =	vst v0;
	s26 =	smov.u32 s30  }
0x4c: {  	v0 =	vld [tilespmem:s25+$0xFFFFFFC0];
	_ =	sdelay $0x4  }
0x4d: {  	v1 =	vshll.u32 v0, $0x10;
	v0 =	vand.u32 $0xFFFF0000, v0  }
0x4e: {  	[tilespmem:s30+$0xFFFFFF80] =	vst v1  }
0x4f: {  	[tilespmem:s30+$0xFFFFFF90] =	vst v0  }
0x50: {  	v0 =	vld [tilespmem:s25+$0xFFFFFFD0];
	_ =	sdelay $0x4  }
0x51: {  	v1 =	vshll.u32 v0, $0x10;
	v0 =	vand.u32 $0xFFFF0000, v0  }
0x52: {  	[tilespmem:s30+$0xFFFFFFA0] =	vst v1  }
0x53: {  	[tilespmem:s30+$0xFFFFFFB0] =	vst v0  }
0x54: {  	v0 =	vld [tilespmem:s25+$0xFFFFFFE0];
	_ =	sdelay $0x4  }
0x55: {  	v1 =	vshll.u32 v0, $0x10;
	v0 =	vand.u32 $0xFFFF0000, v0  }
0x56: {  	[tilespmem:s30+$0xFFFFFFC0] =	vst v1  }
0x57: {  	[tilespmem:s30+$0xFFFFFFD0] =	vst v0  }
0x58: {  	v0 =	vld [tilespmem:s25+$0xFFFFFFF0];
	_ =	sdelay $0x4  }
0x59: {  	v1 =	vshll.u32 v0, $0x10;
	v0 =	vand.u32 $0xFFFF0000, v0  }
0x5a: {  	[tilespmem:s30+$0xFFFFFFE0] =	vst v1  }
0x5b: {  	[tilespmem:s30+$0xFFFFFFF0] =	vst v0  }
0x5c: {  	v0 =	vld [tilespmem:s25+$0x0];
	_ =	sdelay $0x4  }
0x5d: {  	v1 =	vshll.u32 v0, $0x10;
	v0 =	vand.u32 $0xFFFF0000, v0  }
0x5e: {  	[tilespmem:s30+$0x0] =	vst v1  }
0x5f: {  	[tilespmem:s30+$0x10] =	vst v0  }
0x60: {  	v0 =	vld [tilespmem:s25+$0x10];
	_ =	sdelay $0x4  }
0x61: {  	v1 =	vshll.u32 v0, $0x10;
	v0 =	vand.u32 $0xFFFF0000, v0  }
0x62: {  	[tilespmem:s30+$0x20] =	vst v1  }
0x63: {  	[tilespmem:s30+$0x30] =	vst v0  }
0x64: {  	v0 =	vld [tilespmem:s25+$0x20];
	_ =	sdelay $0x1  }
.Ltmp2:
0x65: {  	(pc) =	sbr.rel @p0 .LBB2_3-.Ltmp2, $3  }
0x66: {  	_ =	sdelay $0x1  }
0x67: {  	v1 =	vshll.u32 v0, $0x10;
	v0 =	vand.u32 $0xFFFF0000, v0  }
0x68: {  	[tilespmem:s30+$0x40] =	vst v1  }
0x69: {  	[tilespmem:s26+$0x50] =	vst v0  }
0x6a: {  	v0 =	vld [tilespmem:s29+$0x30];
	_ =	sdelay $0x4  }
0x6b: {  	s28 =	sshll.u32 s24, $0xA;
	v1 =	vshll.u32 v0, $0x10  }
0x6c: {  	s25 =	sshrl.u32 s28, $0x2;
	v0 =	vand.u32 $0xFFFF0000, v0;
	[tilespmem:s26+$0x60] =	vst v1  }
0x6d: {  	[tilespmem:s26+$0x70] =	vst v0;
	s26 =	sadd.s32 $0x7700, s25  }
0x6e: {  	[spmem:s3] =	stream.indirect.scatter.add.f32 [tilespmem:s20], [sflag:$0x3], $0x20, s26, s15, $0xb8;
	[tilespmem:$0xCF00] =	vst v63  }
0x6f: {  	p0 =	seq.s32 s24, $0x27;
	_ =	swait.ge [sflag:s12], $0x1000  }
0x70: {  	s29 =	simm.s32 @!p0 $0x9F00;
	s26 =	sshrl.u32 @!p0 s28, $0x2;
	[sflag:s12] =	ssyncset.done $0x0  }
0x71: {  	s28 =	simm.s32 @!p0 $0x80;
	s26 =	sadd.s32 @!p0 $0x5000, s26;
	[sflag:s12] =	ssyncadd.s32 $0xFFFFF000  }
0x72: {  	[tilespmem:s29], [sflag:$0x1] =	stream.indirect.gather @!p0 [hbm4b:s1+s28], $0x10, s26, s28, $0xb8;
	[tilespmem:$0xCF00] =	vst v63  }
0x73: {  	_ =	swait.ge [sflag:s21], $0x800  }
0x74: {  	[sflag:s21] =	ssyncset.done $0x0  }
0x75: {  	s28 =	simm.s32 $0xA740;
	[sflag:s21] =	ssyncadd.s32 $0xFFFFF800  }
0x76: {  	v0 =	vld [tilespmem:s28+$0xFFFFFFC0];
	_ =	sdelay $0x4  }
0x77: {  	s26 =	simm.s32 $0xBF80;
	v1 =	vshll.u32 v0, $0x10  }
0x78: {  	v0 =	vand.u32 $0xFFFF0000, v0;
	[tilespmem:s26+$0xFFFFFF80] =	vst v1  }
0x79: {  	[tilespmem:s26+$0xFFFFFF90] =	vst v0  }
0x7a: {  	v0 =	vld [tilespmem:s28+$0xFFFFFFD0];
	_ =	sdelay $0x4  }
0x7b: {  	v1 =	vshll.u32 v0, $0x10  }
0x7c: {  	v0 =	vand.u32 $0xFFFF0000, v0;
	[tilespmem:s26+$0xFFFFFFA0] =	vst v1  }
0x7d: {  	[tilespmem:s26+$0xFFFFFFB0] =	vst v0  }
0x7e: {  	v0 =	vld [tilespmem:s28+$0xFFFFFFE0];
	_ =	sdelay $0x4  }
0x7f: {  	v1 =	vshll.u32 v0, $0x10  }
0x80: {  	v0 =	vand.u32 $0xFFFF0000, v0;
	[tilespmem:s26+$0xFFFFFFC0] =	vst v1  }
0x81: {  	[tilespmem:s26+$0xFFFFFFD0] =	vst v0  }
0x82: {  	v0 =	vld [tilespmem:s28+$0xFFFFFFF0];
	_ =	sdelay $0x4  }
0x83: {  	v1 =	vshll.u32 v0, $0x10  }
0x84: {  	v0 =	vand.u32 $0xFFFF0000, v0;
	[tilespmem:s26+$0xFFFFFFE0] =	vst v1  }
0x85: {  	[tilespmem:s26+$0xFFFFFFF0] =	vst v0  }
0x86: {  	v0 =	vld [tilespmem:s28+$0x0];
	_ =	sdelay $0x4  }
0x87: {  	v1 =	vshll.u32 v0, $0x10  }
0x88: {  	v0 =	vand.u32 $0xFFFF0000, v0;
	[tilespmem:s26+$0x0] =	vst v1  }
0x89: {  	[tilespmem:s26+$0x10] =	vst v0  }
0x8a: {  	v0 =	vld [tilespmem:s28+$0x10];
	_ =	sdelay $0x4  }
0x8b: {  	v1 =	vshll.u32 v0, $0x10  }
0x8c: {  	v0 =	vand.u32 $0xFFFF0000, v0;
	[tilespmem:s26+$0x20] =	vst v1  }
0x8d: {  	[tilespmem:s26+$0x30] =	vst v0  }
0x8e: {  	v0 =	vld [tilespmem:s28+$0x20];
	_ =	sdelay $0x4  }
0x8f: {  	v1 =	vshll.u32 v0, $0x10  }
0x90: {  	s31 =	simm.s32 $0xBF80;
	s30 =	simm.s32 $0xA740;
	s29 =	simm.s32 $0x0;
	v0 =	vand.u32 $0xFFFF0000, v0;
	[tilespmem:s26+$0x40] =	vst v1  }
.LBB2_5:
0x91: {  	s29 =	sadd.s32 $0x8, s29;
	[tilespmem:s26+$0x50] =	vst v0;
	s31 =	sadd.s32 $0x100, s31;
	s28 =	sadd.s32 $0x80, s28  }
0x92: {  	p1 =	slt.u32 s29, $0x78;
	v0 =	vld [tilespmem:s30+$0x30];
	s30 =	smov.u32 s28;
	_ =	sdelay $0x4  }
0x93: {  	v1 =	vshll.u32 v0, $0x10;
	v0 =	vand.u32 $0xFFFF0000, v0  }
0x94: {  	[tilespmem:s26+$0x60] =	vst v1  }
0x95: {  	[tilespmem:s26+$0x70] =	vst v0;
	s26 =	smov.u32 s31  }
0x96: {  	v0 =	vld [tilespmem:s28+$0xFFFFFFC0];
	_ =	sdelay $0x4  }
0x97: {  	v1 =	vshll.u32 v0, $0x10;
	v0 =	vand.u32 $0xFFFF0000, v0  }
0x98: {  	[tilespmem:s31+$0xFFFFFF80] =	vst v1  }
0x99: {  	[tilespmem:s31+$0xFFFFFF90] =	vst v0  }
0x9a: {  	v0 =	vld [tilespmem:s28+$0xFFFFFFD0];
	_ =	sdelay $0x4  }
0x9b: {  	v1 =	vshll.u32 v0, $0x10;
	v0 =	vand.u32 $0xFFFF0000, v0  }
0x9c: {  	[tilespmem:s31+$0xFFFFFFA0] =	vst v1  }
0x9d: {  	[tilespmem:s31+$0xFFFFFFB0] =	vst v0  }
0x9e: {  	v0 =	vld [tilespmem:s28+$0xFFFFFFE0];
	_ =	sdelay $0x4  }
0x9f: {  	v1 =	vshll.u32 v0, $0x10;
	v0 =	vand.u32 $0xFFFF0000, v0  }
0xa0: {  	[tilespmem:s31+$0xFFFFFFC0] =	vst v1  }
0xa1: {  	[tilespmem:s31+$0xFFFFFFD0] =	vst v0  }
0xa2: {  	v0 =	vld [tilespmem:s28+$0xFFFFFFF0];
	_ =	sdelay $0x4  }
0xa3: {  	v1 =	vshll.u32 v0, $0x10;
	v0 =	vand.u32 $0xFFFF0000, v0  }
0xa4: {  	[tilespmem:s31+$0xFFFFFFE0] =	vst v1  }
0xa5: {  	[tilespmem:s31+$0xFFFFFFF0] =	vst v0  }
0xa6: {  	v0 =	vld [tilespmem:s28+$0x0];
	_ =	sdelay $0x4  }
0xa7: {  	v1 =	vshll.u32 v0, $0x10;
	v0 =	vand.u32 $0xFFFF0000, v0  }
0xa8: {  	[tilespmem:s31+$0x0] =	vst v1  }
0xa9: {  	[tilespmem:s31+$0x10] =	vst v0  }
0xaa: {  	v0 =	vld [tilespmem:s28+$0x10];
	_ =	sdelay $0x4  }
0xab: {  	v1 =	vshll.u32 v0, $0x10;
	v0 =	vand.u32 $0xFFFF0000, v0  }
0xac: {  	[tilespmem:s31+$0x20] =	vst v1  }
0xad: {  	[tilespmem:s31+$0x30] =	vst v0  }
0xae: {  	v0 =	vld [tilespmem:s28+$0x20];
	_ =	sdelay $0x1  }
.Ltmp3:
0xaf: {  	(pc) =	sbr.rel @p1 .LBB2_5-.Ltmp3, $3  }
0xb0: {  	_ =	sdelay $0x1  }
0xb1: {  	v1 =	vshll.u32 v0, $0x10;
	v0 =	vand.u32 $0xFFFF0000, v0  }
0xb2: {  	[tilespmem:s31+$0x40] =	vst v1  }
0xb3: {  	[tilespmem:s26+$0x50] =	vst v0  }
0xb4: {  	v0 =	vld [tilespmem:s30+$0x30];
	_ =	sdelay $0x4  }
0xb5: {  	v1 =	vshll.u32 v0, $0x10  }
0xb6: {  	v0 =	vand.u32 $0xFFFF0000, v0;
	[tilespmem:s26+$0x60] =	vst v1  }
.Ltmp4:
0xb7: {  	s31 =	sadd.s32 $0x7780, s25;
	[tilespmem:s26+$0x70] =	vst v0;
	(pc) =	sbr.rel @p0 .LBB2_8-.Ltmp4, $4  }
0xb8: {  	[spmem:s3] =	stream.indirect.scatter.add.f32 [tilespmem:s22], [sflag:$0x3], $0x20, s31, s15, $0xb8;
	[tilespmem:$0xCF00] =	vst v63  }
0xb9: {  	_ =	swait.ge [sflag:s12], $0x1000  }
0xba: {  	[sflag:s12] =	ssyncset.done $0x0  }
0xbb: {  	[sflag:s12] =	ssyncadd.s32 $0xFFFFF000  }
.Ltmp5:
0xbc: {  	(pc) =	sbr.rel .LBB2_2-.Ltmp5, $3  }
0xbd: {  	_ =	sdelay $0x1  }
0xbe: {  	s25 =	sadd.s32 $0x5080, s25;
	s24 =	sadd.s32 $0x1, s24  }
0xbf: {  	[tilespmem:s18], [sflag:$0x2] =	stream.indirect.gather [hbm4b:s1+s15], $0x10, s25, s15, $0xb8;
	[tilespmem:$0xCF00] =	vst v63  }
.LBB2_9:
0xc0: {  	_ =	sfence.sel $0x180000  }
0xc1: {  	[bflag:$0x0] =	sbarrier.arrive $0xFFFF  }
0xc2: {  	p0 =	sne.s32 s0, $0x0;
	_ =	strace $0x90000050  }
0xc3: {  	s0 =	sadd.s32 @!p0 $0x100000, s2;
	[bflag:$0x2] =	sbarrier.arrive $0xFFFF  }
0xc4: {  	[sflag:s0] =	ssyncadd.tile.s32 @!p0 $0x1;
	_ =	shalt  }
.Lfunc_end2:
_tile_overlayer_lowered:
.L_overlay_start_2:
0xc5: {  	(tag) =	ssettag $0x2  }
0xc6: {  	s0 =	rddreg [dreg:$0x0];
	s2 =	stileid.u32  }
0xc7: {  	s1 =	rddreg [dreg:$0x1];
	p0 =	sne.s32 s2, $0x0  }
0xc8: {  	s3 =	rddreg [dreg:$0x2];
	[bflag:$0x3] =	sbarrier.arrive $0xFFFF;
	s2 =	simm.s32 @!p0 $0x1C03  }
0xc9: {  	[timem:s3], [sflag:s2] =	dma.local @!p0 [hbm:s0], s1  }
0xca: {  	s0 =	simm.s32 @!p0 $0x3  }
0xcb: {  	_ =	swait.ge @!p0 [sflag:s0], s1  }
0xcc: {  	s1 =	ssub.s32 @!p0 $0x0, s1;
	[sflag:s0] =	ssyncset.done @!p0 $0x0  }
0xcd: {  	[sflag:s0] =	ssyncadd.s32 @!p0 s1  }
0xce: {  	[bflag:$0x3] =	sbarrier.arrive $0xFFFF  }
0xcf: {  	_ =	shalt  }

</sc_bundles>
